<compile_context>
chip_gen: v7x
topology: tpu7x:2x2x1
jax: 0.10.2.dev20260603
libtpu: 0.0.44.dev20260713+nightly
codegen_flags: <defaults>
</compile_context>

<pallas_src>
import numpy as np
import jax
import jax.numpy as jnp
from jax import lax
from jax.experimental import pallas as pl
from jax.experimental.pallas import tpu as pltpu, tpu_sc as plsc

MAXLEN = 200
DIM = 64
BATCH = 4096
SEQ = 200

NC = 2
NS = 16
NW = NC * NS
LANES = 16

B_PER_W = BATCH // NW
DT = DIM // 8
LINE = 8 * B_PER_W
TPP = LANES + 1


def _sinusoidal_pos_emb(maxlen, d_model):
    position = np.arange(maxlen)[:, np.newaxis]
    i = np.arange(d_model)[np.newaxis, :]
    angles = 1.0 / np.power(10000, 2 * (i // 2) / np.float32(d_model))
    angle_rads = position * angles
    angle_rads[:, 0::2] = np.sin(angle_rads[:, 0::2])
    angle_rads[:, 1::2] = np.cos(angle_rads[:, 1::2])
    return angle_rads.astype(np.float32)


_POS_NP = _sinusoidal_pos_emb(MAXLEN, DIM)


def _sc_body(xflat_hbm, pos_hbm, table_hbm, out_hbm,
             xb_v, xt_v, pos_v, rows0, rows1, blk0, blk1,
             tp,
             gsem0, gsem1, wsem0, wsem1):
    rows = (rows0, rows1)
    blk = (blk0, blk1)
    gsem = (gsem0, gsem1)
    wsem = (wsem0, wsem1)

    w = lax.axis_index("s") * NC + lax.axis_index("c")
    b0 = w * B_PER_W

    pltpu.sync_copy(xflat_hbm.at[pl.ds(b0 * SEQ, B_PER_W * SEQ)], xb_v)
    pltpu.sync_copy(pos_hbm, pos_v)

    iota = lax.iota(jnp.int32, LANES)
    fjs = [iota * TPP + j for j in range(LANES)]

    def xt_body(s, _):
        for bg in range(B_PER_W // LANES):
            idxv = (iota + bg * LANES) * SEQ + s
            xt_v[s, pl.ds(bg * LANES, LANES)] = plsc.load_gather(xb_v, [idxv])
        return 0

    lax.fori_loop(0, SEQ, xt_body, 0)

    pltpu.async_copy(table_hbm.at[xt_v.at[0]], rows[0], gsem[0])

    def pair_body(g, _):
        for par in range(2):
            s = 2 * g + par

            pltpu.make_async_copy(
                table_hbm.at[xt_v.at[s]], rows[par], gsem[par]).wait()

            @pl.when(s + 1 < SEQ)
            def _():
                pltpu.async_copy(table_hbm.at[xt_v.at[s + 1]],
                                 rows[1 - par], gsem[1 - par])

            @pl.when(s >= 2)
            def _():
                pltpu.make_async_copy(
                    blk[par], out_hbm.at[s - 2, :, w, :], wsem[par]).wait()

            NDG = DIM // LANES

            @plsc.parallel_loop(0, (B_PER_W // LANES) * NDG, step=1,
                                unroll=8)
            def _(ib):
                bg = ib // NDG
                dg = lax.rem(ib, NDG)
                pvec = pos_v[s, pl.ds(dg * LANES, LANES)]
                t = tp.at[par, ib]
                for i in range(LANES):
                    t[pl.ds(i * TPP, LANES)] = (
                        rows[par][bg * LANES + i,
                                  pl.ds(dg * LANES, LANES)]
                        + pvec)
                for j in range(LANES):
                    col = plsc.load_gather(t, [fjs[j]])
                    blk[par][dg * 2 + j // 8,
                             pl.ds((j % 8) * B_PER_W + bg * LANES,
                                   LANES)] = col

            pltpu.async_copy(blk[par], out_hbm.at[s, :, w, :], wsem[par])
        return 0

    lax.fori_loop(0, SEQ // 2, pair_body, 0)

    pltpu.make_async_copy(blk[0], out_hbm.at[SEQ - 2, :, w, :],
                          wsem[0]).wait()
    pltpu.make_async_copy(blk[1], out_hbm.at[SEQ - 1, :, w, :],
                          wsem[1]).wait()


@jax.jit
def _embed(x_flat, token_table):
    pos = jnp.asarray(_POS_NP)
    mesh = plsc.VectorSubcoreMesh(core_axis_name="c", subcore_axis_name="s")
    fn = pl.kernel(
        _sc_body,
        out_type=jax.ShapeDtypeStruct((SEQ, DT, NW, LINE), jnp.float32),
        mesh=mesh,
        scratch_types=[
            pltpu.VMEM((B_PER_W * SEQ,), jnp.int32),
            pltpu.VMEM((SEQ, B_PER_W), jnp.int32),
            pltpu.VMEM((SEQ, DIM), jnp.float32),
            pltpu.VMEM((B_PER_W, DIM), jnp.float32),
            pltpu.VMEM((B_PER_W, DIM), jnp.float32),
            pltpu.VMEM((DT, LINE), jnp.float32),
            pltpu.VMEM((DT, LINE), jnp.float32),
            pltpu.VMEM((2, (B_PER_W // LANES) * (DIM // LANES), LANES * TPP),
                       jnp.float32),
            pltpu.SemaphoreType.DMA,
            pltpu.SemaphoreType.DMA,
            pltpu.SemaphoreType.DMA,
            pltpu.SemaphoreType.DMA,
        ],
        compiler_params=pltpu.CompilerParams(use_tc_tiling_on_sc=False,
                                             needs_layout_passes=False),
    )
    return fn(x_flat, pos, token_table)


def kernel(x, token_table):
    x_flat = x.reshape(-1).astype(jnp.int32)
    out4 = _embed(x_flat, token_table)
    out = out4.reshape(SEQ, DT, NW, 8, B_PER_W)
    out = out.transpose(2, 4, 0, 1, 3)
    return out.reshape(BATCH, SEQ, DIM)

# --- scband reference (transcript-rebuilt; emitter-appended) ---
"""Pipeline reference for scband-sinusoidal-token-and-position-embedding-4492535792100 (READ-ONLY COPY).

The authoritative reference and input builder live on the scoring server;
editing this copy changes nothing except your own understanding.
"""

import jax, jax.numpy as jnp
import numpy as np

MAXLEN = 200
VOCAB = 100000
DIM = 64
BATCH = 4096
SEQ = 200


def sinusoidal_pos_emb(maxlen, d_model):
    position = np.arange(maxlen)[:, np.newaxis]
    i = np.arange(d_model)[np.newaxis, :]
    angles = 1.0 / np.power(10000, 2 * (i // 2) / np.float32(d_model))
    angle_rads = position * angles
    angle_rads[:, 0::2] = np.sin(angle_rads[:, 0::2])
    angle_rads[:, 1::2] = np.cos(angle_rads[:, 1::2])
    pos_encoding = angle_rads[np.newaxis, ...]
    return jnp.asarray(pos_encoding, dtype=jnp.float32)


POS_EMB = sinusoidal_pos_emb(MAXLEN, DIM)


def setup_inputs(seed: int = 0) -> dict:
    key = jax.random.key(seed)
    k1, k2 = jax.random.split(key)
    x = jax.random.randint(k1, (BATCH, SEQ), 0, VOCAB)
    # Keras Embedding default init is uniform(-0.05, 0.05)
    token_table = jax.random.uniform(k2, (VOCAB, DIM), dtype=jnp.float32, minval=-0.05, maxval=0.05)
    return {"x": x, "token_table": token_table}


def reference(x, token_table):
    emb = jnp.take(token_table, x, axis=0)
    positions = POS_EMB[:, : x.shape[1], :]
    return emb + positions

if __name__ == "__main__":
    import jax
    _d = setup_inputs()
    print(jax.jit(kernel)(*tuple(_d.values())))

</pallas_src>

<mosaic_0001>
#map = affine_map<(d0, d1) -> (0)>
#map1 = affine_map<(d0, d1) -> (0, 0)>
#map2 = affine_map<(d0, d1) -> (0, 0, 0, 0)>
module attributes {stable_mosaic.version = 14 : i64} {
  func.func @_sc_body(%arg0: i32, %arg1: i32, %arg2: memref<819200xi32, #tpu.memory_space<hbm>>, %arg3: memref<200x64xf32, #tpu.memory_space<hbm>>, %arg4: memref<100000x64xf32, #tpu.memory_space<hbm>>, %arg5: memref<200x8x32x1024xf32, #tpu.memory_space<hbm>>, %arg6: memref<25600xi32, #tpu.memory_space<vmem>>, %arg7: memref<200x128xi32, #tpu.memory_space<vmem>>, %arg8: memref<200x64xf32, #tpu.memory_space<vmem>>, %arg9: memref<128x64xf32, #tpu.memory_space<vmem>>, %arg10: memref<128x64xf32, #tpu.memory_space<vmem>>, %arg11: memref<8x1024xf32, #tpu.memory_space<vmem>>, %arg12: memref<8x1024xf32, #tpu.memory_space<vmem>>, %arg13: memref<2x32x272xf32, #tpu.memory_space<vmem>>, %arg14: memref<!tpu.dma_semaphore, #tpu.memory_space<semaphore_mem>>, %arg15: memref<!tpu.dma_semaphore, #tpu.memory_space<semaphore_mem>>, %arg16: memref<!tpu.dma_semaphore, #tpu.memory_space<semaphore_mem>>, %arg17: memref<!tpu.dma_semaphore, #tpu.memory_space<semaphore_mem>>) attributes {dimension_semantics = [#tpu.dimension_semantics<core_parallel>, #tpu.dimension_semantics<subcore_parallel>], iteration_bounds = array<i64: 2, 16>, scalar_prefetch = 0 : i64, scratch_operands = 12 : i64, tpu.core_type = #tpu.core_type<sc_vector_subcore>, window_params = [{transform_indices = #map}, {transform_indices = #map1}, {transform_indices = #map1}, {transform_indices = #map2}]} {
    %mul3A = arith.constant 2 : i32
    %mul3A_0 = arith.muli %arg1, %mul3A : i32
    %add3A = arith.addi %mul3A_0, %arg0 : i32
    %mul3A_1 = arith.constant 128 : i32
    %mul3A_2 = arith.muli %add3A, %mul3A_1 : i32
    %mul3A_3 = arith.constant 200 : i32
    %mul3A_4 = arith.muli %mul3A_2, %mul3A_3 : i32
    "tpu.region"() ({
      %run_scoped3A = tpu.sem_alloc : memref<!tpu.dma_semaphore, #tpu.memory_space<semaphore_mem>>
      %dma_start3A_137 = tpu.memref_slice %arg2[%mul3A_4] : memref<819200xi32, #tpu.memory_space<hbm>> -> memref<25600xi32, #tpu.memory_space<hbm>>
      %dma_start3A_138 = tpu.memref_slice %arg2[%mul3A_4] : memref<819200xi32, #tpu.memory_space<hbm>> -> memref<25600xi32, #tpu.memory_space<hbm>>
      tpu.enqueue_dma source(%dma_start3A_138 : memref<25600xi32, #tpu.memory_space<hbm>>) target(%arg6 : memref<25600xi32, #tpu.memory_space<vmem>>) target_semaphore(%run_scoped3A : memref<!tpu.dma_semaphore, #tpu.memory_space<semaphore_mem>>)
      %dma_wait3A_139 = tpu.memref_slice %arg2[%mul3A_4] : memref<819200xi32, #tpu.memory_space<hbm>> -> memref<25600xi32, #tpu.memory_space<hbm>>
      %dma_wait3A_140 = tpu.memref_slice %arg2[%mul3A_4] : memref<819200xi32, #tpu.memory_space<hbm>> -> memref<25600xi32, #tpu.memory_space<hbm>>
      tpu.wait_dma2 semaphore(%run_scoped3A : memref<!tpu.dma_semaphore, #tpu.memory_space<semaphore_mem>>) src(%dma_wait3A_140 : memref<25600xi32, #tpu.memory_space<hbm>>) dst(%arg6 : memref<25600xi32, #tpu.memory_space<vmem>>)
      tpu.yield
    }) : () -> ()
    "tpu.region"() ({
      %run_scoped3A = tpu.sem_alloc : memref<!tpu.dma_semaphore, #tpu.memory_space<semaphore_mem>>
      tpu.enqueue_dma source(%arg3 : memref<200x64xf32, #tpu.memory_space<hbm>>) target(%arg8 : memref<200x64xf32, #tpu.memory_space<vmem>>) target_semaphore(%run_scoped3A : memref<!tpu.dma_semaphore, #tpu.memory_space<semaphore_mem>>)
      tpu.wait_dma2 semaphore(%run_scoped3A : memref<!tpu.dma_semaphore, #tpu.memory_space<semaphore_mem>>) src(%arg3 : memref<200x64xf32, #tpu.memory_space<hbm>>) dst(%arg8 : memref<200x64xf32, #tpu.memory_space<vmem>>)
      tpu.yield
    }) : () -> ()
    %iota3A = tpu.iota {dimensions = array<i32: 0>} : vector<16xi32>
    %mul3A_5 = arith.constant 17 : i32
    %mul3A_6 = vector.broadcast %mul3A_5 : i32 to vector<16xi32>
    %mul3A_7 = arith.muli %iota3A, %mul3A_6 : vector<16xi32>
    %add3A_8 = arith.constant 0 : i32
    %add3A_9 = vector.broadcast %add3A_8 : i32 to vector<16xi32>
    %add3A_10 = arith.addi %mul3A_7, %add3A_9 : vector<16xi32>
    %mul3A_11 = arith.constant 17 : i32
    %mul3A_12 = vector.broadcast %mul3A_11 : i32 to vector<16xi32>
    %mul3A_13 = arith.muli %iota3A, %mul3A_12 : vector<16xi32>
    %add3A_14 = arith.constant 1 : i32
    %add3A_15 = vector.broadcast %add3A_14 : i32 to vector<16xi32>
    %add3A_16 = arith.addi %mul3A_13, %add3A_15 : vector<16xi32>
    %mul3A_17 = arith.constant 17 : i32
    %mul3A_18 = vector.broadcast %mul3A_17 : i32 to vector<16xi32>
    %mul3A_19 = arith.muli %iota3A, %mul3A_18 : vector<16xi32>
    %add3A_20 = arith.constant 2 : i32
    %add3A_21 = vector.broadcast %add3A_20 : i32 to vector<16xi32>
    %add3A_22 = arith.addi %mul3A_19, %add3A_21 : vector<16xi32>
    %mul3A_23 = arith.constant 17 : i32
    %mul3A_24 = vector.broadcast %mul3A_23 : i32 to vector<16xi32>
    %mul3A_25 = arith.muli %iota3A, %mul3A_24 : vector<16xi32>
    %add3A_26 = arith.constant 3 : i32
    %add3A_27 = vector.broadcast %add3A_26 : i32 to vector<16xi32>
    %add3A_28 = arith.addi %mul3A_25, %add3A_27 : vector<16xi32>
    %mul3A_29 = arith.constant 17 : i32
    %mul3A_30 = vector.broadcast %mul3A_29 : i32 to vector<16xi32>
    %mul3A_31 = arith.muli %iota3A, %mul3A_30 : vector<16xi32>
    %add3A_32 = arith.constant 4 : i32
    %add3A_33 = vector.broadcast %add3A_32 : i32 to vector<16xi32>
    %add3A_34 = arith.addi %mul3A_31, %add3A_33 : vector<16xi32>
    %mul3A_35 = arith.constant 17 : i32
    %mul3A_36 = vector.broadcast %mul3A_35 : i32 to vector<16xi32>
    %mul3A_37 = arith.muli %iota3A, %mul3A_36 : vector<16xi32>
    %add3A_38 = arith.constant 5 : i32
    %add3A_39 = vector.broadcast %add3A_38 : i32 to vector<16xi32>
    %add3A_40 = arith.addi %mul3A_37, %add3A_39 : vector<16xi32>
    %mul3A_41 = arith.constant 17 : i32
    %mul3A_42 = vector.broadcast %mul3A_41 : i32 to vector<16xi32>
    %mul3A_43 = arith.muli %iota3A, %mul3A_42 : vector<16xi32>
    %add3A_44 = arith.constant 6 : i32
    %add3A_45 = vector.broadcast %add3A_44 : i32 to vector<16xi32>
    %add3A_46 = arith.addi %mul3A_43, %add3A_45 : vector<16xi32>
    %mul3A_47 = arith.constant 17 : i32
    %mul3A_48 = vector.broadcast %mul3A_47 : i32 to vector<16xi32>
    %mul3A_49 = arith.muli %iota3A, %mul3A_48 : vector<16xi32>
    %add3A_50 = arith.constant 7 : i32
    %add3A_51 = vector.broadcast %add3A_50 : i32 to vector<16xi32>
    %add3A_52 = arith.addi %mul3A_49, %add3A_51 : vector<16xi32>
    %mul3A_53 = arith.constant 17 : i32
    %mul3A_54 = vector.broadcast %mul3A_53 : i32 to vector<16xi32>
    %mul3A_55 = arith.muli %iota3A, %mul3A_54 : vector<16xi32>
    %add3A_56 = arith.constant 8 : i32
    %add3A_57 = vector.broadcast %add3A_56 : i32 to vector<16xi32>
    %add3A_58 = arith.addi %mul3A_55, %add3A_57 : vector<16xi32>
    %mul3A_59 = arith.constant 17 : i32
    %mul3A_60 = vector.broadcast %mul3A_59 : i32 to vector<16xi32>
    %mul3A_61 = arith.muli %iota3A, %mul3A_60 : vector<16xi32>
    %add3A_62 = arith.constant 9 : i32
    %add3A_63 = vector.broadcast %add3A_62 : i32 to vector<16xi32>
    %add3A_64 = arith.addi %mul3A_61, %add3A_63 : vector<16xi32>
    %mul3A_65 = arith.constant 17 : i32
    %mul3A_66 = vector.broadcast %mul3A_65 : i32 to vector<16xi32>
    %mul3A_67 = arith.muli %iota3A, %mul3A_66 : vector<16xi32>
    %add3A_68 = arith.constant 10 : i32
    %add3A_69 = vector.broadcast %add3A_68 : i32 to vector<16xi32>
    %add3A_70 = arith.addi %mul3A_67, %add3A_69 : vector<16xi32>
    %mul3A_71 = arith.constant 17 : i32
    %mul3A_72 = vector.broadcast %mul3A_71 : i32 to vector<16xi32>
    %mul3A_73 = arith.muli %iota3A, %mul3A_72 : vector<16xi32>
    %add3A_74 = arith.constant 11 : i32
    %add3A_75 = vector.broadcast %add3A_74 : i32 to vector<16xi32>
    %add3A_76 = arith.addi %mul3A_73, %add3A_75 : vector<16xi32>
    %mul3A_77 = arith.constant 17 : i32
    %mul3A_78 = vector.broadcast %mul3A_77 : i32 to vector<16xi32>
    %mul3A_79 = arith.muli %iota3A, %mul3A_78 : vector<16xi32>
    %add3A_80 = arith.constant 12 : i32
    %add3A_81 = vector.broadcast %add3A_80 : i32 to vector<16xi32>
    %add3A_82 = arith.addi %mul3A_79, %add3A_81 : vector<16xi32>
    %mul3A_83 = arith.constant 17 : i32
    %mul3A_84 = vector.broadcast %mul3A_83 : i32 to vector<16xi32>
    %mul3A_85 = arith.muli %iota3A, %mul3A_84 : vector<16xi32>
    %add3A_86 = arith.constant 13 : i32
    %add3A_87 = vector.broadcast %add3A_86 : i32 to vector<16xi32>
    %add3A_88 = arith.addi %mul3A_85, %add3A_87 : vector<16xi32>
    %mul3A_89 = arith.constant 17 : i32
    %mul3A_90 = vector.broadcast %mul3A_89 : i32 to vector<16xi32>
    %mul3A_91 = arith.muli %iota3A, %mul3A_90 : vector<16xi32>
    %add3A_92 = arith.constant 14 : i32
    %add3A_93 = vector.broadcast %add3A_92 : i32 to vector<16xi32>
    %add3A_94 = arith.addi %mul3A_91, %add3A_93 : vector<16xi32>
    %mul3A_95 = arith.constant 17 : i32
    %mul3A_96 = vector.broadcast %mul3A_95 : i32 to vector<16xi32>
    %mul3A_97 = arith.muli %iota3A, %mul3A_96 : vector<16xi32>
    %add3A_98 = arith.constant 15 : i32
    %add3A_99 = vector.broadcast %add3A_98 : i32 to vector<16xi32>
    %add3A_100 = arith.addi %mul3A_97, %add3A_99 : vector<16xi32>
    %scan3A = arith.constant 0 : i32
    %scan3A_101 = arith.constant 0 : i32
    %scan3A_102 = arith.constant 200 : i32
    %scan3A_103 = arith.addi %scan3A_101, %scan3A_102 : i32
    %scan3A_104 = arith.constant 1 : i32
    %scan3A_105 = scf.for %scan3A_137 = %scan3A_101 to %scan3A_103 step %scan3A_104 iter_args(%scan3A_138 = %scan3A) -> (i32)  : i32 {
      %add3A_139 = arith.constant 0 : i32
      %add3A_140 = vector.broadcast %add3A_139 : i32 to vector<16xi32>
      %add3A_141 = arith.addi %iota3A, %add3A_140 : vector<16xi32>
      %mul3A_142 = arith.constant 200 : i32
      %mul3A_143 = vector.broadcast %mul3A_142 : i32 to vector<16xi32>
      %mul3A_144 = arith.muli %add3A_141, %mul3A_143 : vector<16xi32>
      %add3A_145 = vector.broadcast %scan3A_137 : i32 to vector<16xi32>
      %add3A_146 = arith.addi %mul3A_144, %add3A_145 : vector<16xi32>
      %gather3A = tpu.vector_load_idx %arg6[%add3A_146] : memref<25600xi32, #tpu.memory_space<vmem>>[vector<16xi32>], vector<16xi32>,
      %swap3A = arith.index_cast %scan3A_137 : i32 to index
      %swap3A_147 = arith.constant 0 : index
      %swap3A_148 = tpu.vector_load %arg7[%swap3A, %swap3A_147] {strides = array<i32>} : memref<200x128xi32, #tpu.memory_space<vmem>>, vector<16xi32>,
      tpu.vector_store %arg7[%swap3A, %swap3A_147], %gather3A {strides = array<i32>} : memref<200x128xi32, #tpu.memory_space<vmem>>, vector<16xi32>,
      %add3A_149 = arith.constant 16 : i32
      %add3A_150 = vector.broadcast %add3A_149 : i32 to vector<16xi32>
      %add3A_151 = arith.addi %iota3A, %add3A_150 : vector<16xi32>
      %mul3A_152 = arith.constant 200 : i32
      %mul3A_153 = vector.broadcast %mul3A_152 : i32 to vector<16xi32>
      %mul3A_154 = arith.muli %add3A_151, %mul3A_153 : vector<16xi32>
      %add3A_155 = vector.broadcast %scan3A_137 : i32 to vector<16xi32>
      %add3A_156 = arith.addi %mul3A_154, %add3A_155 : vector<16xi32>
      %gather3A_157 = tpu.vector_load_idx %arg6[%add3A_156] : memref<25600xi32, #tpu.memory_space<vmem>>[vector<16xi32>], vector<16xi32>,
      %swap3A_158 = arith.index_cast %scan3A_137 : i32 to index
      %swap3A_159 = arith.constant 16 : index
      %swap3A_160 = tpu.vector_load %arg7[%swap3A_158, %swap3A_159] {strides = array<i32>} : memref<200x128xi32, #tpu.memory_space<vmem>>, vector<16xi32>,
      tpu.vector_store %arg7[%swap3A_158, %swap3A_159], %gather3A_157 {strides = array<i32>} : memref<200x128xi32, #tpu.memory_space<vmem>>, vector<16xi32>,
      %add3A_161 = arith.constant 32 : i32
      %add3A_162 = vector.broadcast %add3A_161 : i32 to vector<16xi32>
      %add3A_163 = arith.addi %iota3A, %add3A_162 : vector<16xi32>
      %mul3A_164 = arith.constant 200 : i32
      %mul3A_165 = vector.broadcast %mul3A_164 : i32 to vector<16xi32>
      %mul3A_166 = arith.muli %add3A_163, %mul3A_165 : vector<16xi32>
      %add3A_167 = vector.broadcast %scan3A_137 : i32 to vector<16xi32>
      %add3A_168 = arith.addi %mul3A_166, %add3A_167 : vector<16xi32>
      %gather3A_169 = tpu.vector_load_idx %arg6[%add3A_168] : memref<25600xi32, #tpu.memory_space<vmem>>[vector<16xi32>], vector<16xi32>,
      %swap3A_170 = arith.index_cast %scan3A_137 : i32 to index
      %swap3A_171 = arith.constant 32 : index
      %swap3A_172 = tpu.vector_load %arg7[%swap3A_170, %swap3A_171] {strides = array<i32>} : memref<200x128xi32, #tpu.memory_space<vmem>>, vector<16xi32>,
      tpu.vector_store %arg7[%swap3A_170, %swap3A_171], %gather3A_169 {strides = array<i32>} : memref<200x128xi32, #tpu.memory_space<vmem>>, vector<16xi32>,
      %add3A_173 = arith.constant 48 : i32
      %add3A_174 = vector.broadcast %add3A_173 : i32 to vector<16xi32>
      %add3A_175 = arith.addi %iota3A, %add3A_174 : vector<16xi32>
      %mul3A_176 = arith.constant 200 : i32
      %mul3A_177 = vector.broadcast %mul3A_176 : i32 to vector<16xi32>
      %mul3A_178 = arith.muli %add3A_175, %mul3A_177 : vector<16xi32>
      %add3A_179 = vector.broadcast %scan3A_137 : i32 to vector<16xi32>
      %add3A_180 = arith.addi %mul3A_178, %add3A_179 : vector<16xi32>
      %gather3A_181 = tpu.vector_load_idx %arg6[%add3A_180] : memref<25600xi32, #tpu.memory_space<vmem>>[vector<16xi32>], vector<16xi32>,
      %swap3A_182 = arith.index_cast %scan3A_137 : i32 to index
      %swap3A_183 = arith.constant 48 : index
      %swap3A_184 = tpu.vector_load %arg7[%swap3A_182, %swap3A_183] {strides = array<i32>} : memref<200x128xi32, #tpu.memory_space<vmem>>, vector<16xi32>,
      tpu.vector_store %arg7[%swap3A_182, %swap3A_183], %gather3A_181 {strides = array<i32>} : memref<200x128xi32, #tpu.memory_space<vmem>>, vector<16xi32>,
      %add3A_185 = arith.constant 64 : i32
      %add3A_186 = vector.broadcast %add3A_185 : i32 to vector<16xi32>
      %add3A_187 = arith.addi %iota3A, %add3A_186 : vector<16xi32>
      %mul3A_188 = arith.constant 200 : i32
      %mul3A_189 = vector.broadcast %mul3A_188 : i32 to vector<16xi32>
      %mul3A_190 = arith.muli %add3A_187, %mul3A_189 : vector<16xi32>
      %add3A_191 = vector.broadcast %scan3A_137 : i32 to vector<16xi32>
      %add3A_192 = arith.addi %mul3A_190, %add3A_191 : vector<16xi32>
      %gather3A_193 = tpu.vector_load_idx %arg6[%add3A_192] : memref<25600xi32, #tpu.memory_space<vmem>>[vector<16xi32>], vector<16xi32>,
      %swap3A_194 = arith.index_cast %scan3A_137 : i32 to index
      %swap3A_195 = arith.constant 64 : index
      %swap3A_196 = tpu.vector_load %arg7[%swap3A_194, %swap3A_195] {strides = array<i32>} : memref<200x128xi32, #tpu.memory_space<vmem>>, vector<16xi32>,
      tpu.vector_store %arg7[%swap3A_194, %swap3A_195], %gather3A_193 {strides = array<i32>} : memref<200x128xi32, #tpu.memory_space<vmem>>, vector<16xi32>,
      %add3A_197 = arith.constant 80 : i32
      %add3A_198 = vector.broadcast %add3A_197 : i32 to vector<16xi32>
      %add3A_199 = arith.addi %iota3A, %add3A_198 : vector<16xi32>
      %mul3A_200 = arith.constant 200 : i32
      %mul3A_201 = vector.broadcast %mul3A_200 : i32 to vector<16xi32>
      %mul3A_202 = arith.muli %add3A_199, %mul3A_201 : vector<16xi32>
      %add3A_203 = vector.broadcast %scan3A_137 : i32 to vector<16xi32>
      %add3A_204 = arith.addi %mul3A_202, %add3A_203 : vector<16xi32>
      %gather3A_205 = tpu.vector_load_idx %arg6[%add3A_204] : memref<25600xi32, #tpu.memory_space<vmem>>[vector<16xi32>], vector<16xi32>,
      %swap3A_206 = arith.index_cast %scan3A_137 : i32 to index
      %swap3A_207 = arith.constant 80 : index
      %swap3A_208 = tpu.vector_load %arg7[%swap3A_206, %swap3A_207] {strides = array<i32>} : memref<200x128xi32, #tpu.memory_space<vmem>>, vector<16xi32>,
      tpu.vector_store %arg7[%swap3A_206, %swap3A_207], %gather3A_205 {strides = array<i32>} : memref<200x128xi32, #tpu.memory_space<vmem>>, vector<16xi32>,
      %add3A_209 = arith.constant 96 : i32
      %add3A_210 = vector.broadcast %add3A_209 : i32 to vector<16xi32>
      %add3A_211 = arith.addi %iota3A, %add3A_210 : vector<16xi32>
      %mul3A_212 = arith.constant 200 : i32
      %mul3A_213 = vector.broadcast %mul3A_212 : i32 to vector<16xi32>
      %mul3A_214 = arith.muli %add3A_211, %mul3A_213 : vector<16xi32>
      %add3A_215 = vector.broadcast %scan3A_137 : i32 to vector<16xi32>
      %add3A_216 = arith.addi %mul3A_214, %add3A_215 : vector<16xi32>
      %gather3A_217 = tpu.vector_load_idx %arg6[%add3A_216] : memref<25600xi32, #tpu.memory_space<vmem>>[vector<16xi32>], vector<16xi32>,
      %swap3A_218 = arith.index_cast %scan3A_137 : i32 to index
      %swap3A_219 = arith.constant 96 : index
      %swap3A_220 = tpu.vector_load %arg7[%swap3A_218, %swap3A_219] {strides = array<i32>} : memref<200x128xi32, #tpu.memory_space<vmem>>, vector<16xi32>,
      tpu.vector_store %arg7[%swap3A_218, %swap3A_219], %gather3A_217 {strides = array<i32>} : memref<200x128xi32, #tpu.memory_space<vmem>>, vector<16xi32>,
      %add3A_221 = arith.constant 112 : i32
      %add3A_222 = vector.broadcast %add3A_221 : i32 to vector<16xi32>
      %add3A_223 = arith.addi %iota3A, %add3A_222 : vector<16xi32>
      %mul3A_224 = arith.constant 200 : i32
      %mul3A_225 = vector.broadcast %mul3A_224 : i32 to vector<16xi32>
      %mul3A_226 = arith.muli %add3A_223, %mul3A_225 : vector<16xi32>
      %add3A_227 = vector.broadcast %scan3A_137 : i32 to vector<16xi32>
      %add3A_228 = arith.addi %mul3A_226, %add3A_227 : vector<16xi32>
      %gather3A_229 = tpu.vector_load_idx %arg6[%add3A_228] : memref<25600xi32, #tpu.memory_space<vmem>>[vector<16xi32>], vector<16xi32>,
      %swap3A_230 = arith.index_cast %scan3A_137 : i32 to index
      %swap3A_231 = arith.constant 112 : index
      %swap3A_232 = tpu.vector_load %arg7[%swap3A_230, %swap3A_231] {strides = array<i32>} : memref<200x128xi32, #tpu.memory_space<vmem>>, vector<16xi32>,
      tpu.vector_store %arg7[%swap3A_230, %swap3A_231], %gather3A_229 {strides = array<i32>} : memref<200x128xi32, #tpu.memory_space<vmem>>, vector<16xi32>,
      %scan3A_233 = arith.constant 0 : i32
      scf.yield %scan3A_233 : i32
    }
    %scan3A_106 = arith.constant 200 : i32
    %dma_start3A = arith.constant 0 : i32
    %dma_start3A_107 = arith.constant 0 : i32
    %dma_start3A_108 = tpu.memref_slice %arg7[%dma_start3A, %dma_start3A_107] : memref<200x128xi32, #tpu.memory_space<vmem>> -> memref<1x128xi32, #tpu.memory_space<vmem>>
    %dma_start3A_109 = tpu.memref_squeeze %dma_start3A_108 : memref<1x128xi32, #tpu.memory_space<vmem>> -> memref<128xi32, #tpu.memory_space<vmem>>
    %dma_start3A_110 = arith.constant 0 : i32
    %dma_start3A_111 = arith.constant 0 : i32
    %dma_start3A_112 = tpu.memref_slice %arg4[%dma_start3A_110, %dma_start3A_111] : memref<100000x64xf32, #tpu.memory_space<hbm>> -> memref<100000x64xf32, #tpu.memory_space<hbm>>
    tpu.enqueue_indirect_dma source(%dma_start3A_112 : memref<100000x64xf32, #tpu.memory_space<hbm>>) target(%arg9 : memref<128x64xf32, #tpu.memory_space<vmem>>) offsets(%dma_start3A_109 : memref<128xi32, #tpu.memory_space<vmem>>) semaphore(%arg14 : memref<!tpu.dma_semaphore, #tpu.memory_space<semaphore_mem>>)
    %scan3A_113 = arith.constant 0 : i32
    %scan3A_114 = arith.constant 0 : i32
    %scan3A_115 = arith.constant 100 : i32
    %scan3A_116 = arith.addi %scan3A_114, %scan3A_115 : i32
    %scan3A_117 = arith.constant 1 : i32
    %scan3A_118 = scf.for %scan3A_137 = %scan3A_114 to %scan3A_116 step %scan3A_117 iter_args(%scan3A_138 = %scan3A_113) -> (i32)  : i32 {
      %mul3A_139 = arith.constant 2 : i32
      %mul3A_140 = arith.muli %mul3A_139, %scan3A_137 : i32
      %add3A_141 = arith.constant 0 : i32
      %add3A_142 = arith.addi %mul3A_140, %add3A_141 : i32
      %dma_wait3A_143 = arith.constant 0 : i32
      %dma_wait3A_144 = tpu.memref_slice %arg7[%add3A_142, %dma_wait3A_143] : memref<200x128xi32, #tpu.memory_space<vmem>> -> memref<1x128xi32, #tpu.memory_space<vmem>>
      %dma_wait3A_145 = tpu.memref_squeeze %dma_wait3A_144 : memref<1x128xi32, #tpu.memory_space<vmem>> -> memref<128xi32, #tpu.memory_space<vmem>>
      %dma_wait3A_146 = arith.constant 0 : i32
      %dma_wait3A_147 = arith.constant 0 : i32
      %dma_wait3A_148 = tpu.memref_slice %arg4[%dma_wait3A_146, %dma_wait3A_147] : memref<100000x64xf32, #tpu.memory_space<hbm>> -> memref<100000x64xf32, #tpu.memory_space<hbm>>
      tpu.wait_indirect_dma semaphore(%arg14 : memref<!tpu.dma_semaphore, #tpu.memory_space<semaphore_mem>>) src(%dma_wait3A_148 : memref<100000x64xf32, #tpu.memory_space<hbm>>) dst(%arg9 : memref<128x64xf32, #tpu.memory_space<vmem>>)
      %add3A_149 = arith.constant 1 : i32
      %add3A_150 = arith.addi %add3A_142, %add3A_149 : i32
      %lt3A = arith.constant 200 : i32
      %lt3A_151 = arith.cmpi slt, %add3A_150, %lt3A : i32
      %convert_element_type3A = arith.extui %lt3A_151 : i1 to i32
      %cond3A = arith.constant 0 : i32
      %cond3A_152 = arith.cmpi ne, %convert_element_type3A, %cond3A : i32
      scf.if %cond3A_152 {
        %add3A_201 = arith.constant 1 : i32
        %add3A_202 = arith.addi %add3A_142, %add3A_201 : i32
        %dma_start3A_203 = arith.constant 0 : i32
        %dma_start3A_204 = tpu.memref_slice %arg7[%add3A_202, %dma_start3A_203] : memref<200x128xi32, #tpu.memory_space<vmem>> -> memref<1x128xi32, #tpu.memory_space<vmem>>
        %dma_start3A_205 = tpu.memref_squeeze %dma_start3A_204 : memref<1x128xi32, #tpu.memory_space<vmem>> -> memref<128xi32, #tpu.memory_space<vmem>>
        %dma_start3A_206 = arith.constant 0 : i32
        %dma_start3A_207 = arith.constant 0 : i32
        %dma_start3A_208 = tpu.memref_slice %arg4[%dma_start3A_206, %dma_start3A_207] : memref<100000x64xf32, #tpu.memory_space<hbm>> -> memref<100000x64xf32, #tpu.memory_space<hbm>>
        tpu.enqueue_indirect_dma source(%dma_start3A_208 : memref<100000x64xf32, #tpu.memory_space<hbm>>) target(%arg10 : memref<128x64xf32, #tpu.memory_space<vmem>>) offsets(%dma_start3A_205 : memref<128xi32, #tpu.memory_space<vmem>>) semaphore(%arg15 : memref<!tpu.dma_semaphore, #tpu.memory_space<semaphore_mem>>)
      } else {
      }
      %ge3A = arith.constant 2 : i32
      %ge3A_153 = arith.cmpi sge, %add3A_142, %ge3A : i32
      %convert_element_type3A_154 = arith.extui %ge3A_153 : i1 to i32
      %cond3A_155 = arith.constant 0 : i32
      %cond3A_156 = arith.cmpi ne, %convert_element_type3A_154, %cond3A_155 : i32
      scf.if %cond3A_156 {
        %sub3A = arith.constant 2 : i32
        %sub3A_201 = arith.subi %add3A_142, %sub3A : i32
        %dma_wait3A_202 = arith.constant 0 : i32
        %dma_wait3A_203 = arith.constant 0 : i32
        %dma_wait3A_204 = tpu.memref_slice %arg5[%sub3A_201, %dma_wait3A_202, %add3A, %dma_wait3A_203] : memref<200x8x32x1024xf32, #tpu.memory_space<hbm>> -> memref<1x8x1x1024xf32, #tpu.memory_space<hbm>>
        %dma_wait3A_205 = tpu.memref_squeeze %dma_wait3A_204 : memref<1x8x1x1024xf32, #tpu.memory_space<hbm>> -> memref<8x1024xf32, #tpu.memory_space<hbm>>
        %dma_wait3A_206 = arith.constant 0 : i32
        %dma_wait3A_207 = arith.constant 0 : i32
        %dma_wait3A_208 = tpu.memref_slice %arg5[%sub3A_201, %dma_wait3A_206, %add3A, %dma_wait3A_207] : memref<200x8x32x1024xf32, #tpu.memory_space<hbm>> -> memref<1x8x1x1024xf32, #tpu.memory_space<hbm>>
        %dma_wait3A_209 = tpu.memref_squeeze %dma_wait3A_208 : memref<1x8x1x1024xf32, #tpu.memory_space<hbm>> -> memref<8x1024xf32, #tpu.memory_space<hbm>>
        tpu.wait_dma2 semaphore(%arg16 : memref<!tpu.dma_semaphore, #tpu.memory_space<semaphore_mem>>) src(%arg11 : memref<8x1024xf32, #tpu.memory_space<vmem>>) dst(%dma_wait3A_209 : memref<8x1024xf32, #tpu.memory_space<hbm>>)
      } else {
      }
      %parallel_loop3A = arith.constant 0 : i32
      %parallel_loop3A_157 = arith.constant 32 : i32
      %parallel_loop3A_158 = arith.constant 1 : i32
      scf.for %parallel_loop3A_201 = %parallel_loop3A to %parallel_loop3A_157 step %parallel_loop3A_158  : i32 {
        %parallel_loop3A_202 = arith.constant 4 : i32
        %parallel_loop3A_203 = arith.divsi %parallel_loop3A_201, %parallel_loop3A_202 : i32
        %parallel_loop3A_204 = arith.constant 0 : i32
        %parallel_loop3A_205 = arith.cmpi sgt, %parallel_loop3A_201, %parallel_loop3A_204 : i32
        %parallel_loop3A_206 = arith.extui %parallel_loop3A_205 : i1 to i32
        %parallel_loop3A_207 = arith.constant 0 : i32
        %parallel_loop3A_208 = arith.cmpi slt, %parallel_loop3A_201, %parallel_loop3A_207 : i32
        %parallel_loop3A_209 = arith.extui %parallel_loop3A_208 : i1 to i32
        %parallel_loop3A_210 = arith.subi %parallel_loop3A_206, %parallel_loop3A_209 : i32
        %parallel_loop3A_211 = arith.constant 0 : i32
        %parallel_loop3A_212 = arith.cmpi sgt, %parallel_loop3A_202, %parallel_loop3A_211 : i32
        %parallel_loop3A_213 = arith.extui %parallel_loop3A_212 : i1 to i32
        %parallel_loop3A_214 = arith.constant 0 : i32
        %parallel_loop3A_215 = arith.cmpi slt, %parallel_loop3A_202, %parallel_loop3A_214 : i32
        %parallel_loop3A_216 = arith.extui %parallel_loop3A_215 : i1 to i32
        %parallel_loop3A_217 = arith.subi %parallel_loop3A_213, %parallel_loop3A_216 : i32
        %parallel_loop3A_218 = arith.cmpi ne, %parallel_loop3A_210, %parallel_loop3A_217 : i32
        %parallel_loop3A_219 = arith.remsi %parallel_loop3A_201, %parallel_loop3A_202 : i32
        %parallel_loop3A_220 = arith.constant 0 : i32
        %parallel_loop3A_221 = arith.cmpi ne, %parallel_loop3A_219, %parallel_loop3A_220 : i32
        %parallel_loop3A_222 = arith.andi %parallel_loop3A_218, %parallel_loop3A_221 : i1
        %parallel_loop3A_223 = arith.constant 1 : i32
        %parallel_loop3A_224 = arith.subi %parallel_loop3A_203, %parallel_loop3A_223 : i32
        %parallel_loop3A_225 = arith.select %parallel_loop3A_222, %parallel_loop3A_224, %parallel_loop3A_203 : i32
        %parallel_loop3A_226 = arith.constant 4 : i32
        %parallel_loop3A_227 = arith.remsi %parallel_loop3A_201, %parallel_loop3A_226 : i32
        %parallel_loop3A_228 = arith.constant 16 : i32
        %parallel_loop3A_229 = arith.muli %parallel_loop3A_227, %parallel_loop3A_228 : i32
        %parallel_loop3A_230 = arith.index_cast %add3A_142 : i32 to index
        %parallel_loop3A_231 = arith.index_cast %parallel_loop3A_229 : i32 to index
        %parallel_loop3A_232 = tpu.vector_load %arg8[%parallel_loop3A_230, %parallel_loop3A_231] {strides = array<i32>} : memref<200x64xf32, #tpu.memory_space<vmem>>, vector<16xf32>,
        %parallel_loop3A_233 = arith.constant 16 : i32
        %parallel_loop3A_234 = arith.muli %parallel_loop3A_225, %parallel_loop3A_233 : i32
        %parallel_loop3A_235 = arith.constant 0 : i32
        %parallel_loop3A_236 = arith.addi %parallel_loop3A_234, %parallel_loop3A_235 : i32
        %parallel_loop3A_237 = arith.constant 16 : i32
        %parallel_loop3A_238 = arith.muli %parallel_loop3A_227, %parallel_loop3A_237 : i32
        %parallel_loop3A_239 = arith.index_cast %parallel_loop3A_236 : i32 to index
        %parallel_loop3A_240 = arith.index_cast %parallel_loop3A_238 : i32 to index
        %parallel_loop3A_241 = tpu.vector_load %arg9[%parallel_loop3A_239, %parallel_loop3A_240] {strides = array<i32>} : memref<128x64xf32, #tpu.memory_space<vmem>>, vector<16xf32>,
        %parallel_loop3A_242 = arith.addf %parallel_loop3A_241, %parallel_loop3A_232 : vector<16xf32>
        %parallel_loop3A_243 = arith.constant 0 : i32
        %parallel_loop3A_244 = arith.constant 0 : i32
        %parallel_loop3A_245 = tpu.memref_slice %arg13[%parallel_loop3A_243, %parallel_loop3A_201, %parallel_loop3A_244] : memref<2x32x272xf32, #tpu.memory_space<vmem>> -> memref<1x1x272xf32, #tpu.memory_space<vmem>>
        %parallel_loop3A_246 = tpu.memref_squeeze %parallel_loop3A_245 : memref<1x1x272xf32, #tpu.memory_space<vmem>> -> memref<272xf32, #tpu.memory_space<vmem>>
        %parallel_loop3A_247 = arith.constant 0 : index
        %parallel_loop3A_248 = tpu.vector_load %parallel_loop3A_246[%parallel_loop3A_247] {strides = array<i32>} : memref<272xf32, #tpu.memory_space<vmem>>, vector<16xf32>,
        tpu.vector_store %parallel_loop3A_246[%parallel_loop3A_247], %parallel_loop3A_242 {strides = array<i32>} : memref<272xf32, #tpu.memory_space<vmem>>, vector<16xf32>,
        %parallel_loop3A_249 = arith.constant 16 : i32
        %parallel_loop3A_250 = arith.muli %parallel_loop3A_225, %parallel_loop3A_249 : i32
        %parallel_loop3A_251 = arith.constant 1 : i32
        %parallel_loop3A_252 = arith.addi %parallel_loop3A_250, %parallel_loop3A_251 : i32
        %parallel_loop3A_253 = arith.constant 16 : i32
        %parallel_loop3A_254 = arith.muli %parallel_loop3A_227, %parallel_loop3A_253 : i32
        %parallel_loop3A_255 = arith.index_cast %parallel_loop3A_252 : i32 to index
        %parallel_loop3A_256 = arith.index_cast %parallel_loop3A_254 : i32 to index
        %parallel_loop3A_257 = tpu.vector_load %arg9[%parallel_loop3A_255, %parallel_loop3A_256] {strides = array<i32>} : memref<128x64xf32, #tpu.memory_space<vmem>>, vector<16xf32>,
        %parallel_loop3A_258 = arith.addf %parallel_loop3A_257, %parallel_loop3A_232 : vector<16xf32>
        %parallel_loop3A_259 = arith.constant 0 : i32
        %parallel_loop3A_260 = arith.constant 0 : i32
        %parallel_loop3A_261 = tpu.memref_slice %arg13[%parallel_loop3A_259, %parallel_loop3A_201, %parallel_loop3A_260] : memref<2x32x272xf32, #tpu.memory_space<vmem>> -> memref<1x1x272xf32, #tpu.memory_space<vmem>>
        %parallel_loop3A_262 = tpu.memref_squeeze %parallel_loop3A_261 : memref<1x1x272xf32, #tpu.memory_space<vmem>> -> memref<272xf32, #tpu.memory_space<vmem>>
        %parallel_loop3A_263 = arith.constant 17 : index
        %parallel_loop3A_264 = tpu.vector_load %parallel_loop3A_262[%parallel_loop3A_263] {strides = array<i32>} : memref<272xf32, #tpu.memory_space<vmem>>, vector<16xf32>,
        tpu.vector_store %parallel_loop3A_262[%parallel_loop3A_263], %parallel_loop3A_258 {strides = array<i32>} : memref<272xf32, #tpu.memory_space<vmem>>, vector<16xf32>,
        %parallel_loop3A_265 = arith.constant 16 : i32
        %parallel_loop3A_266 = arith.muli %parallel_loop3A_225, %parallel_loop3A_265 : i32
        %parallel_loop3A_267 = arith.constant 2 : i32
        %parallel_loop3A_268 = arith.addi %parallel_loop3A_266, %parallel_loop3A_267 : i32
        %parallel_loop3A_269 = arith.constant 16 : i32
        %parallel_loop3A_270 = arith.muli %parallel_loop3A_227, %parallel_loop3A_269 : i32
        %parallel_loop3A_271 = arith.index_cast %parallel_loop3A_268 : i32 to index
        %parallel_loop3A_272 = arith.index_cast %parallel_loop3A_270 : i32 to index
        %parallel_loop3A_273 = tpu.vector_load %arg9[%parallel_loop3A_271, %parallel_loop3A_272] {strides = array<i32>} : memref<128x64xf32, #tpu.memory_space<vmem>>, vector<16xf32>,
        %parallel_loop3A_274 = arith.addf %parallel_loop3A_273, %parallel_loop3A_232 : vector<16xf32>
        %parallel_loop3A_275 = arith.constant 0 : i32
        %parallel_loop3A_276 = arith.constant 0 : i32
        %parallel_loop3A_277 = tpu.memref_slice %arg13[%parallel_loop3A_275, %parallel_loop3A_201, %parallel_loop3A_276] : memref<2x32x272xf32, #tpu.memory_space<vmem>> -> memref<1x1x272xf32, #tpu.memory_space<vmem>>
        %parallel_loop3A_278 = tpu.memref_squeeze %parallel_loop3A_277 : memref<1x1x272xf32, #tpu.memory_space<vmem>> -> memref<272xf32, #tpu.memory_space<vmem>>
        %parallel_loop3A_279 = arith.constant 34 : index
        %parallel_loop3A_280 = tpu.vector_load %parallel_loop3A_278[%parallel_loop3A_279] {strides = array<i32>} : memref<272xf32, #tpu.memory_space<vmem>>, vector<16xf32>,
        tpu.vector_store %parallel_loop3A_278[%parallel_loop3A_279], %parallel_loop3A_274 {strides = array<i32>} : memref<272xf32, #tpu.memory_space<vmem>>, vector<16xf32>,
        %parallel_loop3A_281 = arith.constant 16 : i32
        %parallel_loop3A_282 = arith.muli %parallel_loop3A_225, %parallel_loop3A_281 : i32
        %parallel_loop3A_283 = arith.constant 3 : i32
        %parallel_loop3A_284 = arith.addi %parallel_loop3A_282, %parallel_loop3A_283 : i32
        %parallel_loop3A_285 = arith.constant 16 : i32
        %parallel_loop3A_286 = arith.muli %parallel_loop3A_227, %parallel_loop3A_285 : i32
        %parallel_loop3A_287 = arith.index_cast %parallel_loop3A_284 : i32 to index
        %parallel_loop3A_288 = arith.index_cast %parallel_loop3A_286 : i32 to index
        %parallel_loop3A_289 = tpu.vector_load %arg9[%parallel_loop3A_287, %parallel_loop3A_288] {strides = array<i32>} : memref<128x64xf32, #tpu.memory_space<vmem>>, vector<16xf32>,
        %parallel_loop3A_290 = arith.addf %parallel_loop3A_289, %parallel_loop3A_232 : vector<16xf32>
        %parallel_loop3A_291 = arith.constant 0 : i32
        %parallel_loop3A_292 = arith.constant 0 : i32
        %parallel_loop3A_293 = tpu.memref_slice %arg13[%parallel_loop3A_291, %parallel_loop3A_201, %parallel_loop3A_292] : memref<2x32x272xf32, #tpu.memory_space<vmem>> -> memref<1x1x272xf32, #tpu.memory_space<vmem>>
        %parallel_loop3A_294 = tpu.memref_squeeze %parallel_loop3A_293 : memref<1x1x272xf32, #tpu.memory_space<vmem>> -> memref<272xf32, #tpu.memory_space<vmem>>
        %parallel_loop3A_295 = arith.constant 51 : index
        %parallel_loop3A_296 = tpu.vector_load %parallel_loop3A_294[%parallel_loop3A_295] {strides = array<i32>} : memref<272xf32, #tpu.memory_space<vmem>>, vector<16xf32>,
        tpu.vector_store %parallel_loop3A_294[%parallel_loop3A_295], %parallel_loop3A_290 {strides = array<i32>} : memref<272xf32, #tpu.memory_space<vmem>>, vector<16xf32>,
        %parallel_loop3A_297 = arith.constant 16 : i32
        %parallel_loop3A_298 = arith.muli %parallel_loop3A_225, %parallel_loop3A_297 : i32
        %parallel_loop3A_299 = arith.constant 4 : i32
        %parallel_loop3A_300 = arith.addi %parallel_loop3A_298, %parallel_loop3A_299 : i32
        %parallel_loop3A_301 = arith.constant 16 : i32
        %parallel_loop3A_302 = arith.muli %parallel_loop3A_227, %parallel_loop3A_301 : i32
        %parallel_loop3A_303 = arith.index_cast %parallel_loop3A_300 : i32 to index
        %parallel_loop3A_304 = arith.index_cast %parallel_loop3A_302 : i32 to index
        %parallel_loop3A_305 = tpu.vector_load %arg9[%parallel_loop3A_303, %parallel_loop3A_304] {strides = array<i32>} : memref<128x64xf32, #tpu.memory_space<vmem>>, vector<16xf32>,
        %parallel_loop3A_306 = arith.addf %parallel_loop3A_305, %parallel_loop3A_232 : vector<16xf32>
        %parallel_loop3A_307 = arith.constant 0 : i32
        %parallel_loop3A_308 = arith.constant 0 : i32
        %parallel_loop3A_309 = tpu.memref_slice %arg13[%parallel_loop3A_307, %parallel_loop3A_201, %parallel_loop3A_308] : memref<2x32x272xf32, #tpu.memory_space<vmem>> -> memref<1x1x272xf32, #tpu.memory_space<vmem>>
        %parallel_loop3A_310 = tpu.memref_squeeze %parallel_loop3A_309 : memref<1x1x272xf32, #tpu.memory_space<vmem>> -> memref<272xf32, #tpu.memory_space<vmem>>
        %parallel_loop3A_311 = arith.constant 68 : index
        %parallel_loop3A_312 = tpu.vector_load %parallel_loop3A_310[%parallel_loop3A_311] {strides = array<i32>} : memref<272xf32, #tpu.memory_space<vmem>>, vector<16xf32>,
        tpu.vector_store %parallel_loop3A_310[%parallel_loop3A_311], %parallel_loop3A_306 {strides = array<i32>} : memref<272xf32, #tpu.memory_space<vmem>>, vector<16xf32>,
        %parallel_loop3A_313 = arith.constant 16 : i32
        %parallel_loop3A_314 = arith.muli %parallel_loop3A_225, %parallel_loop3A_313 : i32
        %parallel_loop3A_315 = arith.constant 5 : i32
        %parallel_loop3A_316 = arith.addi %parallel_loop3A_314, %parallel_loop3A_315 : i32
        %parallel_loop3A_317 = arith.constant 16 : i32
        %parallel_loop3A_318 = arith.muli %parallel_loop3A_227, %parallel_loop3A_317 : i32
        %parallel_loop3A_319 = arith.index_cast %parallel_loop3A_316 : i32 to index
        %parallel_loop3A_320 = arith.index_cast %parallel_loop3A_318 : i32 to index
        %parallel_loop3A_321 = tpu.vector_load %arg9[%parallel_loop3A_319, %parallel_loop3A_320] {strides = array<i32>} : memref<128x64xf32, #tpu.memory_space<vmem>>, vector<16xf32>,
        %parallel_loop3A_322 = arith.addf %parallel_loop3A_321, %parallel_loop3A_232 : vector<16xf32>
        %parallel_loop3A_323 = arith.constant 0 : i32
        %parallel_loop3A_324 = arith.constant 0 : i32
        %parallel_loop3A_325 = tpu.memref_slice %arg13[%parallel_loop3A_323, %parallel_loop3A_201, %parallel_loop3A_324] : memref<2x32x272xf32, #tpu.memory_space<vmem>> -> memref<1x1x272xf32, #tpu.memory_space<vmem>>
        %parallel_loop3A_326 = tpu.memref_squeeze %parallel_loop3A_325 : memref<1x1x272xf32, #tpu.memory_space<vmem>> -> memref<272xf32, #tpu.memory_space<vmem>>
        %parallel_loop3A_327 = arith.constant 85 : index
        %parallel_loop3A_328 = tpu.vector_load %parallel_loop3A_326[%parallel_loop3A_327] {strides = array<i32>} : memref<272xf32, #tpu.memory_space<vmem>>, vector<16xf32>,
        tpu.vector_store %parallel_loop3A_326[%parallel_loop3A_327], %parallel_loop3A_322 {strides = array<i32>} : memref<272xf32, #tpu.memory_space<vmem>>, vector<16xf32>,
        %parallel_loop3A_329 = arith.constant 16 : i32
        %parallel_loop3A_330 = arith.muli %parallel_loop3A_225, %parallel_loop3A_329 : i32
        %parallel_loop3A_331 = arith.constant 6 : i32
        %parallel_loop3A_332 = arith.addi %parallel_loop3A_330, %parallel_loop3A_331 : i32
        %parallel_loop3A_333 = arith.constant 16 : i32
        %parallel_loop3A_334 = arith.muli %parallel_loop3A_227, %parallel_loop3A_333 : i32
        %parallel_loop3A_335 = arith.index_cast %parallel_loop3A_332 : i32 to index
        %parallel_loop3A_336 = arith.index_cast %parallel_loop3A_334 : i32 to index
        %parallel_loop3A_337 = tpu.vector_load %arg9[%parallel_loop3A_335, %parallel_loop3A_336] {strides = array<i32>} : memref<128x64xf32, #tpu.memory_space<vmem>>, vector<16xf32>,
        %parallel_loop3A_338 = arith.addf %parallel_loop3A_337, %parallel_loop3A_232 : vector<16xf32>
        %parallel_loop3A_339 = arith.constant 0 : i32
        %parallel_loop3A_340 = arith.constant 0 : i32
        %parallel_loop3A_341 = tpu.memref_slice %arg13[%parallel_loop3A_339, %parallel_loop3A_201, %parallel_loop3A_340] : memref<2x32x272xf32, #tpu.memory_space<vmem>> -> memref<1x1x272xf32, #tpu.memory_space<vmem>>
        %parallel_loop3A_342 = tpu.memref_squeeze %parallel_loop3A_341 : memref<1x1x272xf32, #tpu.memory_space<vmem>> -> memref<272xf32, #tpu.memory_space<vmem>>
        %parallel_loop3A_343 = arith.constant 102 : index
        %parallel_loop3A_344 = tpu.vector_load %parallel_loop3A_342[%parallel_loop3A_343] {strides = array<i32>} : memref<272xf32, #tpu.memory_space<vmem>>, vector<16xf32>,
        tpu.vector_store %parallel_loop3A_342[%parallel_loop3A_343], %parallel_loop3A_338 {strides = array<i32>} : memref<272xf32, #tpu.memory_space<vmem>>, vector<16xf32>,
        %parallel_loop3A_345 = arith.constant 16 : i32
        %parallel_loop3A_346 = arith.muli %parallel_loop3A_225, %parallel_loop3A_345 : i32
        %parallel_loop3A_347 = arith.constant 7 : i32
        %parallel_loop3A_348 = arith.addi %parallel_loop3A_346, %parallel_loop3A_347 : i32
        %parallel_loop3A_349 = arith.constant 16 : i32
        %parallel_loop3A_350 = arith.muli %parallel_loop3A_227, %parallel_loop3A_349 : i32
        %parallel_loop3A_351 = arith.index_cast %parallel_loop3A_348 : i32 to index
        %parallel_loop3A_352 = arith.index_cast %parallel_loop3A_350 : i32 to index
        %parallel_loop3A_353 = tpu.vector_load %arg9[%parallel_loop3A_351, %parallel_loop3A_352] {strides = array<i32>} : memref<128x64xf32, #tpu.memory_space<vmem>>, vector<16xf32>,
        %parallel_loop3A_354 = arith.addf %parallel_loop3A_353, %parallel_loop3A_232 : vector<16xf32>
        %parallel_loop3A_355 = arith.constant 0 : i32
        %parallel_loop3A_356 = arith.constant 0 : i32
        %parallel_loop3A_357 = tpu.memref_slice %arg13[%parallel_loop3A_355, %parallel_loop3A_201, %parallel_loop3A_356] : memref<2x32x272xf32, #tpu.memory_space<vmem>> -> memref<1x1x272xf32, #tpu.memory_space<vmem>>
        %parallel_loop3A_358 = tpu.memref_squeeze %parallel_loop3A_357 : memref<1x1x272xf32, #tpu.memory_space<vmem>> -> memref<272xf32, #tpu.memory_space<vmem>>
        %parallel_loop3A_359 = arith.constant 119 : index
        %parallel_loop3A_360 = tpu.vector_load %parallel_loop3A_358[%parallel_loop3A_359] {strides = array<i32>} : memref<272xf32, #tpu.memory_space<vmem>>, vector<16xf32>,
        tpu.vector_store %parallel_loop3A_358[%parallel_loop3A_359], %parallel_loop3A_354 {strides = array<i32>} : memref<272xf32, #tpu.memory_space<vmem>>, vector<16xf32>,
        %parallel_loop3A_361 = arith.constant 16 : i32
        %parallel_loop3A_362 = arith.muli %parallel_loop3A_225, %parallel_loop3A_361 : i32
        %parallel_loop3A_363 = arith.constant 8 : i32
        %parallel_loop3A_364 = arith.addi %parallel_loop3A_362, %parallel_loop3A_363 : i32
        %parallel_loop3A_365 = arith.constant 16 : i32
        %parallel_loop3A_366 = arith.muli %parallel_loop3A_227, %parallel_loop3A_365 : i32
        %parallel_loop3A_367 = arith.index_cast %parallel_loop3A_364 : i32 to index
        %parallel_loop3A_368 = arith.index_cast %parallel_loop3A_366 : i32 to index
        %parallel_loop3A_369 = tpu.vector_load %arg9[%parallel_loop3A_367, %parallel_loop3A_368] {strides = array<i32>} : memref<128x64xf32, #tpu.memory_space<vmem>>, vector<16xf32>,
        %parallel_loop3A_370 = arith.addf %parallel_loop3A_369, %parallel_loop3A_232 : vector<16xf32>
        %parallel_loop3A_371 = arith.constant 0 : i32
        %parallel_loop3A_372 = arith.constant 0 : i32
        %parallel_loop3A_373 = tpu.memref_slice %arg13[%parallel_loop3A_371, %parallel_loop3A_201, %parallel_loop3A_372] : memref<2x32x272xf32, #tpu.memory_space<vmem>> -> memref<1x1x272xf32, #tpu.memory_space<vmem>>
        %parallel_loop3A_374 = tpu.memref_squeeze %parallel_loop3A_373 : memref<1x1x272xf32, #tpu.memory_space<vmem>> -> memref<272xf32, #tpu.memory_space<vmem>>
        %parallel_loop3A_375 = arith.constant 136 : index
        %parallel_loop3A_376 = tpu.vector_load %parallel_loop3A_374[%parallel_loop3A_375] {strides = array<i32>} : memref<272xf32, #tpu.memory_space<vmem>>, vector<16xf32>,
        tpu.vector_store %parallel_loop3A_374[%parallel_loop3A_375], %parallel_loop3A_370 {strides = array<i32>} : memref<272xf32, #tpu.memory_space<vmem>>, vector<16xf32>,
        %parallel_loop3A_377 = arith.constant 16 : i32
        %parallel_loop3A_378 = arith.muli %parallel_loop3A_225, %parallel_loop3A_377 : i32
        %parallel_loop3A_379 = arith.constant 9 : i32
        %parallel_loop3A_380 = arith.addi %parallel_loop3A_378, %parallel_loop3A_379 : i32
        %parallel_loop3A_381 = arith.constant 16 : i32
        %parallel_loop3A_382 = arith.muli %parallel_loop3A_227, %parallel_loop3A_381 : i32
        %parallel_loop3A_383 = arith.index_cast %parallel_loop3A_380 : i32 to index
        %parallel_loop3A_384 = arith.index_cast %parallel_loop3A_382 : i32 to index
        %parallel_loop3A_385 = tpu.vector_load %arg9[%parallel_loop3A_383, %parallel_loop3A_384] {strides = array<i32>} : memref<128x64xf32, #tpu.memory_space<vmem>>, vector<16xf32>,
        %parallel_loop3A_386 = arith.addf %parallel_loop3A_385, %parallel_loop3A_232 : vector<16xf32>
        %parallel_loop3A_387 = arith.constant 0 : i32
        %parallel_loop3A_388 = arith.constant 0 : i32
        %parallel_loop3A_389 = tpu.memref_slice %arg13[%parallel_loop3A_387, %parallel_loop3A_201, %parallel_loop3A_388] : memref<2x32x272xf32, #tpu.memory_space<vmem>> -> memref<1x1x272xf32, #tpu.memory_space<vmem>>
        %parallel_loop3A_390 = tpu.memref_squeeze %parallel_loop3A_389 : memref<1x1x272xf32, #tpu.memory_space<vmem>> -> memref<272xf32, #tpu.memory_space<vmem>>
        %parallel_loop3A_391 = arith.constant 153 : index
        %parallel_loop3A_392 = tpu.vector_load %parallel_loop3A_390[%parallel_loop3A_391] {strides = array<i32>} : memref<272xf32, #tpu.memory_space<vmem>>, vector<16xf32>,
        tpu.vector_store %parallel_loop3A_390[%parallel_loop3A_391], %parallel_loop3A_386 {strides = array<i32>} : memref<272xf32, #tpu.memory_space<vmem>>, vector<16xf32>,
        %parallel_loop3A_393 = arith.constant 16 : i32
        %parallel_loop3A_394 = arith.muli %parallel_loop3A_225, %parallel_loop3A_393 : i32
        %parallel_loop3A_395 = arith.constant 10 : i32
        %parallel_loop3A_396 = arith.addi %parallel_loop3A_394, %parallel_loop3A_395 : i32
        %parallel_loop3A_397 = arith.constant 16 : i32
        %parallel_loop3A_398 = arith.muli %parallel_loop3A_227, %parallel_loop3A_397 : i32
        %parallel_loop3A_399 = arith.index_cast %parallel_loop3A_396 : i32 to index
        %parallel_loop3A_400 = arith.index_cast %parallel_loop3A_398 : i32 to index
        %parallel_loop3A_401 = tpu.vector_load %arg9[%parallel_loop3A_399, %parallel_loop3A_400] {strides = array<i32>} : memref<128x64xf32, #tpu.memory_space<vmem>>, vector<16xf32>,
        %parallel_loop3A_402 = arith.addf %parallel_loop3A_401, %parallel_loop3A_232 : vector<16xf32>
        %parallel_loop3A_403 = arith.constant 0 : i32
        %parallel_loop3A_404 = arith.constant 0 : i32
        %parallel_loop3A_405 = tpu.memref_slice %arg13[%parallel_loop3A_403, %parallel_loop3A_201, %parallel_loop3A_404] : memref<2x32x272xf32, #tpu.memory_space<vmem>> -> memref<1x1x272xf32, #tpu.memory_space<vmem>>
        %parallel_loop3A_406 = tpu.memref_squeeze %parallel_loop3A_405 : memref<1x1x272xf32, #tpu.memory_space<vmem>> -> memref<272xf32, #tpu.memory_space<vmem>>
        %parallel_loop3A_407 = arith.constant 170 : index
        %parallel_loop3A_408 = tpu.vector_load %parallel_loop3A_406[%parallel_loop3A_407] {strides = array<i32>} : memref<272xf32, #tpu.memory_space<vmem>>, vector<16xf32>,
        tpu.vector_store %parallel_loop3A_406[%parallel_loop3A_407], %parallel_loop3A_402 {strides = array<i32>} : memref<272xf32, #tpu.memory_space<vmem>>, vector<16xf32>,
        %parallel_loop3A_409 = arith.constant 16 : i32
        %parallel_loop3A_410 = arith.muli %parallel_loop3A_225, %parallel_loop3A_409 : i32
        %parallel_loop3A_411 = arith.constant 11 : i32
        %parallel_loop3A_412 = arith.addi %parallel_loop3A_410, %parallel_loop3A_411 : i32
        %parallel_loop3A_413 = arith.constant 16 : i32
        %parallel_loop3A_414 = arith.muli %parallel_loop3A_227, %parallel_loop3A_413 : i32
        %parallel_loop3A_415 = arith.index_cast %parallel_loop3A_412 : i32 to index
        %parallel_loop3A_416 = arith.index_cast %parallel_loop3A_414 : i32 to index
        %parallel_loop3A_417 = tpu.vector_load %arg9[%parallel_loop3A_415, %parallel_loop3A_416] {strides = array<i32>} : memref<128x64xf32, #tpu.memory_space<vmem>>, vector<16xf32>,
        %parallel_loop3A_418 = arith.addf %parallel_loop3A_417, %parallel_loop3A_232 : vector<16xf32>
        %parallel_loop3A_419 = arith.constant 0 : i32
        %parallel_loop3A_420 = arith.constant 0 : i32
        %parallel_loop3A_421 = tpu.memref_slice %arg13[%parallel_loop3A_419, %parallel_loop3A_201, %parallel_loop3A_420] : memref<2x32x272xf32, #tpu.memory_space<vmem>> -> memref<1x1x272xf32, #tpu.memory_space<vmem>>
        %parallel_loop3A_422 = tpu.memref_squeeze %parallel_loop3A_421 : memref<1x1x272xf32, #tpu.memory_space<vmem>> -> memref<272xf32, #tpu.memory_space<vmem>>
        %parallel_loop3A_423 = arith.constant 187 : index
        %parallel_loop3A_424 = tpu.vector_load %parallel_loop3A_422[%parallel_loop3A_423] {strides = array<i32>} : memref<272xf32, #tpu.memory_space<vmem>>, vector<16xf32>,
        tpu.vector_store %parallel_loop3A_422[%parallel_loop3A_423], %parallel_loop3A_418 {strides = array<i32>} : memref<272xf32, #tpu.memory_space<vmem>>, vector<16xf32>,
        %parallel_loop3A_425 = arith.constant 16 : i32
        %parallel_loop3A_426 = arith.muli %parallel_loop3A_225, %parallel_loop3A_425 : i32
        %parallel_loop3A_427 = arith.constant 12 : i32
        %parallel_loop3A_428 = arith.addi %parallel_loop3A_426, %parallel_loop3A_427 : i32
        %parallel_loop3A_429 = arith.constant 16 : i32
        %parallel_loop3A_430 = arith.muli %parallel_loop3A_227, %parallel_loop3A_429 : i32
        %parallel_loop3A_431 = arith.index_cast %parallel_loop3A_428 : i32 to index
        %parallel_loop3A_432 = arith.index_cast %parallel_loop3A_430 : i32 to index
        %parallel_loop3A_433 = tpu.vector_load %arg9[%parallel_loop3A_431, %parallel_loop3A_432] {strides = array<i32>} : memref<128x64xf32, #tpu.memory_space<vmem>>, vector<16xf32>,
        %parallel_loop3A_434 = arith.addf %parallel_loop3A_433, %parallel_loop3A_232 : vector<16xf32>
        %parallel_loop3A_435 = arith.constant 0 : i32
        %parallel_loop3A_436 = arith.constant 0 : i32
        %parallel_loop3A_437 = tpu.memref_slice %arg13[%parallel_loop3A_435, %parallel_loop3A_201, %parallel_loop3A_436] : memref<2x32x272xf32, #tpu.memory_space<vmem>> -> memref<1x1x272xf32, #tpu.memory_space<vmem>>
        %parallel_loop3A_438 = tpu.memref_squeeze %parallel_loop3A_437 : memref<1x1x272xf32, #tpu.memory_space<vmem>> -> memref<272xf32, #tpu.memory_space<vmem>>
        %parallel_loop3A_439 = arith.constant 204 : index
        %parallel_loop3A_440 = tpu.vector_load %parallel_loop3A_438[%parallel_loop3A_439] {strides = array<i32>} : memref<272xf32, #tpu.memory_space<vmem>>, vector<16xf32>,
        tpu.vector_store %parallel_loop3A_438[%parallel_loop3A_439], %parallel_loop3A_434 {strides = array<i32>} : memref<272xf32, #tpu.memory_space<vmem>>, vector<16xf32>,
        %parallel_loop3A_441 = arith.constant 16 : i32
        %parallel_loop3A_442 = arith.muli %parallel_loop3A_225, %parallel_loop3A_441 : i32
        %parallel_loop3A_443 = arith.constant 13 : i32
        %parallel_loop3A_444 = arith.addi %parallel_loop3A_442, %parallel_loop3A_443 : i32
        %parallel_loop3A_445 = arith.constant 16 : i32
        %parallel_loop3A_446 = arith.muli %parallel_loop3A_227, %parallel_loop3A_445 : i32
        %parallel_loop3A_447 = arith.index_cast %parallel_loop3A_444 : i32 to index
        %parallel_loop3A_448 = arith.index_cast %parallel_loop3A_446 : i32 to index
        %parallel_loop3A_449 = tpu.vector_load %arg9[%parallel_loop3A_447, %parallel_loop3A_448] {strides = array<i32>} : memref<128x64xf32, #tpu.memory_space<vmem>>, vector<16xf32>,
        %parallel_loop3A_450 = arith.addf %parallel_loop3A_449, %parallel_loop3A_232 : vector<16xf32>
        %parallel_loop3A_451 = arith.constant 0 : i32
        %parallel_loop3A_452 = arith.constant 0 : i32
        %parallel_loop3A_453 = tpu.memref_slice %arg13[%parallel_loop3A_451, %parallel_loop3A_201, %parallel_loop3A_452] : memref<2x32x272xf32, #tpu.memory_space<vmem>> -> memref<1x1x272xf32, #tpu.memory_space<vmem>>
        %parallel_loop3A_454 = tpu.memref_squeeze %parallel_loop3A_453 : memref<1x1x272xf32, #tpu.memory_space<vmem>> -> memref<272xf32, #tpu.memory_space<vmem>>
        %parallel_loop3A_455 = arith.constant 221 : index
        %parallel_loop3A_456 = tpu.vector_load %parallel_loop3A_454[%parallel_loop3A_455] {strides = array<i32>} : memref<272xf32, #tpu.memory_space<vmem>>, vector<16xf32>,
        tpu.vector_store %parallel_loop3A_454[%parallel_loop3A_455], %parallel_loop3A_450 {strides = array<i32>} : memref<272xf32, #tpu.memory_space<vmem>>, vector<16xf32>,
        %parallel_loop3A_457 = arith.constant 16 : i32
        %parallel_loop3A_458 = arith.muli %parallel_loop3A_225, %parallel_loop3A_457 : i32
        %parallel_loop3A_459 = arith.constant 14 : i32
        %parallel_loop3A_460 = arith.addi %parallel_loop3A_458, %parallel_loop3A_459 : i32
        %parallel_loop3A_461 = arith.constant 16 : i32
        %parallel_loop3A_462 = arith.muli %parallel_loop3A_227, %parallel_loop3A_461 : i32
        %parallel_loop3A_463 = arith.index_cast %parallel_loop3A_460 : i32 to index
        %parallel_loop3A_464 = arith.index_cast %parallel_loop3A_462 : i32 to index
        %parallel_loop3A_465 = tpu.vector_load %arg9[%parallel_loop3A_463, %parallel_loop3A_464] {strides = array<i32>} : memref<128x64xf32, #tpu.memory_space<vmem>>, vector<16xf32>,
        %parallel_loop3A_466 = arith.addf %parallel_loop3A_465, %parallel_loop3A_232 : vector<16xf32>
        %parallel_loop3A_467 = arith.constant 0 : i32
        %parallel_loop3A_468 = arith.constant 0 : i32
        %parallel_loop3A_469 = tpu.memref_slice %arg13[%parallel_loop3A_467, %parallel_loop3A_201, %parallel_loop3A_468] : memref<2x32x272xf32, #tpu.memory_space<vmem>> -> memref<1x1x272xf32, #tpu.memory_space<vmem>>
        %parallel_loop3A_470 = tpu.memref_squeeze %parallel_loop3A_469 : memref<1x1x272xf32, #tpu.memory_space<vmem>> -> memref<272xf32, #tpu.memory_space<vmem>>
        %parallel_loop3A_471 = arith.constant 238 : index
        %parallel_loop3A_472 = tpu.vector_load %parallel_loop3A_470[%parallel_loop3A_471] {strides = array<i32>} : memref<272xf32, #tpu.memory_space<vmem>>, vector<16xf32>,
        tpu.vector_store %parallel_loop3A_470[%parallel_loop3A_471], %parallel_loop3A_466 {strides = array<i32>} : memref<272xf32, #tpu.memory_space<vmem>>, vector<16xf32>,
        %parallel_loop3A_473 = arith.constant 16 : i32
        %parallel_loop3A_474 = arith.muli %parallel_loop3A_225, %parallel_loop3A_473 : i32
        %parallel_loop3A_475 = arith.constant 15 : i32
        %parallel_loop3A_476 = arith.addi %parallel_loop3A_474, %parallel_loop3A_475 : i32
        %parallel_loop3A_477 = arith.constant 16 : i32
        %parallel_loop3A_478 = arith.muli %parallel_loop3A_227, %parallel_loop3A_477 : i32
        %parallel_loop3A_479 = arith.index_cast %parallel_loop3A_476 : i32 to index
        %parallel_loop3A_480 = arith.index_cast %parallel_loop3A_478 : i32 to index
        %parallel_loop3A_481 = tpu.vector_load %arg9[%parallel_loop3A_479, %parallel_loop3A_480] {strides = array<i32>} : memref<128x64xf32, #tpu.memory_space<vmem>>, vector<16xf32>,
        %parallel_loop3A_482 = arith.addf %parallel_loop3A_481, %parallel_loop3A_232 : vector<16xf32>
        %parallel_loop3A_483 = arith.constant 0 : i32
        %parallel_loop3A_484 = arith.constant 0 : i32
        %parallel_loop3A_485 = tpu.memref_slice %arg13[%parallel_loop3A_483, %parallel_loop3A_201, %parallel_loop3A_484] : memref<2x32x272xf32, #tpu.memory_space<vmem>> -> memref<1x1x272xf32, #tpu.memory_space<vmem>>
        %parallel_loop3A_486 = tpu.memref_squeeze %parallel_loop3A_485 : memref<1x1x272xf32, #tpu.memory_space<vmem>> -> memref<272xf32, #tpu.memory_space<vmem>>
        %parallel_loop3A_487 = arith.constant 255 : index
        %parallel_loop3A_488 = tpu.vector_load %parallel_loop3A_486[%parallel_loop3A_487] {strides = array<i32>} : memref<272xf32, #tpu.memory_space<vmem>>, vector<16xf32>,
        tpu.vector_store %parallel_loop3A_486[%parallel_loop3A_487], %parallel_loop3A_482 {strides = array<i32>} : memref<272xf32, #tpu.memory_space<vmem>>, vector<16xf32>,
        %parallel_loop3A_489 = arith.constant 0 : i32
        %parallel_loop3A_490 = arith.constant 0 : i32
        %parallel_loop3A_491 = tpu.memref_slice %arg13[%parallel_loop3A_489, %parallel_loop3A_201, %parallel_loop3A_490] : memref<2x32x272xf32, #tpu.memory_space<vmem>> -> memref<1x1x272xf32, #tpu.memory_space<vmem>>
        %parallel_loop3A_492 = tpu.memref_squeeze %parallel_loop3A_491 : memref<1x1x272xf32, #tpu.memory_space<vmem>> -> memref<272xf32, #tpu.memory_space<vmem>>
        %parallel_loop3A_493 = tpu.vector_load_idx %parallel_loop3A_492[%add3A_10] : memref<272xf32, #tpu.memory_space<vmem>>[vector<16xi32>], vector<16xf32>,
        %parallel_loop3A_494 = arith.constant 2 : i32
        %parallel_loop3A_495 = arith.muli %parallel_loop3A_227, %parallel_loop3A_494 : i32
        %parallel_loop3A_496 = arith.constant 0 : i32
        %parallel_loop3A_497 = arith.addi %parallel_loop3A_495, %parallel_loop3A_496 : i32
        %parallel_loop3A_498 = arith.constant 16 : i32
        %parallel_loop3A_499 = arith.muli %parallel_loop3A_225, %parallel_loop3A_498 : i32
        %parallel_loop3A_500 = arith.constant 0 : i32
        %parallel_loop3A_501 = arith.addi %parallel_loop3A_500, %parallel_loop3A_499 : i32
        %parallel_loop3A_502 = arith.index_cast %parallel_loop3A_497 : i32 to index
        %parallel_loop3A_503 = arith.index_cast %parallel_loop3A_501 : i32 to index
        %parallel_loop3A_504 = tpu.vector_load %arg11[%parallel_loop3A_502, %parallel_loop3A_503] {strides = array<i32>} : memref<8x1024xf32, #tpu.memory_space<vmem>>, vector<16xf32>,
        tpu.vector_store %arg11[%parallel_loop3A_502, %parallel_loop3A_503], %parallel_loop3A_493 {strides = array<i32>} : memref<8x1024xf32, #tpu.memory_space<vmem>>, vector<16xf32>,
        %parallel_loop3A_505 = arith.constant 0 : i32
        %parallel_loop3A_506 = arith.constant 0 : i32
        %parallel_loop3A_507 = tpu.memref_slice %arg13[%parallel_loop3A_505, %parallel_loop3A_201, %parallel_loop3A_506] : memref<2x32x272xf32, #tpu.memory_space<vmem>> -> memref<1x1x272xf32, #tpu.memory_space<vmem>>
        %parallel_loop3A_508 = tpu.memref_squeeze %parallel_loop3A_507 : memref<1x1x272xf32, #tpu.memory_space<vmem>> -> memref<272xf32, #tpu.memory_space<vmem>>
        %parallel_loop3A_509 = tpu.vector_load_idx %parallel_loop3A_508[%add3A_16] : memref<272xf32, #tpu.memory_space<vmem>>[vector<16xi32>], vector<16xf32>,
        %parallel_loop3A_510 = arith.constant 2 : i32
        %parallel_loop3A_511 = arith.muli %parallel_loop3A_227, %parallel_loop3A_510 : i32
        %parallel_loop3A_512 = arith.constant 0 : i32
        %parallel_loop3A_513 = arith.addi %parallel_loop3A_511, %parallel_loop3A_512 : i32
        %parallel_loop3A_514 = arith.constant 16 : i32
        %parallel_loop3A_515 = arith.muli %parallel_loop3A_225, %parallel_loop3A_514 : i32
        %parallel_loop3A_516 = arith.constant 128 : i32
        %parallel_loop3A_517 = arith.addi %parallel_loop3A_516, %parallel_loop3A_515 : i32
        %parallel_loop3A_518 = arith.index_cast %parallel_loop3A_513 : i32 to index
        %parallel_loop3A_519 = arith.index_cast %parallel_loop3A_517 : i32 to index
        %parallel_loop3A_520 = tpu.vector_load %arg11[%parallel_loop3A_518, %parallel_loop3A_519] {strides = array<i32>} : memref<8x1024xf32, #tpu.memory_space<vmem>>, vector<16xf32>,
        tpu.vector_store %arg11[%parallel_loop3A_518, %parallel_loop3A_519], %parallel_loop3A_509 {strides = array<i32>} : memref<8x1024xf32, #tpu.memory_space<vmem>>, vector<16xf32>,
        %parallel_loop3A_521 = arith.constant 0 : i32
        %parallel_loop3A_522 = arith.constant 0 : i32
        %parallel_loop3A_523 = tpu.memref_slice %arg13[%parallel_loop3A_521, %parallel_loop3A_201, %parallel_loop3A_522] : memref<2x32x272xf32, #tpu.memory_space<vmem>> -> memref<1x1x272xf32, #tpu.memory_space<vmem>>
        %parallel_loop3A_524 = tpu.memref_squeeze %parallel_loop3A_523 : memref<1x1x272xf32, #tpu.memory_space<vmem>> -> memref<272xf32, #tpu.memory_space<vmem>>
        %parallel_loop3A_525 = tpu.vector_load_idx %parallel_loop3A_524[%add3A_22] : memref<272xf32, #tpu.memory_space<vmem>>[vector<16xi32>], vector<16xf32>,
        %parallel_loop3A_526 = arith.constant 2 : i32
        %parallel_loop3A_527 = arith.muli %parallel_loop3A_227, %parallel_loop3A_526 : i32
        %parallel_loop3A_528 = arith.constant 0 : i32
        %parallel_loop3A_529 = arith.addi %parallel_loop3A_527, %parallel_loop3A_528 : i32
        %parallel_loop3A_530 = arith.constant 16 : i32
        %parallel_loop3A_531 = arith.muli %parallel_loop3A_225, %parallel_loop3A_530 : i32
        %parallel_loop3A_532 = arith.constant 256 : i32
        %parallel_loop3A_533 = arith.addi %parallel_loop3A_532, %parallel_loop3A_531 : i32
        %parallel_loop3A_534 = arith.index_cast %parallel_loop3A_529 : i32 to index
        %parallel_loop3A_535 = arith.index_cast %parallel_loop3A_533 : i32 to index
        %parallel_loop3A_536 = tpu.vector_load %arg11[%parallel_loop3A_534, %parallel_loop3A_535] {strides = array<i32>} : memref<8x1024xf32, #tpu.memory_space<vmem>>, vector<16xf32>,
        tpu.vector_store %arg11[%parallel_loop3A_534, %parallel_loop3A_535], %parallel_loop3A_525 {strides = array<i32>} : memref<8x1024xf32, #tpu.memory_space<vmem>>, vector<16xf32>,
        %parallel_loop3A_537 = arith.constant 0 : i32
        %parallel_loop3A_538 = arith.constant 0 : i32
        %parallel_loop3A_539 = tpu.memref_slice %arg13[%parallel_loop3A_537, %parallel_loop3A_201, %parallel_loop3A_538] : memref<2x32x272xf32, #tpu.memory_space<vmem>> -> memref<1x1x272xf32, #tpu.memory_space<vmem>>
        %parallel_loop3A_540 = tpu.memref_squeeze %parallel_loop3A_539 : memref<1x1x272xf32, #tpu.memory_space<vmem>> -> memref<272xf32, #tpu.memory_space<vmem>>
        %parallel_loop3A_541 = tpu.vector_load_idx %parallel_loop3A_540[%add3A_28] : memref<272xf32, #tpu.memory_space<vmem>>[vector<16xi32>], vector<16xf32>,
        %parallel_loop3A_542 = arith.constant 2 : i32
        %parallel_loop3A_543 = arith.muli %parallel_loop3A_227, %parallel_loop3A_542 : i32
        %parallel_loop3A_544 = arith.constant 0 : i32
        %parallel_loop3A_545 = arith.addi %parallel_loop3A_543, %parallel_loop3A_544 : i32
        %parallel_loop3A_546 = arith.constant 16 : i32
        %parallel_loop3A_547 = arith.muli %parallel_loop3A_225, %parallel_loop3A_546 : i32
        %parallel_loop3A_548 = arith.constant 384 : i32
        %parallel_loop3A_549 = arith.addi %parallel_loop3A_548, %parallel_loop3A_547 : i32
        %parallel_loop3A_550 = arith.index_cast %parallel_loop3A_545 : i32 to index
        %parallel_loop3A_551 = arith.index_cast %parallel_loop3A_549 : i32 to index
        %parallel_loop3A_552 = tpu.vector_load %arg11[%parallel_loop3A_550, %parallel_loop3A_551] {strides = array<i32>} : memref<8x1024xf32, #tpu.memory_space<vmem>>, vector<16xf32>,
        tpu.vector_store %arg11[%parallel_loop3A_550, %parallel_loop3A_551], %parallel_loop3A_541 {strides = array<i32>} : memref<8x1024xf32, #tpu.memory_space<vmem>>, vector<16xf32>,
        %parallel_loop3A_553 = arith.constant 0 : i32
        %parallel_loop3A_554 = arith.constant 0 : i32
        %parallel_loop3A_555 = tpu.memref_slice %arg13[%parallel_loop3A_553, %parallel_loop3A_201, %parallel_loop3A_554] : memref<2x32x272xf32, #tpu.memory_space<vmem>> -> memref<1x1x272xf32, #tpu.memory_space<vmem>>
        %parallel_loop3A_556 = tpu.memref_squeeze %parallel_loop3A_555 : memref<1x1x272xf32, #tpu.memory_space<vmem>> -> memref<272xf32, #tpu.memory_space<vmem>>
        %parallel_loop3A_557 = tpu.vector_load_idx %parallel_loop3A_556[%add3A_34] : memref<272xf32, #tpu.memory_space<vmem>>[vector<16xi32>], vector<16xf32>,
        %parallel_loop3A_558 = arith.constant 2 : i32
        %parallel_loop3A_559 = arith.muli %parallel_loop3A_227, %parallel_loop3A_558 : i32
        %parallel_loop3A_560 = arith.constant 0 : i32
        %parallel_loop3A_561 = arith.addi %parallel_loop3A_559, %parallel_loop3A_560 : i32
        %parallel_loop3A_562 = arith.constant 16 : i32
        %parallel_loop3A_563 = arith.muli %parallel_loop3A_225, %parallel_loop3A_562 : i32
        %parallel_loop3A_564 = arith.constant 512 : i32
        %parallel_loop3A_565 = arith.addi %parallel_loop3A_564, %parallel_loop3A_563 : i32
        %parallel_loop3A_566 = arith.index_cast %parallel_loop3A_561 : i32 to index
        %parallel_loop3A_567 = arith.index_cast %parallel_loop3A_565 : i32 to index
        %parallel_loop3A_568 = tpu.vector_load %arg11[%parallel_loop3A_566, %parallel_loop3A_567] {strides = array<i32>} : memref<8x1024xf32, #tpu.memory_space<vmem>>, vector<16xf32>,
        tpu.vector_store %arg11[%parallel_loop3A_566, %parallel_loop3A_567], %parallel_loop3A_557 {strides = array<i32>} : memref<8x1024xf32, #tpu.memory_space<vmem>>, vector<16xf32>,
        %parallel_loop3A_569 = arith.constant 0 : i32
        %parallel_loop3A_570 = arith.constant 0 : i32
        %parallel_loop3A_571 = tpu.memref_slice %arg13[%parallel_loop3A_569, %parallel_loop3A_201, %parallel_loop3A_570] : memref<2x32x272xf32, #tpu.memory_space<vmem>> -> memref<1x1x272xf32, #tpu.memory_space<vmem>>
        %parallel_loop3A_572 = tpu.memref_squeeze %parallel_loop3A_571 : memref<1x1x272xf32, #tpu.memory_space<vmem>> -> memref<272xf32, #tpu.memory_space<vmem>>
        %parallel_loop3A_573 = tpu.vector_load_idx %parallel_loop3A_572[%add3A_40] : memref<272xf32, #tpu.memory_space<vmem>>[vector<16xi32>], vector<16xf32>,
        %parallel_loop3A_574 = arith.constant 2 : i32
        %parallel_loop3A_575 = arith.muli %parallel_loop3A_227, %parallel_loop3A_574 : i32
        %parallel_loop3A_576 = arith.constant 0 : i32
        %parallel_loop3A_577 = arith.addi %parallel_loop3A_575, %parallel_loop3A_576 : i32
        %parallel_loop3A_578 = arith.constant 16 : i32
        %parallel_loop3A_579 = arith.muli %parallel_loop3A_225, %parallel_loop3A_578 : i32
        %parallel_loop3A_580 = arith.constant 640 : i32
        %parallel_loop3A_581 = arith.addi %parallel_loop3A_580, %parallel_loop3A_579 : i32
        %parallel_loop3A_582 = arith.index_cast %parallel_loop3A_577 : i32 to index
        %parallel_loop3A_583 = arith.index_cast %parallel_loop3A_581 : i32 to index
        %parallel_loop3A_584 = tpu.vector_load %arg11[%parallel_loop3A_582, %parallel_loop3A_583] {strides = array<i32>} : memref<8x1024xf32, #tpu.memory_space<vmem>>, vector<16xf32>,
        tpu.vector_store %arg11[%parallel_loop3A_582, %parallel_loop3A_583], %parallel_loop3A_573 {strides = array<i32>} : memref<8x1024xf32, #tpu.memory_space<vmem>>, vector<16xf32>,
        %parallel_loop3A_585 = arith.constant 0 : i32
        %parallel_loop3A_586 = arith.constant 0 : i32
        %parallel_loop3A_587 = tpu.memref_slice %arg13[%parallel_loop3A_585, %parallel_loop3A_201, %parallel_loop3A_586] : memref<2x32x272xf32, #tpu.memory_space<vmem>> -> memref<1x1x272xf32, #tpu.memory_space<vmem>>
        %parallel_loop3A_588 = tpu.memref_squeeze %parallel_loop3A_587 : memref<1x1x272xf32, #tpu.memory_space<vmem>> -> memref<272xf32, #tpu.memory_space<vmem>>
        %parallel_loop3A_589 = tpu.vector_load_idx %parallel_loop3A_588[%add3A_46] : memref<272xf32, #tpu.memory_space<vmem>>[vector<16xi32>], vector<16xf32>,
        %parallel_loop3A_590 = arith.constant 2 : i32
        %parallel_loop3A_591 = arith.muli %parallel_loop3A_227, %parallel_loop3A_590 : i32
        %parallel_loop3A_592 = arith.constant 0 : i32
        %parallel_loop3A_593 = arith.addi %parallel_loop3A_591, %parallel_loop3A_592 : i32
        %parallel_loop3A_594 = arith.constant 16 : i32
        %parallel_loop3A_595 = arith.muli %parallel_loop3A_225, %parallel_loop3A_594 : i32
        %parallel_loop3A_596 = arith.constant 768 : i32
        %parallel_loop3A_597 = arith.addi %parallel_loop3A_596, %parallel_loop3A_595 : i32
        %parallel_loop3A_598 = arith.index_cast %parallel_loop3A_593 : i32 to index
        %parallel_loop3A_599 = arith.index_cast %parallel_loop3A_597 : i32 to index
        %parallel_loop3A_600 = tpu.vector_load %arg11[%parallel_loop3A_598, %parallel_loop3A_599] {strides = array<i32>} : memref<8x1024xf32, #tpu.memory_space<vmem>>, vector<16xf32>,
        tpu.vector_store %arg11[%parallel_loop3A_598, %parallel_loop3A_599], %parallel_loop3A_589 {strides = array<i32>} : memref<8x1024xf32, #tpu.memory_space<vmem>>, vector<16xf32>,
        %parallel_loop3A_601 = arith.constant 0 : i32
        %parallel_loop3A_602 = arith.constant 0 : i32
        %parallel_loop3A_603 = tpu.memref_slice %arg13[%parallel_loop3A_601, %parallel_loop3A_201, %parallel_loop3A_602] : memref<2x32x272xf32, #tpu.memory_space<vmem>> -> memref<1x1x272xf32, #tpu.memory_space<vmem>>
        %parallel_loop3A_604 = tpu.memref_squeeze %parallel_loop3A_603 : memref<1x1x272xf32, #tpu.memory_space<vmem>> -> memref<272xf32, #tpu.memory_space<vmem>>
        %parallel_loop3A_605 = tpu.vector_load_idx %parallel_loop3A_604[%add3A_52] : memref<272xf32, #tpu.memory_space<vmem>>[vector<16xi32>], vector<16xf32>,
        %parallel_loop3A_606 = arith.constant 2 : i32
        %parallel_loop3A_607 = arith.muli %parallel_loop3A_227, %parallel_loop3A_606 : i32
        %parallel_loop3A_608 = arith.constant 0 : i32
        %parallel_loop3A_609 = arith.addi %parallel_loop3A_607, %parallel_loop3A_608 : i32
        %parallel_loop3A_610 = arith.constant 16 : i32
        %parallel_loop3A_611 = arith.muli %parallel_loop3A_225, %parallel_loop3A_610 : i32
        %parallel_loop3A_612 = arith.constant 896 : i32
        %parallel_loop3A_613 = arith.addi %parallel_loop3A_612, %parallel_loop3A_611 : i32
        %parallel_loop3A_614 = arith.index_cast %parallel_loop3A_609 : i32 to index
        %parallel_loop3A_615 = arith.index_cast %parallel_loop3A_613 : i32 to index
        %parallel_loop3A_616 = tpu.vector_load %arg11[%parallel_loop3A_614, %parallel_loop3A_615] {strides = array<i32>} : memref<8x1024xf32, #tpu.memory_space<vmem>>, vector<16xf32>,
        tpu.vector_store %arg11[%parallel_loop3A_614, %parallel_loop3A_615], %parallel_loop3A_605 {strides = array<i32>} : memref<8x1024xf32, #tpu.memory_space<vmem>>, vector<16xf32>,
        %parallel_loop3A_617 = arith.constant 0 : i32
        %parallel_loop3A_618 = arith.constant 0 : i32
        %parallel_loop3A_619 = tpu.memref_slice %arg13[%parallel_loop3A_617, %parallel_loop3A_201, %parallel_loop3A_618] : memref<2x32x272xf32, #tpu.memory_space<vmem>> -> memref<1x1x272xf32, #tpu.memory_space<vmem>>
        %parallel_loop3A_620 = tpu.memref_squeeze %parallel_loop3A_619 : memref<1x1x272xf32, #tpu.memory_space<vmem>> -> memref<272xf32, #tpu.memory_space<vmem>>
        %parallel_loop3A_621 = tpu.vector_load_idx %parallel_loop3A_620[%add3A_58] : memref<272xf32, #tpu.memory_space<vmem>>[vector<16xi32>], vector<16xf32>,
        %parallel_loop3A_622 = arith.constant 2 : i32
        %parallel_loop3A_623 = arith.muli %parallel_loop3A_227, %parallel_loop3A_622 : i32
        %parallel_loop3A_624 = arith.constant 1 : i32
        %parallel_loop3A_625 = arith.addi %parallel_loop3A_623, %parallel_loop3A_624 : i32
        %parallel_loop3A_626 = arith.constant 16 : i32
        %parallel_loop3A_627 = arith.muli %parallel_loop3A_225, %parallel_loop3A_626 : i32
        %parallel_loop3A_628 = arith.constant 0 : i32
        %parallel_loop3A_629 = arith.addi %parallel_loop3A_628, %parallel_loop3A_627 : i32
        %parallel_loop3A_630 = arith.index_cast %parallel_loop3A_625 : i32 to index
        %parallel_loop3A_631 = arith.index_cast %parallel_loop3A_629 : i32 to index
        %parallel_loop3A_632 = tpu.vector_load %arg11[%parallel_loop3A_630, %parallel_loop3A_631] {strides = array<i32>} : memref<8x1024xf32, #tpu.memory_space<vmem>>, vector<16xf32>,
        tpu.vector_store %arg11[%parallel_loop3A_630, %parallel_loop3A_631], %parallel_loop3A_621 {strides = array<i32>} : memref<8x1024xf32, #tpu.memory_space<vmem>>, vector<16xf32>,
        %parallel_loop3A_633 = arith.constant 0 : i32
        %parallel_loop3A_634 = arith.constant 0 : i32
        %parallel_loop3A_635 = tpu.memref_slice %arg13[%parallel_loop3A_633, %parallel_loop3A_201, %parallel_loop3A_634] : memref<2x32x272xf32, #tpu.memory_space<vmem>> -> memref<1x1x272xf32, #tpu.memory_space<vmem>>
        %parallel_loop3A_636 = tpu.memref_squeeze %parallel_loop3A_635 : memref<1x1x272xf32, #tpu.memory_space<vmem>> -> memref<272xf32, #tpu.memory_space<vmem>>
        %parallel_loop3A_637 = tpu.vector_load_idx %parallel_loop3A_636[%add3A_64] : memref<272xf32, #tpu.memory_space<vmem>>[vector<16xi32>], vector<16xf32>,
        %parallel_loop3A_638 = arith.constant 2 : i32
        %parallel_loop3A_639 = arith.muli %parallel_loop3A_227, %parallel_loop3A_638 : i32
        %parallel_loop3A_640 = arith.constant 1 : i32
        %parallel_loop3A_641 = arith.addi %parallel_loop3A_639, %parallel_loop3A_640 : i32
        %parallel_loop3A_642 = arith.constant 16 : i32
        %parallel_loop3A_643 = arith.muli %parallel_loop3A_225, %parallel_loop3A_642 : i32
        %parallel_loop3A_644 = arith.constant 128 : i32
        %parallel_loop3A_645 = arith.addi %parallel_loop3A_644, %parallel_loop3A_643 : i32
        %parallel_loop3A_646 = arith.index_cast %parallel_loop3A_641 : i32 to index
        %parallel_loop3A_647 = arith.index_cast %parallel_loop3A_645 : i32 to index
        %parallel_loop3A_648 = tpu.vector_load %arg11[%parallel_loop3A_646, %parallel_loop3A_647] {strides = array<i32>} : memref<8x1024xf32, #tpu.memory_space<vmem>>, vector<16xf32>,
        tpu.vector_store %arg11[%parallel_loop3A_646, %parallel_loop3A_647], %parallel_loop3A_637 {strides = array<i32>} : memref<8x1024xf32, #tpu.memory_space<vmem>>, vector<16xf32>,
        %parallel_loop3A_649 = arith.constant 0 : i32
        %parallel_loop3A_650 = arith.constant 0 : i32
        %parallel_loop3A_651 = tpu.memref_slice %arg13[%parallel_loop3A_649, %parallel_loop3A_201, %parallel_loop3A_650] : memref<2x32x272xf32, #tpu.memory_space<vmem>> -> memref<1x1x272xf32, #tpu.memory_space<vmem>>
        %parallel_loop3A_652 = tpu.memref_squeeze %parallel_loop3A_651 : memref<1x1x272xf32, #tpu.memory_space<vmem>> -> memref<272xf32, #tpu.memory_space<vmem>>
        %parallel_loop3A_653 = tpu.vector_load_idx %parallel_loop3A_652[%add3A_70] : memref<272xf32, #tpu.memory_space<vmem>>[vector<16xi32>], vector<16xf32>,
        %parallel_loop3A_654 = arith.constant 2 : i32
        %parallel_loop3A_655 = arith.muli %parallel_loop3A_227, %parallel_loop3A_654 : i32
        %parallel_loop3A_656 = arith.constant 1 : i32
        %parallel_loop3A_657 = arith.addi %parallel_loop3A_655, %parallel_loop3A_656 : i32
        %parallel_loop3A_658 = arith.constant 16 : i32
        %parallel_loop3A_659 = arith.muli %parallel_loop3A_225, %parallel_loop3A_658 : i32
        %parallel_loop3A_660 = arith.constant 256 : i32
        %parallel_loop3A_661 = arith.addi %parallel_loop3A_660, %parallel_loop3A_659 : i32
        %parallel_loop3A_662 = arith.index_cast %parallel_loop3A_657 : i32 to index
        %parallel_loop3A_663 = arith.index_cast %parallel_loop3A_661 : i32 to index
        %parallel_loop3A_664 = tpu.vector_load %arg11[%parallel_loop3A_662, %parallel_loop3A_663] {strides = array<i32>} : memref<8x1024xf32, #tpu.memory_space<vmem>>, vector<16xf32>,
        tpu.vector_store %arg11[%parallel_loop3A_662, %parallel_loop3A_663], %parallel_loop3A_653 {strides = array<i32>} : memref<8x1024xf32, #tpu.memory_space<vmem>>, vector<16xf32>,
        %parallel_loop3A_665 = arith.constant 0 : i32
        %parallel_loop3A_666 = arith.constant 0 : i32
        %parallel_loop3A_667 = tpu.memref_slice %arg13[%parallel_loop3A_665, %parallel_loop3A_201, %parallel_loop3A_666] : memref<2x32x272xf32, #tpu.memory_space<vmem>> -> memref<1x1x272xf32, #tpu.memory_space<vmem>>
        %parallel_loop3A_668 = tpu.memref_squeeze %parallel_loop3A_667 : memref<1x1x272xf32, #tpu.memory_space<vmem>> -> memref<272xf32, #tpu.memory_space<vmem>>
        %parallel_loop3A_669 = tpu.vector_load_idx %parallel_loop3A_668[%add3A_76] : memref<272xf32, #tpu.memory_space<vmem>>[vector<16xi32>], vector<16xf32>,
        %parallel_loop3A_670 = arith.constant 2 : i32
        %parallel_loop3A_671 = arith.muli %parallel_loop3A_227, %parallel_loop3A_670 : i32
        %parallel_loop3A_672 = arith.constant 1 : i32
        %parallel_loop3A_673 = arith.addi %parallel_loop3A_671, %parallel_loop3A_672 : i32
        %parallel_loop3A_674 = arith.constant 16 : i32
        %parallel_loop3A_675 = arith.muli %parallel_loop3A_225, %parallel_loop3A_674 : i32
        %parallel_loop3A_676 = arith.constant 384 : i32
        %parallel_loop3A_677 = arith.addi %parallel_loop3A_676, %parallel_loop3A_675 : i32
        %parallel_loop3A_678 = arith.index_cast %parallel_loop3A_673 : i32 to index
        %parallel_loop3A_679 = arith.index_cast %parallel_loop3A_677 : i32 to index
        %parallel_loop3A_680 = tpu.vector_load %arg11[%parallel_loop3A_678, %parallel_loop3A_679] {strides = array<i32>} : memref<8x1024xf32, #tpu.memory_space<vmem>>, vector<16xf32>,
        tpu.vector_store %arg11[%parallel_loop3A_678, %parallel_loop3A_679], %parallel_loop3A_669 {strides = array<i32>} : memref<8x1024xf32, #tpu.memory_space<vmem>>, vector<16xf32>,
        %parallel_loop3A_681 = arith.constant 0 : i32
        %parallel_loop3A_682 = arith.constant 0 : i32
        %parallel_loop3A_683 = tpu.memref_slice %arg13[%parallel_loop3A_681, %parallel_loop3A_201, %parallel_loop3A_682] : memref<2x32x272xf32, #tpu.memory_space<vmem>> -> memref<1x1x272xf32, #tpu.memory_space<vmem>>
        %parallel_loop3A_684 = tpu.memref_squeeze %parallel_loop3A_683 : memref<1x1x272xf32, #tpu.memory_space<vmem>> -> memref<272xf32, #tpu.memory_space<vmem>>
        %parallel_loop3A_685 = tpu.vector_load_idx %parallel_loop3A_684[%add3A_82] : memref<272xf32, #tpu.memory_space<vmem>>[vector<16xi32>], vector<16xf32>,
        %parallel_loop3A_686 = arith.constant 2 : i32
        %parallel_loop3A_687 = arith.muli %parallel_loop3A_227, %parallel_loop3A_686 : i32
        %parallel_loop3A_688 = arith.constant 1 : i32
        %parallel_loop3A_689 = arith.addi %parallel_loop3A_687, %parallel_loop3A_688 : i32
        %parallel_loop3A_690 = arith.constant 16 : i32
        %parallel_loop3A_691 = arith.muli %parallel_loop3A_225, %parallel_loop3A_690 : i32
        %parallel_loop3A_692 = arith.constant 512 : i32
        %parallel_loop3A_693 = arith.addi %parallel_loop3A_692, %parallel_loop3A_691 : i32
        %parallel_loop3A_694 = arith.index_cast %parallel_loop3A_689 : i32 to index
        %parallel_loop3A_695 = arith.index_cast %parallel_loop3A_693 : i32 to index
        %parallel_loop3A_696 = tpu.vector_load %arg11[%parallel_loop3A_694, %parallel_loop3A_695] {strides = array<i32>} : memref<8x1024xf32, #tpu.memory_space<vmem>>, vector<16xf32>,
        tpu.vector_store %arg11[%parallel_loop3A_694, %parallel_loop3A_695], %parallel_loop3A_685 {strides = array<i32>} : memref<8x1024xf32, #tpu.memory_space<vmem>>, vector<16xf32>,
        %parallel_loop3A_697 = arith.constant 0 : i32
        %parallel_loop3A_698 = arith.constant 0 : i32
        %parallel_loop3A_699 = tpu.memref_slice %arg13[%parallel_loop3A_697, %parallel_loop3A_201, %parallel_loop3A_698] : memref<2x32x272xf32, #tpu.memory_space<vmem>> -> memref<1x1x272xf32, #tpu.memory_space<vmem>>
        %parallel_loop3A_700 = tpu.memref_squeeze %parallel_loop3A_699 : memref<1x1x272xf32, #tpu.memory_space<vmem>> -> memref<272xf32, #tpu.memory_space<vmem>>
        %parallel_loop3A_701 = tpu.vector_load_idx %parallel_loop3A_700[%add3A_88] : memref<272xf32, #tpu.memory_space<vmem>>[vector<16xi32>], vector<16xf32>,
        %parallel_loop3A_702 = arith.constant 2 : i32
        %parallel_loop3A_703 = arith.muli %parallel_loop3A_227, %parallel_loop3A_702 : i32
        %parallel_loop3A_704 = arith.constant 1 : i32
        %parallel_loop3A_705 = arith.addi %parallel_loop3A_703, %parallel_loop3A_704 : i32
        %parallel_loop3A_706 = arith.constant 16 : i32
        %parallel_loop3A_707 = arith.muli %parallel_loop3A_225, %parallel_loop3A_706 : i32
        %parallel_loop3A_708 = arith.constant 640 : i32
        %parallel_loop3A_709 = arith.addi %parallel_loop3A_708, %parallel_loop3A_707 : i32
        %parallel_loop3A_710 = arith.index_cast %parallel_loop3A_705 : i32 to index
        %parallel_loop3A_711 = arith.index_cast %parallel_loop3A_709 : i32 to index
        %parallel_loop3A_712 = tpu.vector_load %arg11[%parallel_loop3A_710, %parallel_loop3A_711] {strides = array<i32>} : memref<8x1024xf32, #tpu.memory_space<vmem>>, vector<16xf32>,
        tpu.vector_store %arg11[%parallel_loop3A_710, %parallel_loop3A_711], %parallel_loop3A_701 {strides = array<i32>} : memref<8x1024xf32, #tpu.memory_space<vmem>>, vector<16xf32>,
        %parallel_loop3A_713 = arith.constant 0 : i32
        %parallel_loop3A_714 = arith.constant 0 : i32
        %parallel_loop3A_715 = tpu.memref_slice %arg13[%parallel_loop3A_713, %parallel_loop3A_201, %parallel_loop3A_714] : memref<2x32x272xf32, #tpu.memory_space<vmem>> -> memref<1x1x272xf32, #tpu.memory_space<vmem>>
        %parallel_loop3A_716 = tpu.memref_squeeze %parallel_loop3A_715 : memref<1x1x272xf32, #tpu.memory_space<vmem>> -> memref<272xf32, #tpu.memory_space<vmem>>
        %parallel_loop3A_717 = tpu.vector_load_idx %parallel_loop3A_716[%add3A_94] : memref<272xf32, #tpu.memory_space<vmem>>[vector<16xi32>], vector<16xf32>,
        %parallel_loop3A_718 = arith.constant 2 : i32
        %parallel_loop3A_719 = arith.muli %parallel_loop3A_227, %parallel_loop3A_718 : i32
        %parallel_loop3A_720 = arith.constant 1 : i32
        %parallel_loop3A_721 = arith.addi %parallel_loop3A_719, %parallel_loop3A_720 : i32
        %parallel_loop3A_722 = arith.constant 16 : i32
        %parallel_loop3A_723 = arith.muli %parallel_loop3A_225, %parallel_loop3A_722 : i32
        %parallel_loop3A_724 = arith.constant 768 : i32
        %parallel_loop3A_725 = arith.addi %parallel_loop3A_724, %parallel_loop3A_723 : i32
        %parallel_loop3A_726 = arith.index_cast %parallel_loop3A_721 : i32 to index
        %parallel_loop3A_727 = arith.index_cast %parallel_loop3A_725 : i32 to index
        %parallel_loop3A_728 = tpu.vector_load %arg11[%parallel_loop3A_726, %parallel_loop3A_727] {strides = array<i32>} : memref<8x1024xf32, #tpu.memory_space<vmem>>, vector<16xf32>,
        tpu.vector_store %arg11[%parallel_loop3A_726, %parallel_loop3A_727], %parallel_loop3A_717 {strides = array<i32>} : memref<8x1024xf32, #tpu.memory_space<vmem>>, vector<16xf32>,
        %parallel_loop3A_729 = arith.constant 0 : i32
        %parallel_loop3A_730 = arith.constant 0 : i32
        %parallel_loop3A_731 = tpu.memref_slice %arg13[%parallel_loop3A_729, %parallel_loop3A_201, %parallel_loop3A_730] : memref<2x32x272xf32, #tpu.memory_space<vmem>> -> memref<1x1x272xf32, #tpu.memory_space<vmem>>
        %parallel_loop3A_732 = tpu.memref_squeeze %parallel_loop3A_731 : memref<1x1x272xf32, #tpu.memory_space<vmem>> -> memref<272xf32, #tpu.memory_space<vmem>>
        %parallel_loop3A_733 = tpu.vector_load_idx %parallel_loop3A_732[%add3A_100] : memref<272xf32, #tpu.memory_space<vmem>>[vector<16xi32>], vector<16xf32>,
        %parallel_loop3A_734 = arith.constant 2 : i32
        %parallel_loop3A_735 = arith.muli %parallel_loop3A_227, %parallel_loop3A_734 : i32
        %parallel_loop3A_736 = arith.constant 1 : i32
        %parallel_loop3A_737 = arith.addi %parallel_loop3A_735, %parallel_loop3A_736 : i32
        %parallel_loop3A_738 = arith.constant 16 : i32
        %parallel_loop3A_739 = arith.muli %parallel_loop3A_225, %parallel_loop3A_738 : i32
        %parallel_loop3A_740 = arith.constant 896 : i32
        %parallel_loop3A_741 = arith.addi %parallel_loop3A_740, %parallel_loop3A_739 : i32
        %parallel_loop3A_742 = arith.index_cast %parallel_loop3A_737 : i32 to index
        %parallel_loop3A_743 = arith.index_cast %parallel_loop3A_741 : i32 to index
        %parallel_loop3A_744 = tpu.vector_load %arg11[%parallel_loop3A_742, %parallel_loop3A_743] {strides = array<i32>} : memref<8x1024xf32, #tpu.memory_space<vmem>>, vector<16xf32>,
        tpu.vector_store %arg11[%parallel_loop3A_742, %parallel_loop3A_743], %parallel_loop3A_733 {strides = array<i32>} : memref<8x1024xf32, #tpu.memory_space<vmem>>, vector<16xf32>,
      } {sc.loop_unroll_factor = 8 : i64, sc.parallel_access}
      %dma_start3A_159 = arith.constant 0 : i32
      %dma_start3A_160 = arith.constant 0 : i32
      %dma_start3A_161 = tpu.memref_slice %arg5[%add3A_142, %dma_start3A_159, %add3A, %dma_start3A_160] : memref<200x8x32x1024xf32, #tpu.memory_space<hbm>> -> memref<1x8x1x1024xf32, #tpu.memory_space<hbm>>
      %dma_start3A_162 = tpu.memref_squeeze %dma_start3A_161 : memref<1x8x1x1024xf32, #tpu.memory_space<hbm>> -> memref<8x1024xf32, #tpu.memory_space<hbm>>
      %dma_start3A_163 = arith.constant 0 : i32
      %dma_start3A_164 = arith.constant 0 : i32
      %dma_start3A_165 = tpu.memref_slice %arg5[%add3A_142, %dma_start3A_163, %add3A, %dma_start3A_164] : memref<200x8x32x1024xf32, #tpu.memory_space<hbm>> -> memref<1x8x1x1024xf32, #tpu.memory_space<hbm>>
      %dma_start3A_166 = tpu.memref_squeeze %dma_start3A_165 : memref<1x8x1x1024xf32, #tpu.memory_space<hbm>> -> memref<8x1024xf32, #tpu.memory_space<hbm>>
      tpu.enqueue_dma source(%arg11 : memref<8x1024xf32, #tpu.memory_space<vmem>>) target(%dma_start3A_166 : memref<8x1024xf32, #tpu.memory_space<hbm>>) target_semaphore(%arg16 : memref<!tpu.dma_semaphore, #tpu.memory_space<semaphore_mem>>)
      %mul3A_167 = arith.constant 2 : i32
      %mul3A_168 = arith.muli %mul3A_167, %scan3A_137 : i32
      %add3A_169 = arith.constant 1 : i32
      %add3A_170 = arith.addi %mul3A_168, %add3A_169 : i32
      %dma_wait3A_171 = arith.constant 0 : i32
      %dma_wait3A_172 = tpu.memref_slice %arg7[%add3A_170, %dma_wait3A_171] : memref<200x128xi32, #tpu.memory_space<vmem>> -> memref<1x128xi32, #tpu.memory_space<vmem>>
      %dma_wait3A_173 = tpu.memref_squeeze %dma_wait3A_172 : memref<1x128xi32, #tpu.memory_space<vmem>> -> memref<128xi32, #tpu.memory_space<vmem>>
      %dma_wait3A_174 = arith.constant 0 : i32
      %dma_wait3A_175 = arith.constant 0 : i32
      %dma_wait3A_176 = tpu.memref_slice %arg4[%dma_wait3A_174, %dma_wait3A_175] : memref<100000x64xf32, #tpu.memory_space<hbm>> -> memref<100000x64xf32, #tpu.memory_space<hbm>>
      tpu.wait_indirect_dma semaphore(%arg15 : memref<!tpu.dma_semaphore, #tpu.memory_space<semaphore_mem>>) src(%dma_wait3A_176 : memref<100000x64xf32, #tpu.memory_space<hbm>>) dst(%arg10 : memref<128x64xf32, #tpu.memory_space<vmem>>)
      %add3A_177 = arith.constant 1 : i32
      %add3A_178 = arith.addi %add3A_170, %add3A_177 : i32
      %lt3A_179 = arith.constant 200 : i32
      %lt3A_180 = arith.cmpi slt, %add3A_178, %lt3A_179 : i32
      %convert_element_type3A_181 = arith.extui %lt3A_180 : i1 to i32
      %cond3A_182 = arith.constant 0 : i32
      %cond3A_183 = arith.cmpi ne, %convert_element_type3A_181, %cond3A_182 : i32
      scf.if %cond3A_183 {
        %add3A_201 = arith.constant 1 : i32
        %add3A_202 = arith.addi %add3A_170, %add3A_201 : i32
        %dma_start3A_203 = arith.constant 0 : i32
        %dma_start3A_204 = tpu.memref_slice %arg7[%add3A_202, %dma_start3A_203] : memref<200x128xi32, #tpu.memory_space<vmem>> -> memref<1x128xi32, #tpu.memory_space<vmem>>
        %dma_start3A_205 = tpu.memref_squeeze %dma_start3A_204 : memref<1x128xi32, #tpu.memory_space<vmem>> -> memref<128xi32, #tpu.memory_space<vmem>>
        %dma_start3A_206 = arith.constant 0 : i32
        %dma_start3A_207 = arith.constant 0 : i32
        %dma_start3A_208 = tpu.memref_slice %arg4[%dma_start3A_206, %dma_start3A_207] : memref<100000x64xf32, #tpu.memory_space<hbm>> -> memref<100000x64xf32, #tpu.memory_space<hbm>>
        tpu.enqueue_indirect_dma source(%dma_start3A_208 : memref<100000x64xf32, #tpu.memory_space<hbm>>) target(%arg9 : memref<128x64xf32, #tpu.memory_space<vmem>>) offsets(%dma_start3A_205 : memref<128xi32, #tpu.memory_space<vmem>>) semaphore(%arg14 : memref<!tpu.dma_semaphore, #tpu.memory_space<semaphore_mem>>)
      } else {
      }
      %ge3A_184 = arith.constant 2 : i32
      %ge3A_185 = arith.cmpi sge, %add3A_170, %ge3A_184 : i32
      %convert_element_type3A_186 = arith.extui %ge3A_185 : i1 to i32
      %cond3A_187 = arith.constant 0 : i32
      %cond3A_188 = arith.cmpi ne, %convert_element_type3A_186, %cond3A_187 : i32
      scf.if %cond3A_188 {
        %sub3A = arith.constant 2 : i32
        %sub3A_201 = arith.subi %add3A_170, %sub3A : i32
        %dma_wait3A_202 = arith.constant 0 : i32
        %dma_wait3A_203 = arith.constant 0 : i32
        %dma_wait3A_204 = tpu.memref_slice %arg5[%sub3A_201, %dma_wait3A_202, %add3A, %dma_wait3A_203] : memref<200x8x32x1024xf32, #tpu.memory_space<hbm>> -> memref<1x8x1x1024xf32, #tpu.memory_space<hbm>>
        %dma_wait3A_205 = tpu.memref_squeeze %dma_wait3A_204 : memref<1x8x1x1024xf32, #tpu.memory_space<hbm>> -> memref<8x1024xf32, #tpu.memory_space<hbm>>
        %dma_wait3A_206 = arith.constant 0 : i32
        %dma_wait3A_207 = arith.constant 0 : i32
        %dma_wait3A_208 = tpu.memref_slice %arg5[%sub3A_201, %dma_wait3A_206, %add3A, %dma_wait3A_207] : memref<200x8x32x1024xf32, #tpu.memory_space<hbm>> -> memref<1x8x1x1024xf32, #tpu.memory_space<hbm>>
        %dma_wait3A_209 = tpu.memref_squeeze %dma_wait3A_208 : memref<1x8x1x1024xf32, #tpu.memory_space<hbm>> -> memref<8x1024xf32, #tpu.memory_space<hbm>>
        tpu.wait_dma2 semaphore(%arg17 : memref<!tpu.dma_semaphore, #tpu.memory_space<semaphore_mem>>) src(%arg12 : memref<8x1024xf32, #tpu.memory_space<vmem>>) dst(%dma_wait3A_209 : memref<8x1024xf32, #tpu.memory_space<hbm>>)
      } else {
      }
      %parallel_loop3A_189 = arith.constant 0 : i32
      %parallel_loop3A_190 = arith.constant 32 : i32
      %parallel_loop3A_191 = arith.constant 1 : i32
      scf.for %parallel_loop3A_201 = %parallel_loop3A_189 to %parallel_loop3A_190 step %parallel_loop3A_191  : i32 {
        %parallel_loop3A_202 = arith.constant 4 : i32
        %parallel_loop3A_203 = arith.divsi %parallel_loop3A_201, %parallel_loop3A_202 : i32
        %parallel_loop3A_204 = arith.constant 0 : i32
        %parallel_loop3A_205 = arith.cmpi sgt, %parallel_loop3A_201, %parallel_loop3A_204 : i32
        %parallel_loop3A_206 = arith.extui %parallel_loop3A_205 : i1 to i32
        %parallel_loop3A_207 = arith.constant 0 : i32
        %parallel_loop3A_208 = arith.cmpi slt, %parallel_loop3A_201, %parallel_loop3A_207 : i32
        %parallel_loop3A_209 = arith.extui %parallel_loop3A_208 : i1 to i32
        %parallel_loop3A_210 = arith.subi %parallel_loop3A_206, %parallel_loop3A_209 : i32
        %parallel_loop3A_211 = arith.constant 0 : i32
        %parallel_loop3A_212 = arith.cmpi sgt, %parallel_loop3A_202, %parallel_loop3A_211 : i32
        %parallel_loop3A_213 = arith.extui %parallel_loop3A_212 : i1 to i32
        %parallel_loop3A_214 = arith.constant 0 : i32
        %parallel_loop3A_215 = arith.cmpi slt, %parallel_loop3A_202, %parallel_loop3A_214 : i32
        %parallel_loop3A_216 = arith.extui %parallel_loop3A_215 : i1 to i32
        %parallel_loop3A_217 = arith.subi %parallel_loop3A_213, %parallel_loop3A_216 : i32
        %parallel_loop3A_218 = arith.cmpi ne, %parallel_loop3A_210, %parallel_loop3A_217 : i32
        %parallel_loop3A_219 = arith.remsi %parallel_loop3A_201, %parallel_loop3A_202 : i32
        %parallel_loop3A_220 = arith.constant 0 : i32
        %parallel_loop3A_221 = arith.cmpi ne, %parallel_loop3A_219, %parallel_loop3A_220 : i32
        %parallel_loop3A_222 = arith.andi %parallel_loop3A_218, %parallel_loop3A_221 : i1
        %parallel_loop3A_223 = arith.constant 1 : i32
        %parallel_loop3A_224 = arith.subi %parallel_loop3A_203, %parallel_loop3A_223 : i32
        %parallel_loop3A_225 = arith.select %parallel_loop3A_222, %parallel_loop3A_224, %parallel_loop3A_203 : i32
        %parallel_loop3A_226 = arith.constant 4 : i32
        %parallel_loop3A_227 = arith.remsi %parallel_loop3A_201, %parallel_loop3A_226 : i32
        %parallel_loop3A_228 = arith.constant 16 : i32
        %parallel_loop3A_229 = arith.muli %parallel_loop3A_227, %parallel_loop3A_228 : i32
        %parallel_loop3A_230 = arith.index_cast %add3A_170 : i32 to index
        %parallel_loop3A_231 = arith.index_cast %parallel_loop3A_229 : i32 to index
        %parallel_loop3A_232 = tpu.vector_load %arg8[%parallel_loop3A_230, %parallel_loop3A_231] {strides = array<i32>} : memref<200x64xf32, #tpu.memory_space<vmem>>, vector<16xf32>,
        %parallel_loop3A_233 = arith.constant 16 : i32
        %parallel_loop3A_234 = arith.muli %parallel_loop3A_225, %parallel_loop3A_233 : i32
        %parallel_loop3A_235 = arith.constant 0 : i32
        %parallel_loop3A_236 = arith.addi %parallel_loop3A_234, %parallel_loop3A_235 : i32
        %parallel_loop3A_237 = arith.constant 16 : i32
        %parallel_loop3A_238 = arith.muli %parallel_loop3A_227, %parallel_loop3A_237 : i32
        %parallel_loop3A_239 = arith.index_cast %parallel_loop3A_236 : i32 to index
        %parallel_loop3A_240 = arith.index_cast %parallel_loop3A_238 : i32 to index
        %parallel_loop3A_241 = tpu.vector_load %arg10[%parallel_loop3A_239, %parallel_loop3A_240] {strides = array<i32>} : memref<128x64xf32, #tpu.memory_space<vmem>>, vector<16xf32>,
        %parallel_loop3A_242 = arith.addf %parallel_loop3A_241, %parallel_loop3A_232 : vector<16xf32>
        %parallel_loop3A_243 = arith.constant 1 : i32
        %parallel_loop3A_244 = arith.constant 0 : i32
        %parallel_loop3A_245 = tpu.memref_slice %arg13[%parallel_loop3A_243, %parallel_loop3A_201, %parallel_loop3A_244] : memref<2x32x272xf32, #tpu.memory_space<vmem>> -> memref<1x1x272xf32, #tpu.memory_space<vmem>>
        %parallel_loop3A_246 = tpu.memref_squeeze %parallel_loop3A_245 : memref<1x1x272xf32, #tpu.memory_space<vmem>> -> memref<272xf32, #tpu.memory_space<vmem>>
        %parallel_loop3A_247 = arith.constant 0 : index
        %parallel_loop3A_248 = tpu.vector_load %parallel_loop3A_246[%parallel_loop3A_247] {strides = array<i32>} : memref<272xf32, #tpu.memory_space<vmem>>, vector<16xf32>,
        tpu.vector_store %parallel_loop3A_246[%parallel_loop3A_247], %parallel_loop3A_242 {strides = array<i32>} : memref<272xf32, #tpu.memory_space<vmem>>, vector<16xf32>,
        %parallel_loop3A_249 = arith.constant 16 : i32
        %parallel_loop3A_250 = arith.muli %parallel_loop3A_225, %parallel_loop3A_249 : i32
        %parallel_loop3A_251 = arith.constant 1 : i32
        %parallel_loop3A_252 = arith.addi %parallel_loop3A_250, %parallel_loop3A_251 : i32
        %parallel_loop3A_253 = arith.constant 16 : i32
        %parallel_loop3A_254 = arith.muli %parallel_loop3A_227, %parallel_loop3A_253 : i32
        %parallel_loop3A_255 = arith.index_cast %parallel_loop3A_252 : i32 to index
        %parallel_loop3A_256 = arith.index_cast %parallel_loop3A_254 : i32 to index
        %parallel_loop3A_257 = tpu.vector_load %arg10[%parallel_loop3A_255, %parallel_loop3A_256] {strides = array<i32>} : memref<128x64xf32, #tpu.memory_space<vmem>>, vector<16xf32>,
        %parallel_loop3A_258 = arith.addf %parallel_loop3A_257, %parallel_loop3A_232 : vector<16xf32>
        %parallel_loop3A_259 = arith.constant 1 : i32
        %parallel_loop3A_260 = arith.constant 0 : i32
        %parallel_loop3A_261 = tpu.memref_slice %arg13[%parallel_loop3A_259, %parallel_loop3A_201, %parallel_loop3A_260] : memref<2x32x272xf32, #tpu.memory_space<vmem>> -> memref<1x1x272xf32, #tpu.memory_space<vmem>>
        %parallel_loop3A_262 = tpu.memref_squeeze %parallel_loop3A_261 : memref<1x1x272xf32, #tpu.memory_space<vmem>> -> memref<272xf32, #tpu.memory_space<vmem>>
        %parallel_loop3A_263 = arith.constant 17 : index
        %parallel_loop3A_264 = tpu.vector_load %parallel_loop3A_262[%parallel_loop3A_263] {strides = array<i32>} : memref<272xf32, #tpu.memory_space<vmem>>, vector<16xf32>,
        tpu.vector_store %parallel_loop3A_262[%parallel_loop3A_263], %parallel_loop3A_258 {strides = array<i32>} : memref<272xf32, #tpu.memory_space<vmem>>, vector<16xf32>,
        %parallel_loop3A_265 = arith.constant 16 : i32
        %parallel_loop3A_266 = arith.muli %parallel_loop3A_225, %parallel_loop3A_265 : i32
        %parallel_loop3A_267 = arith.constant 2 : i32
        %parallel_loop3A_268 = arith.addi %parallel_loop3A_266, %parallel_loop3A_267 : i32
        %parallel_loop3A_269 = arith.constant 16 : i32
        %parallel_loop3A_270 = arith.muli %parallel_loop3A_227, %parallel_loop3A_269 : i32
        %parallel_loop3A_271 = arith.index_cast %parallel_loop3A_268 : i32 to index
        %parallel_loop3A_272 = arith.index_cast %parallel_loop3A_270 : i32 to index
        %parallel_loop3A_273 = tpu.vector_load %arg10[%parallel_loop3A_271, %parallel_loop3A_272] {strides = array<i32>} : memref<128x64xf32, #tpu.memory_space<vmem>>, vector<16xf32>,
        %parallel_loop3A_274 = arith.addf %parallel_loop3A_273, %parallel_loop3A_232 : vector<16xf32>
        %parallel_loop3A_275 = arith.constant 1 : i32
        %parallel_loop3A_276 = arith.constant 0 : i32
        %parallel_loop3A_277 = tpu.memref_slice %arg13[%parallel_loop3A_275, %parallel_loop3A_201, %parallel_loop3A_276] : memref<2x32x272xf32, #tpu.memory_space<vmem>> -> memref<1x1x272xf32, #tpu.memory_space<vmem>>
        %parallel_loop3A_278 = tpu.memref_squeeze %parallel_loop3A_277 : memref<1x1x272xf32, #tpu.memory_space<vmem>> -> memref<272xf32, #tpu.memory_space<vmem>>
        %parallel_loop3A_279 = arith.constant 34 : index
        %parallel_loop3A_280 = tpu.vector_load %parallel_loop3A_278[%parallel_loop3A_279] {strides = array<i32>} : memref<272xf32, #tpu.memory_space<vmem>>, vector<16xf32>,
        tpu.vector_store %parallel_loop3A_278[%parallel_loop3A_279], %parallel_loop3A_274 {strides = array<i32>} : memref<272xf32, #tpu.memory_space<vmem>>, vector<16xf32>,
        %parallel_loop3A_281 = arith.constant 16 : i32
        %parallel_loop3A_282 = arith.muli %parallel_loop3A_225, %parallel_loop3A_281 : i32
        %parallel_loop3A_283 = arith.constant 3 : i32
        %parallel_loop3A_284 = arith.addi %parallel_loop3A_282, %parallel_loop3A_283 : i32
        %parallel_loop3A_285 = arith.constant 16 : i32
        %parallel_loop3A_286 = arith.muli %parallel_loop3A_227, %parallel_loop3A_285 : i32
        %parallel_loop3A_287 = arith.index_cast %parallel_loop3A_284 : i32 to index
        %parallel_loop3A_288 = arith.index_cast %parallel_loop3A_286 : i32 to index
        %parallel_loop3A_289 = tpu.vector_load %arg10[%parallel_loop3A_287, %parallel_loop3A_288] {strides = array<i32>} : memref<128x64xf32, #tpu.memory_space<vmem>>, vector<16xf32>,
        %parallel_loop3A_290 = arith.addf %parallel_loop3A_289, %parallel_loop3A_232 : vector<16xf32>
        %parallel_loop3A_291 = arith.constant 1 : i32
        %parallel_loop3A_292 = arith.constant 0 : i32
        %parallel_loop3A_293 = tpu.memref_slice %arg13[%parallel_loop3A_291, %parallel_loop3A_201, %parallel_loop3A_292] : memref<2x32x272xf32, #tpu.memory_space<vmem>> -> memref<1x1x272xf32, #tpu.memory_space<vmem>>
        %parallel_loop3A_294 = tpu.memref_squeeze %parallel_loop3A_293 : memref<1x1x272xf32, #tpu.memory_space<vmem>> -> memref<272xf32, #tpu.memory_space<vmem>>
        %parallel_loop3A_295 = arith.constant 51 : index
        %parallel_loop3A_296 = tpu.vector_load %parallel_loop3A_294[%parallel_loop3A_295] {strides = array<i32>} : memref<272xf32, #tpu.memory_space<vmem>>, vector<16xf32>,
        tpu.vector_store %parallel_loop3A_294[%parallel_loop3A_295], %parallel_loop3A_290 {strides = array<i32>} : memref<272xf32, #tpu.memory_space<vmem>>, vector<16xf32>,
        %parallel_loop3A_297 = arith.constant 16 : i32
        %parallel_loop3A_298 = arith.muli %parallel_loop3A_225, %parallel_loop3A_297 : i32
        %parallel_loop3A_299 = arith.constant 4 : i32
        %parallel_loop3A_300 = arith.addi %parallel_loop3A_298, %parallel_loop3A_299 : i32
        %parallel_loop3A_301 = arith.constant 16 : i32
        %parallel_loop3A_302 = arith.muli %parallel_loop3A_227, %parallel_loop3A_301 : i32
        %parallel_loop3A_303 = arith.index_cast %parallel_loop3A_300 : i32 to index
        %parallel_loop3A_304 = arith.index_cast %parallel_loop3A_302 : i32 to index
        %parallel_loop3A_305 = tpu.vector_load %arg10[%parallel_loop3A_303, %parallel_loop3A_304] {strides = array<i32>} : memref<128x64xf32, #tpu.memory_space<vmem>>, vector<16xf32>,
        %parallel_loop3A_306 = arith.addf %parallel_loop3A_305, %parallel_loop3A_232 : vector<16xf32>
        %parallel_loop3A_307 = arith.constant 1 : i32
        %parallel_loop3A_308 = arith.constant 0 : i32
        %parallel_loop3A_309 = tpu.memref_slice %arg13[%parallel_loop3A_307, %parallel_loop3A_201, %parallel_loop3A_308] : memref<2x32x272xf32, #tpu.memory_space<vmem>> -> memref<1x1x272xf32, #tpu.memory_space<vmem>>
        %parallel_loop3A_310 = tpu.memref_squeeze %parallel_loop3A_309 : memref<1x1x272xf32, #tpu.memory_space<vmem>> -> memref<272xf32, #tpu.memory_space<vmem>>
        %parallel_loop3A_311 = arith.constant 68 : index
        %parallel_loop3A_312 = tpu.vector_load %parallel_loop3A_310[%parallel_loop3A_311] {strides = array<i32>} : memref<272xf32, #tpu.memory_space<vmem>>, vector<16xf32>,
        tpu.vector_store %parallel_loop3A_310[%parallel_loop3A_311], %parallel_loop3A_306 {strides = array<i32>} : memref<272xf32, #tpu.memory_space<vmem>>, vector<16xf32>,
        %parallel_loop3A_313 = arith.constant 16 : i32
        %parallel_loop3A_314 = arith.muli %parallel_loop3A_225, %parallel_loop3A_313 : i32
        %parallel_loop3A_315 = arith.constant 5 : i32
        %parallel_loop3A_316 = arith.addi %parallel_loop3A_314, %parallel_loop3A_315 : i32
        %parallel_loop3A_317 = arith.constant 16 : i32
        %parallel_loop3A_318 = arith.muli %parallel_loop3A_227, %parallel_loop3A_317 : i32
        %parallel_loop3A_319 = arith.index_cast %parallel_loop3A_316 : i32 to index
        %parallel_loop3A_320 = arith.index_cast %parallel_loop3A_318 : i32 to index
        %parallel_loop3A_321 = tpu.vector_load %arg10[%parallel_loop3A_319, %parallel_loop3A_320] {strides = array<i32>} : memref<128x64xf32, #tpu.memory_space<vmem>>, vector<16xf32>,
        %parallel_loop3A_322 = arith.addf %parallel_loop3A_321, %parallel_loop3A_232 : vector<16xf32>
        %parallel_loop3A_323 = arith.constant 1 : i32
        %parallel_loop3A_324 = arith.constant 0 : i32
        %parallel_loop3A_325 = tpu.memref_slice %arg13[%parallel_loop3A_323, %parallel_loop3A_201, %parallel_loop3A_324] : memref<2x32x272xf32, #tpu.memory_space<vmem>> -> memref<1x1x272xf32, #tpu.memory_space<vmem>>
        %parallel_loop3A_326 = tpu.memref_squeeze %parallel_loop3A_325 : memref<1x1x272xf32, #tpu.memory_space<vmem>> -> memref<272xf32, #tpu.memory_space<vmem>>
        %parallel_loop3A_327 = arith.constant 85 : index
        %parallel_loop3A_328 = tpu.vector_load %parallel_loop3A_326[%parallel_loop3A_327] {strides = array<i32>} : memref<272xf32, #tpu.memory_space<vmem>>, vector<16xf32>,
        tpu.vector_store %parallel_loop3A_326[%parallel_loop3A_327], %parallel_loop3A_322 {strides = array<i32>} : memref<272xf32, #tpu.memory_space<vmem>>, vector<16xf32>,
        %parallel_loop3A_329 = arith.constant 16 : i32
        %parallel_loop3A_330 = arith.muli %parallel_loop3A_225, %parallel_loop3A_329 : i32
        %parallel_loop3A_331 = arith.constant 6 : i32
        %parallel_loop3A_332 = arith.addi %parallel_loop3A_330, %parallel_loop3A_331 : i32
        %parallel_loop3A_333 = arith.constant 16 : i32
        %parallel_loop3A_334 = arith.muli %parallel_loop3A_227, %parallel_loop3A_333 : i32
        %parallel_loop3A_335 = arith.index_cast %parallel_loop3A_332 : i32 to index
        %parallel_loop3A_336 = arith.index_cast %parallel_loop3A_334 : i32 to index
        %parallel_loop3A_337 = tpu.vector_load %arg10[%parallel_loop3A_335, %parallel_loop3A_336] {strides = array<i32>} : memref<128x64xf32, #tpu.memory_space<vmem>>, vector<16xf32>,
        %parallel_loop3A_338 = arith.addf %parallel_loop3A_337, %parallel_loop3A_232 : vector<16xf32>
        %parallel_loop3A_339 = arith.constant 1 : i32
        %parallel_loop3A_340 = arith.constant 0 : i32
        %parallel_loop3A_341 = tpu.memref_slice %arg13[%parallel_loop3A_339, %parallel_loop3A_201, %parallel_loop3A_340] : memref<2x32x272xf32, #tpu.memory_space<vmem>> -> memref<1x1x272xf32, #tpu.memory_space<vmem>>
        %parallel_loop3A_342 = tpu.memref_squeeze %parallel_loop3A_341 : memref<1x1x272xf32, #tpu.memory_space<vmem>> -> memref<272xf32, #tpu.memory_space<vmem>>
        %parallel_loop3A_343 = arith.constant 102 : index
        %parallel_loop3A_344 = tpu.vector_load %parallel_loop3A_342[%parallel_loop3A_343] {strides = array<i32>} : memref<272xf32, #tpu.memory_space<vmem>>, vector<16xf32>,
        tpu.vector_store %parallel_loop3A_342[%parallel_loop3A_343], %parallel_loop3A_338 {strides = array<i32>} : memref<272xf32, #tpu.memory_space<vmem>>, vector<16xf32>,
        %parallel_loop3A_345 = arith.constant 16 : i32
        %parallel_loop3A_346 = arith.muli %parallel_loop3A_225, %parallel_loop3A_345 : i32
        %parallel_loop3A_347 = arith.constant 7 : i32
        %parallel_loop3A_348 = arith.addi %parallel_loop3A_346, %parallel_loop3A_347 : i32
        %parallel_loop3A_349 = arith.constant 16 : i32
        %parallel_loop3A_350 = arith.muli %parallel_loop3A_227, %parallel_loop3A_349 : i32
        %parallel_loop3A_351 = arith.index_cast %parallel_loop3A_348 : i32 to index
        %parallel_loop3A_352 = arith.index_cast %parallel_loop3A_350 : i32 to index
        %parallel_loop3A_353 = tpu.vector_load %arg10[%parallel_loop3A_351, %parallel_loop3A_352] {strides = array<i32>} : memref<128x64xf32, #tpu.memory_space<vmem>>, vector<16xf32>,
        %parallel_loop3A_354 = arith.addf %parallel_loop3A_353, %parallel_loop3A_232 : vector<16xf32>
        %parallel_loop3A_355 = arith.constant 1 : i32
        %parallel_loop3A_356 = arith.constant 0 : i32
        %parallel_loop3A_357 = tpu.memref_slice %arg13[%parallel_loop3A_355, %parallel_loop3A_201, %parallel_loop3A_356] : memref<2x32x272xf32, #tpu.memory_space<vmem>> -> memref<1x1x272xf32, #tpu.memory_space<vmem>>
        %parallel_loop3A_358 = tpu.memref_squeeze %parallel_loop3A_357 : memref<1x1x272xf32, #tpu.memory_space<vmem>> -> memref<272xf32, #tpu.memory_space<vmem>>
        %parallel_loop3A_359 = arith.constant 119 : index
        %parallel_loop3A_360 = tpu.vector_load %parallel_loop3A_358[%parallel_loop3A_359] {strides = array<i32>} : memref<272xf32, #tpu.memory_space<vmem>>, vector<16xf32>,
        tpu.vector_store %parallel_loop3A_358[%parallel_loop3A_359], %parallel_loop3A_354 {strides = array<i32>} : memref<272xf32, #tpu.memory_space<vmem>>, vector<16xf32>,
        %parallel_loop3A_361 = arith.constant 16 : i32
        %parallel_loop3A_362 = arith.muli %parallel_loop3A_225, %parallel_loop3A_361 : i32
        %parallel_loop3A_363 = arith.constant 8 : i32
        %parallel_loop3A_364 = arith.addi %parallel_loop3A_362, %parallel_loop3A_363 : i32
        %parallel_loop3A_365 = arith.constant 16 : i32
        %parallel_loop3A_366 = arith.muli %parallel_loop3A_227, %parallel_loop3A_365 : i32
        %parallel_loop3A_367 = arith.index_cast %parallel_loop3A_364 : i32 to index
        %parallel_loop3A_368 = arith.index_cast %parallel_loop3A_366 : i32 to index
        %parallel_loop3A_369 = tpu.vector_load %arg10[%parallel_loop3A_367, %parallel_loop3A_368] {strides = array<i32>} : memref<128x64xf32, #tpu.memory_space<vmem>>, vector<16xf32>,
        %parallel_loop3A_370 = arith.addf %parallel_loop3A_369, %parallel_loop3A_232 : vector<16xf32>
        %parallel_loop3A_371 = arith.constant 1 : i32
        %parallel_loop3A_372 = arith.constant 0 : i32
        %parallel_loop3A_373 = tpu.memref_slice %arg13[%parallel_loop3A_371, %parallel_loop3A_201, %parallel_loop3A_372] : memref<2x32x272xf32, #tpu.memory_space<vmem>> -> memref<1x1x272xf32, #tpu.memory_space<vmem>>
        %parallel_loop3A_374 = tpu.memref_squeeze %parallel_loop3A_373 : memref<1x1x272xf32, #tpu.memory_space<vmem>> -> memref<272xf32, #tpu.memory_space<vmem>>
        %parallel_loop3A_375 = arith.constant 136 : index
        %parallel_loop3A_376 = tpu.vector_load %parallel_loop3A_374[%parallel_loop3A_375] {strides = array<i32>} : memref<272xf32, #tpu.memory_space<vmem>>, vector<16xf32>,
        tpu.vector_store %parallel_loop3A_374[%parallel_loop3A_375], %parallel_loop3A_370 {strides = array<i32>} : memref<272xf32, #tpu.memory_space<vmem>>, vector<16xf32>,
        %parallel_loop3A_377 = arith.constant 16 : i32
        %parallel_loop3A_378 = arith.muli %parallel_loop3A_225, %parallel_loop3A_377 : i32
        %parallel_loop3A_379 = arith.constant 9 : i32
        %parallel_loop3A_380 = arith.addi %parallel_loop3A_378, %parallel_loop3A_379 : i32
        %parallel_loop3A_381 = arith.constant 16 : i32
        %parallel_loop3A_382 = arith.muli %parallel_loop3A_227, %parallel_loop3A_381 : i32
        %parallel_loop3A_383 = arith.index_cast %parallel_loop3A_380 : i32 to index
        %parallel_loop3A_384 = arith.index_cast %parallel_loop3A_382 : i32 to index
        %parallel_loop3A_385 = tpu.vector_load %arg10[%parallel_loop3A_383, %parallel_loop3A_384] {strides = array<i32>} : memref<128x64xf32, #tpu.memory_space<vmem>>, vector<16xf32>,
        %parallel_loop3A_386 = arith.addf %parallel_loop3A_385, %parallel_loop3A_232 : vector<16xf32>
        %parallel_loop3A_387 = arith.constant 1 : i32
        %parallel_loop3A_388 = arith.constant 0 : i32
        %parallel_loop3A_389 = tpu.memref_slice %arg13[%parallel_loop3A_387, %parallel_loop3A_201, %parallel_loop3A_388] : memref<2x32x272xf32, #tpu.memory_space<vmem>> -> memref<1x1x272xf32, #tpu.memory_space<vmem>>
        %parallel_loop3A_390 = tpu.memref_squeeze %parallel_loop3A_389 : memref<1x1x272xf32, #tpu.memory_space<vmem>> -> memref<272xf32, #tpu.memory_space<vmem>>
        %parallel_loop3A_391 = arith.constant 153 : index
        %parallel_loop3A_392 = tpu.vector_load %parallel_loop3A_390[%parallel_loop3A_391] {strides = array<i32>} : memref<272xf32, #tpu.memory_space<vmem>>, vector<16xf32>,
        tpu.vector_store %parallel_loop3A_390[%parallel_loop3A_391], %parallel_loop3A_386 {strides = array<i32>} : memref<272xf32, #tpu.memory_space<vmem>>, vector<16xf32>,
        %parallel_loop3A_393 = arith.constant 16 : i32
        %parallel_loop3A_394 = arith.muli %parallel_loop3A_225, %parallel_loop3A_393 : i32
        %parallel_loop3A_395 = arith.constant 10 : i32
        %parallel_loop3A_396 = arith.addi %parallel_loop3A_394, %parallel_loop3A_395 : i32
        %parallel_loop3A_397 = arith.constant 16 : i32
        %parallel_loop3A_398 = arith.muli %parallel_loop3A_227, %parallel_loop3A_397 : i32
        %parallel_loop3A_399 = arith.index_cast %parallel_loop3A_396 : i32 to index
        %parallel_loop3A_400 = arith.index_cast %parallel_loop3A_398 : i32 to index
        %parallel_loop3A_401 = tpu.vector_load %arg10[%parallel_loop3A_399, %parallel_loop3A_400] {strides = array<i32>} : memref<128x64xf32, #tpu.memory_space<vmem>>, vector<16xf32>,
        %parallel_loop3A_402 = arith.addf %parallel_loop3A_401, %parallel_loop3A_232 : vector<16xf32>
        %parallel_loop3A_403 = arith.constant 1 : i32
        %parallel_loop3A_404 = arith.constant 0 : i32
        %parallel_loop3A_405 = tpu.memref_slice %arg13[%parallel_loop3A_403, %parallel_loop3A_201, %parallel_loop3A_404] : memref<2x32x272xf32, #tpu.memory_space<vmem>> -> memref<1x1x272xf32, #tpu.memory_space<vmem>>
        %parallel_loop3A_406 = tpu.memref_squeeze %parallel_loop3A_405 : memref<1x1x272xf32, #tpu.memory_space<vmem>> -> memref<272xf32, #tpu.memory_space<vmem>>
        %parallel_loop3A_407 = arith.constant 170 : index
        %parallel_loop3A_408 = tpu.vector_load %parallel_loop3A_406[%parallel_loop3A_407] {strides = array<i32>} : memref<272xf32, #tpu.memory_space<vmem>>, vector<16xf32>,
        tpu.vector_store %parallel_loop3A_406[%parallel_loop3A_407], %parallel_loop3A_402 {strides = array<i32>} : memref<272xf32, #tpu.memory_space<vmem>>, vector<16xf32>,
        %parallel_loop3A_409 = arith.constant 16 : i32
        %parallel_loop3A_410 = arith.muli %parallel_loop3A_225, %parallel_loop3A_409 : i32
        %parallel_loop3A_411 = arith.constant 11 : i32
        %parallel_loop3A_412 = arith.addi %parallel_loop3A_410, %parallel_loop3A_411 : i32
        %parallel_loop3A_413 = arith.constant 16 : i32
        %parallel_loop3A_414 = arith.muli %parallel_loop3A_227, %parallel_loop3A_413 : i32
        %parallel_loop3A_415 = arith.index_cast %parallel_loop3A_412 : i32 to index
        %parallel_loop3A_416 = arith.index_cast %parallel_loop3A_414 : i32 to index
        %parallel_loop3A_417 = tpu.vector_load %arg10[%parallel_loop3A_415, %parallel_loop3A_416] {strides = array<i32>} : memref<128x64xf32, #tpu.memory_space<vmem>>, vector<16xf32>,
        %parallel_loop3A_418 = arith.addf %parallel_loop3A_417, %parallel_loop3A_232 : vector<16xf32>
        %parallel_loop3A_419 = arith.constant 1 : i32
        %parallel_loop3A_420 = arith.constant 0 : i32
        %parallel_loop3A_421 = tpu.memref_slice %arg13[%parallel_loop3A_419, %parallel_loop3A_201, %parallel_loop3A_420] : memref<2x32x272xf32, #tpu.memory_space<vmem>> -> memref<1x1x272xf32, #tpu.memory_space<vmem>>
        %parallel_loop3A_422 = tpu.memref_squeeze %parallel_loop3A_421 : memref<1x1x272xf32, #tpu.memory_space<vmem>> -> memref<272xf32, #tpu.memory_space<vmem>>
        %parallel_loop3A_423 = arith.constant 187 : index
        %parallel_loop3A_424 = tpu.vector_load %parallel_loop3A_422[%parallel_loop3A_423] {strides = array<i32>} : memref<272xf32, #tpu.memory_space<vmem>>, vector<16xf32>,
        tpu.vector_store %parallel_loop3A_422[%parallel_loop3A_423], %parallel_loop3A_418 {strides = array<i32>} : memref<272xf32, #tpu.memory_space<vmem>>, vector<16xf32>,
        %parallel_loop3A_425 = arith.constant 16 : i32
        %parallel_loop3A_426 = arith.muli %parallel_loop3A_225, %parallel_loop3A_425 : i32
        %parallel_loop3A_427 = arith.constant 12 : i32
        %parallel_loop3A_428 = arith.addi %parallel_loop3A_426, %parallel_loop3A_427 : i32
        %parallel_loop3A_429 = arith.constant 16 : i32
        %parallel_loop3A_430 = arith.muli %parallel_loop3A_227, %parallel_loop3A_429 : i32
        %parallel_loop3A_431 = arith.index_cast %parallel_loop3A_428 : i32 to index
        %parallel_loop3A_432 = arith.index_cast %parallel_loop3A_430 : i32 to index
        %parallel_loop3A_433 = tpu.vector_load %arg10[%parallel_loop3A_431, %parallel_loop3A_432] {strides = array<i32>} : memref<128x64xf32, #tpu.memory_space<vmem>>, vector<16xf32>,
        %parallel_loop3A_434 = arith.addf %parallel_loop3A_433, %parallel_loop3A_232 : vector<16xf32>
        %parallel_loop3A_435 = arith.constant 1 : i32
        %parallel_loop3A_436 = arith.constant 0 : i32
        %parallel_loop3A_437 = tpu.memref_slice %arg13[%parallel_loop3A_435, %parallel_loop3A_201, %parallel_loop3A_436] : memref<2x32x272xf32, #tpu.memory_space<vmem>> -> memref<1x1x272xf32, #tpu.memory_space<vmem>>
        %parallel_loop3A_438 = tpu.memref_squeeze %parallel_loop3A_437 : memref<1x1x272xf32, #tpu.memory_space<vmem>> -> memref<272xf32, #tpu.memory_space<vmem>>
        %parallel_loop3A_439 = arith.constant 204 : index
        %parallel_loop3A_440 = tpu.vector_load %parallel_loop3A_438[%parallel_loop3A_439] {strides = array<i32>} : memref<272xf32, #tpu.memory_space<vmem>>, vector<16xf32>,
        tpu.vector_store %parallel_loop3A_438[%parallel_loop3A_439], %parallel_loop3A_434 {strides = array<i32>} : memref<272xf32, #tpu.memory_space<vmem>>, vector<16xf32>,
        %parallel_loop3A_441 = arith.constant 16 : i32
        %parallel_loop3A_442 = arith.muli %parallel_loop3A_225, %parallel_loop3A_441 : i32
        %parallel_loop3A_443 = arith.constant 13 : i32
        %parallel_loop3A_444 = arith.addi %parallel_loop3A_442, %parallel_loop3A_443 : i32
        %parallel_loop3A_445 = arith.constant 16 : i32
        %parallel_loop3A_446 = arith.muli %parallel_loop3A_227, %parallel_loop3A_445 : i32
        %parallel_loop3A_447 = arith.index_cast %parallel_loop3A_444 : i32 to index
        %parallel_loop3A_448 = arith.index_cast %parallel_loop3A_446 : i32 to index
        %parallel_loop3A_449 = tpu.vector_load %arg10[%parallel_loop3A_447, %parallel_loop3A_448] {strides = array<i32>} : memref<128x64xf32, #tpu.memory_space<vmem>>, vector<16xf32>,
        %parallel_loop3A_450 = arith.addf %parallel_loop3A_449, %parallel_loop3A_232 : vector<16xf32>
        %parallel_loop3A_451 = arith.constant 1 : i32
        %parallel_loop3A_452 = arith.constant 0 : i32
        %parallel_loop3A_453 = tpu.memref_slice %arg13[%parallel_loop3A_451, %parallel_loop3A_201, %parallel_loop3A_452] : memref<2x32x272xf32, #tpu.memory_space<vmem>> -> memref<1x1x272xf32, #tpu.memory_space<vmem>>
        %parallel_loop3A_454 = tpu.memref_squeeze %parallel_loop3A_453 : memref<1x1x272xf32, #tpu.memory_space<vmem>> -> memref<272xf32, #tpu.memory_space<vmem>>
        %parallel_loop3A_455 = arith.constant 221 : index
        %parallel_loop3A_456 = tpu.vector_load %parallel_loop3A_454[%parallel_loop3A_455] {strides = array<i32>} : memref<272xf32, #tpu.memory_space<vmem>>, vector<16xf32>,
        tpu.vector_store %parallel_loop3A_454[%parallel_loop3A_455], %parallel_loop3A_450 {strides = array<i32>} : memref<272xf32, #tpu.memory_space<vmem>>, vector<16xf32>,
        %parallel_loop3A_457 = arith.constant 16 : i32
        %parallel_loop3A_458 = arith.muli %parallel_loop3A_225, %parallel_loop3A_457 : i32
        %parallel_loop3A_459 = arith.constant 14 : i32
        %parallel_loop3A_460 = arith.addi %parallel_loop3A_458, %parallel_loop3A_459 : i32
        %parallel_loop3A_461 = arith.constant 16 : i32
        %parallel_loop3A_462 = arith.muli %parallel_loop3A_227, %parallel_loop3A_461 : i32
        %parallel_loop3A_463 = arith.index_cast %parallel_loop3A_460 : i32 to index
        %parallel_loop3A_464 = arith.index_cast %parallel_loop3A_462 : i32 to index
        %parallel_loop3A_465 = tpu.vector_load %arg10[%parallel_loop3A_463, %parallel_loop3A_464] {strides = array<i32>} : memref<128x64xf32, #tpu.memory_space<vmem>>, vector<16xf32>,
        %parallel_loop3A_466 = arith.addf %parallel_loop3A_465, %parallel_loop3A_232 : vector<16xf32>
        %parallel_loop3A_467 = arith.constant 1 : i32
        %parallel_loop3A_468 = arith.constant 0 : i32
        %parallel_loop3A_469 = tpu.memref_slice %arg13[%parallel_loop3A_467, %parallel_loop3A_201, %parallel_loop3A_468] : memref<2x32x272xf32, #tpu.memory_space<vmem>> -> memref<1x1x272xf32, #tpu.memory_space<vmem>>
        %parallel_loop3A_470 = tpu.memref_squeeze %parallel_loop3A_469 : memref<1x1x272xf32, #tpu.memory_space<vmem>> -> memref<272xf32, #tpu.memory_space<vmem>>
        %parallel_loop3A_471 = arith.constant 238 : index
        %parallel_loop3A_472 = tpu.vector_load %parallel_loop3A_470[%parallel_loop3A_471] {strides = array<i32>} : memref<272xf32, #tpu.memory_space<vmem>>, vector<16xf32>,
        tpu.vector_store %parallel_loop3A_470[%parallel_loop3A_471], %parallel_loop3A_466 {strides = array<i32>} : memref<272xf32, #tpu.memory_space<vmem>>, vector<16xf32>,
        %parallel_loop3A_473 = arith.constant 16 : i32
        %parallel_loop3A_474 = arith.muli %parallel_loop3A_225, %parallel_loop3A_473 : i32
        %parallel_loop3A_475 = arith.constant 15 : i32
        %parallel_loop3A_476 = arith.addi %parallel_loop3A_474, %parallel_loop3A_475 : i32
        %parallel_loop3A_477 = arith.constant 16 : i32
        %parallel_loop3A_478 = arith.muli %parallel_loop3A_227, %parallel_loop3A_477 : i32
        %parallel_loop3A_479 = arith.index_cast %parallel_loop3A_476 : i32 to index
        %parallel_loop3A_480 = arith.index_cast %parallel_loop3A_478 : i32 to index
        %parallel_loop3A_481 = tpu.vector_load %arg10[%parallel_loop3A_479, %parallel_loop3A_480] {strides = array<i32>} : memref<128x64xf32, #tpu.memory_space<vmem>>, vector<16xf32>,
        %parallel_loop3A_482 = arith.addf %parallel_loop3A_481, %parallel_loop3A_232 : vector<16xf32>
        %parallel_loop3A_483 = arith.constant 1 : i32
        %parallel_loop3A_484 = arith.constant 0 : i32
        %parallel_loop3A_485 = tpu.memref_slice %arg13[%parallel_loop3A_483, %parallel_loop3A_201, %parallel_loop3A_484] : memref<2x32x272xf32, #tpu.memory_space<vmem>> -> memref<1x1x272xf32, #tpu.memory_space<vmem>>
        %parallel_loop3A_486 = tpu.memref_squeeze %parallel_loop3A_485 : memref<1x1x272xf32, #tpu.memory_space<vmem>> -> memref<272xf32, #tpu.memory_space<vmem>>
        %parallel_loop3A_487 = arith.constant 255 : index
        %parallel_loop3A_488 = tpu.vector_load %parallel_loop3A_486[%parallel_loop3A_487] {strides = array<i32>} : memref<272xf32, #tpu.memory_space<vmem>>, vector<16xf32>,
        tpu.vector_store %parallel_loop3A_486[%parallel_loop3A_487], %parallel_loop3A_482 {strides = array<i32>} : memref<272xf32, #tpu.memory_space<vmem>>, vector<16xf32>,
        %parallel_loop3A_489 = arith.constant 1 : i32
        %parallel_loop3A_490 = arith.constant 0 : i32
        %parallel_loop3A_491 = tpu.memref_slice %arg13[%parallel_loop3A_489, %parallel_loop3A_201, %parallel_loop3A_490] : memref<2x32x272xf32, #tpu.memory_space<vmem>> -> memref<1x1x272xf32, #tpu.memory_space<vmem>>
        %parallel_loop3A_492 = tpu.memref_squeeze %parallel_loop3A_491 : memref<1x1x272xf32, #tpu.memory_space<vmem>> -> memref<272xf32, #tpu.memory_space<vmem>>
        %parallel_loop3A_493 = tpu.vector_load_idx %parallel_loop3A_492[%add3A_10] : memref<272xf32, #tpu.memory_space<vmem>>[vector<16xi32>], vector<16xf32>,
        %parallel_loop3A_494 = arith.constant 2 : i32
        %parallel_loop3A_495 = arith.muli %parallel_loop3A_227, %parallel_loop3A_494 : i32
        %parallel_loop3A_496 = arith.constant 0 : i32
        %parallel_loop3A_497 = arith.addi %parallel_loop3A_495, %parallel_loop3A_496 : i32
        %parallel_loop3A_498 = arith.constant 16 : i32
        %parallel_loop3A_499 = arith.muli %parallel_loop3A_225, %parallel_loop3A_498 : i32
        %parallel_loop3A_500 = arith.constant 0 : i32
        %parallel_loop3A_501 = arith.addi %parallel_loop3A_500, %parallel_loop3A_499 : i32
        %parallel_loop3A_502 = arith.index_cast %parallel_loop3A_497 : i32 to index
        %parallel_loop3A_503 = arith.index_cast %parallel_loop3A_501 : i32 to index
        %parallel_loop3A_504 = tpu.vector_load %arg12[%parallel_loop3A_502, %parallel_loop3A_503] {strides = array<i32>} : memref<8x1024xf32, #tpu.memory_space<vmem>>, vector<16xf32>,
        tpu.vector_store %arg12[%parallel_loop3A_502, %parallel_loop3A_503], %parallel_loop3A_493 {strides = array<i32>} : memref<8x1024xf32, #tpu.memory_space<vmem>>, vector<16xf32>,
        %parallel_loop3A_505 = arith.constant 1 : i32
        %parallel_loop3A_506 = arith.constant 0 : i32
        %parallel_loop3A_507 = tpu.memref_slice %arg13[%parallel_loop3A_505, %parallel_loop3A_201, %parallel_loop3A_506] : memref<2x32x272xf32, #tpu.memory_space<vmem>> -> memref<1x1x272xf32, #tpu.memory_space<vmem>>
        %parallel_loop3A_508 = tpu.memref_squeeze %parallel_loop3A_507 : memref<1x1x272xf32, #tpu.memory_space<vmem>> -> memref<272xf32, #tpu.memory_space<vmem>>
        %parallel_loop3A_509 = tpu.vector_load_idx %parallel_loop3A_508[%add3A_16] : memref<272xf32, #tpu.memory_space<vmem>>[vector<16xi32>], vector<16xf32>,
        %parallel_loop3A_510 = arith.constant 2 : i32
        %parallel_loop3A_511 = arith.muli %parallel_loop3A_227, %parallel_loop3A_510 : i32
        %parallel_loop3A_512 = arith.constant 0 : i32
        %parallel_loop3A_513 = arith.addi %parallel_loop3A_511, %parallel_loop3A_512 : i32
        %parallel_loop3A_514 = arith.constant 16 : i32
        %parallel_loop3A_515 = arith.muli %parallel_loop3A_225, %parallel_loop3A_514 : i32
        %parallel_loop3A_516 = arith.constant 128 : i32
        %parallel_loop3A_517 = arith.addi %parallel_loop3A_516, %parallel_loop3A_515 : i32
        %parallel_loop3A_518 = arith.index_cast %parallel_loop3A_513 : i32 to index
        %parallel_loop3A_519 = arith.index_cast %parallel_loop3A_517 : i32 to index
        %parallel_loop3A_520 = tpu.vector_load %arg12[%parallel_loop3A_518, %parallel_loop3A_519] {strides = array<i32>} : memref<8x1024xf32, #tpu.memory_space<vmem>>, vector<16xf32>,
        tpu.vector_store %arg12[%parallel_loop3A_518, %parallel_loop3A_519], %parallel_loop3A_509 {strides = array<i32>} : memref<8x1024xf32, #tpu.memory_space<vmem>>, vector<16xf32>,
        %parallel_loop3A_521 = arith.constant 1 : i32
        %parallel_loop3A_522 = arith.constant 0 : i32
        %parallel_loop3A_523 = tpu.memref_slice %arg13[%parallel_loop3A_521, %parallel_loop3A_201, %parallel_loop3A_522] : memref<2x32x272xf32, #tpu.memory_space<vmem>> -> memref<1x1x272xf32, #tpu.memory_space<vmem>>
        %parallel_loop3A_524 = tpu.memref_squeeze %parallel_loop3A_523 : memref<1x1x272xf32, #tpu.memory_space<vmem>> -> memref<272xf32, #tpu.memory_space<vmem>>
        %parallel_loop3A_525 = tpu.vector_load_idx %parallel_loop3A_524[%add3A_22] : memref<272xf32, #tpu.memory_space<vmem>>[vector<16xi32>], vector<16xf32>,
        %parallel_loop3A_526 = arith.constant 2 : i32
        %parallel_loop3A_527 = arith.muli %parallel_loop3A_227, %parallel_loop3A_526 : i32
        %parallel_loop3A_528 = arith.constant 0 : i32
        %parallel_loop3A_529 = arith.addi %parallel_loop3A_527, %parallel_loop3A_528 : i32
        %parallel_loop3A_530 = arith.constant 16 : i32
        %parallel_loop3A_531 = arith.muli %parallel_loop3A_225, %parallel_loop3A_530 : i32
        %parallel_loop3A_532 = arith.constant 256 : i32
        %parallel_loop3A_533 = arith.addi %parallel_loop3A_532, %parallel_loop3A_531 : i32
        %parallel_loop3A_534 = arith.index_cast %parallel_loop3A_529 : i32 to index
        %parallel_loop3A_535 = arith.index_cast %parallel_loop3A_533 : i32 to index
        %parallel_loop3A_536 = tpu.vector_load %arg12[%parallel_loop3A_534, %parallel_loop3A_535] {strides = array<i32>} : memref<8x1024xf32, #tpu.memory_space<vmem>>, vector<16xf32>,
        tpu.vector_store %arg12[%parallel_loop3A_534, %parallel_loop3A_535], %parallel_loop3A_525 {strides = array<i32>} : memref<8x1024xf32, #tpu.memory_space<vmem>>, vector<16xf32>,
        %parallel_loop3A_537 = arith.constant 1 : i32
        %parallel_loop3A_538 = arith.constant 0 : i32
        %parallel_loop3A_539 = tpu.memref_slice %arg13[%parallel_loop3A_537, %parallel_loop3A_201, %parallel_loop3A_538] : memref<2x32x272xf32, #tpu.memory_space<vmem>> -> memref<1x1x272xf32, #tpu.memory_space<vmem>>
        %parallel_loop3A_540 = tpu.memref_squeeze %parallel_loop3A_539 : memref<1x1x272xf32, #tpu.memory_space<vmem>> -> memref<272xf32, #tpu.memory_space<vmem>>
        %parallel_loop3A_541 = tpu.vector_load_idx %parallel_loop3A_540[%add3A_28] : memref<272xf32, #tpu.memory_space<vmem>>[vector<16xi32>], vector<16xf32>,
        %parallel_loop3A_542 = arith.constant 2 : i32
        %parallel_loop3A_543 = arith.muli %parallel_loop3A_227, %parallel_loop3A_542 : i32
        %parallel_loop3A_544 = arith.constant 0 : i32
        %parallel_loop3A_545 = arith.addi %parallel_loop3A_543, %parallel_loop3A_544 : i32
        %parallel_loop3A_546 = arith.constant 16 : i32
        %parallel_loop3A_547 = arith.muli %parallel_loop3A_225, %parallel_loop3A_546 : i32
        %parallel_loop3A_548 = arith.constant 384 : i32
        %parallel_loop3A_549 = arith.addi %parallel_loop3A_548, %parallel_loop3A_547 : i32
        %parallel_loop3A_550 = arith.index_cast %parallel_loop3A_545 : i32 to index
        %parallel_loop3A_551 = arith.index_cast %parallel_loop3A_549 : i32 to index
        %parallel_loop3A_552 = tpu.vector_load %arg12[%parallel_loop3A_550, %parallel_loop3A_551] {strides = array<i32>} : memref<8x1024xf32, #tpu.memory_space<vmem>>, vector<16xf32>,
        tpu.vector_store %arg12[%parallel_loop3A_550, %parallel_loop3A_551], %parallel_loop3A_541 {strides = array<i32>} : memref<8x1024xf32, #tpu.memory_space<vmem>>, vector<16xf32>,
        %parallel_loop3A_553 = arith.constant 1 : i32
        %parallel_loop3A_554 = arith.constant 0 : i32
        %parallel_loop3A_555 = tpu.memref_slice %arg13[%parallel_loop3A_553, %parallel_loop3A_201, %parallel_loop3A_554] : memref<2x32x272xf32, #tpu.memory_space<vmem>> -> memref<1x1x272xf32, #tpu.memory_space<vmem>>
        %parallel_loop3A_556 = tpu.memref_squeeze %parallel_loop3A_555 : memref<1x1x272xf32, #tpu.memory_space<vmem>> -> memref<272xf32, #tpu.memory_space<vmem>>
        %parallel_loop3A_557 = tpu.vector_load_idx %parallel_loop3A_556[%add3A_34] : memref<272xf32, #tpu.memory_space<vmem>>[vector<16xi32>], vector<16xf32>,
        %parallel_loop3A_558 = arith.constant 2 : i32
        %parallel_loop3A_559 = arith.muli %parallel_loop3A_227, %parallel_loop3A_558 : i32
        %parallel_loop3A_560 = arith.constant 0 : i32
        %parallel_loop3A_561 = arith.addi %parallel_loop3A_559, %parallel_loop3A_560 : i32
        %parallel_loop3A_562 = arith.constant 16 : i32
        %parallel_loop3A_563 = arith.muli %parallel_loop3A_225, %parallel_loop3A_562 : i32
        %parallel_loop3A_564 = arith.constant 512 : i32
        %parallel_loop3A_565 = arith.addi %parallel_loop3A_564, %parallel_loop3A_563 : i32
        %parallel_loop3A_566 = arith.index_cast %parallel_loop3A_561 : i32 to index
        %parallel_loop3A_567 = arith.index_cast %parallel_loop3A_565 : i32 to index
        %parallel_loop3A_568 = tpu.vector_load %arg12[%parallel_loop3A_566, %parallel_loop3A_567] {strides = array<i32>} : memref<8x1024xf32, #tpu.memory_space<vmem>>, vector<16xf32>,
        tpu.vector_store %arg12[%parallel_loop3A_566, %parallel_loop3A_567], %parallel_loop3A_557 {strides = array<i32>} : memref<8x1024xf32, #tpu.memory_space<vmem>>, vector<16xf32>,
        %parallel_loop3A_569 = arith.constant 1 : i32
        %parallel_loop3A_570 = arith.constant 0 : i32
        %parallel_loop3A_571 = tpu.memref_slice %arg13[%parallel_loop3A_569, %parallel_loop3A_201, %parallel_loop3A_570] : memref<2x32x272xf32, #tpu.memory_space<vmem>> -> memref<1x1x272xf32, #tpu.memory_space<vmem>>
        %parallel_loop3A_572 = tpu.memref_squeeze %parallel_loop3A_571 : memref<1x1x272xf32, #tpu.memory_space<vmem>> -> memref<272xf32, #tpu.memory_space<vmem>>
        %parallel_loop3A_573 = tpu.vector_load_idx %parallel_loop3A_572[%add3A_40] : memref<272xf32, #tpu.memory_space<vmem>>[vector<16xi32>], vector<16xf32>,
        %parallel_loop3A_574 = arith.constant 2 : i32
        %parallel_loop3A_575 = arith.muli %parallel_loop3A_227, %parallel_loop3A_574 : i32
        %parallel_loop3A_576 = arith.constant 0 : i32
        %parallel_loop3A_577 = arith.addi %parallel_loop3A_575, %parallel_loop3A_576 : i32
        %parallel_loop3A_578 = arith.constant 16 : i32
        %parallel_loop3A_579 = arith.muli %parallel_loop3A_225, %parallel_loop3A_578 : i32
        %parallel_loop3A_580 = arith.constant 640 : i32
        %parallel_loop3A_581 = arith.addi %parallel_loop3A_580, %parallel_loop3A_579 : i32
        %parallel_loop3A_582 = arith.index_cast %parallel_loop3A_577 : i32 to index
        %parallel_loop3A_583 = arith.index_cast %parallel_loop3A_581 : i32 to index
        %parallel_loop3A_584 = tpu.vector_load %arg12[%parallel_loop3A_582, %parallel_loop3A_583] {strides = array<i32>} : memref<8x1024xf32, #tpu.memory_space<vmem>>, vector<16xf32>,
        tpu.vector_store %arg12[%parallel_loop3A_582, %parallel_loop3A_583], %parallel_loop3A_573 {strides = array<i32>} : memref<8x1024xf32, #tpu.memory_space<vmem>>, vector<16xf32>,
        %parallel_loop3A_585 = arith.constant 1 : i32
        %parallel_loop3A_586 = arith.constant 0 : i32
        %parallel_loop3A_587 = tpu.memref_slice %arg13[%parallel_loop3A_585, %parallel_loop3A_201, %parallel_loop3A_586] : memref<2x32x272xf32, #tpu.memory_space<vmem>> -> memref<1x1x272xf32, #tpu.memory_space<vmem>>
        %parallel_loop3A_588 = tpu.memref_squeeze %parallel_loop3A_587 : memref<1x1x272xf32, #tpu.memory_space<vmem>> -> memref<272xf32, #tpu.memory_space<vmem>>
        %parallel_loop3A_589 = tpu.vector_load_idx %parallel_loop3A_588[%add3A_46] : memref<272xf32, #tpu.memory_space<vmem>>[vector<16xi32>], vector<16xf32>,
        %parallel_loop3A_590 = arith.constant 2 : i32
        %parallel_loop3A_591 = arith.muli %parallel_loop3A_227, %parallel_loop3A_590 : i32
        %parallel_loop3A_592 = arith.constant 0 : i32
        %parallel_loop3A_593 = arith.addi %parallel_loop3A_591, %parallel_loop3A_592 : i32
        %parallel_loop3A_594 = arith.constant 16 : i32
        %parallel_loop3A_595 = arith.muli %parallel_loop3A_225, %parallel_loop3A_594 : i32
        %parallel_loop3A_596 = arith.constant 768 : i32
        %parallel_loop3A_597 = arith.addi %parallel_loop3A_596, %parallel_loop3A_595 : i32
        %parallel_loop3A_598 = arith.index_cast %parallel_loop3A_593 : i32 to index
        %parallel_loop3A_599 = arith.index_cast %parallel_loop3A_597 : i32 to index
        %parallel_loop3A_600 = tpu.vector_load %arg12[%parallel_loop3A_598, %parallel_loop3A_599] {strides = array<i32>} : memref<8x1024xf32, #tpu.memory_space<vmem>>, vector<16xf32>,
        tpu.vector_store %arg12[%parallel_loop3A_598, %parallel_loop3A_599], %parallel_loop3A_589 {strides = array<i32>} : memref<8x1024xf32, #tpu.memory_space<vmem>>, vector<16xf32>,
        %parallel_loop3A_601 = arith.constant 1 : i32
        %parallel_loop3A_602 = arith.constant 0 : i32
        %parallel_loop3A_603 = tpu.memref_slice %arg13[%parallel_loop3A_601, %parallel_loop3A_201, %parallel_loop3A_602] : memref<2x32x272xf32, #tpu.memory_space<vmem>> -> memref<1x1x272xf32, #tpu.memory_space<vmem>>
        %parallel_loop3A_604 = tpu.memref_squeeze %parallel_loop3A_603 : memref<1x1x272xf32, #tpu.memory_space<vmem>> -> memref<272xf32, #tpu.memory_space<vmem>>
        %parallel_loop3A_605 = tpu.vector_load_idx %parallel_loop3A_604[%add3A_52] : memref<272xf32, #tpu.memory_space<vmem>>[vector<16xi32>], vector<16xf32>,
        %parallel_loop3A_606 = arith.constant 2 : i32
        %parallel_loop3A_607 = arith.muli %parallel_loop3A_227, %parallel_loop3A_606 : i32
        %parallel_loop3A_608 = arith.constant 0 : i32
        %parallel_loop3A_609 = arith.addi %parallel_loop3A_607, %parallel_loop3A_608 : i32
        %parallel_loop3A_610 = arith.constant 16 : i32
        %parallel_loop3A_611 = arith.muli %parallel_loop3A_225, %parallel_loop3A_610 : i32
        %parallel_loop3A_612 = arith.constant 896 : i32
        %parallel_loop3A_613 = arith.addi %parallel_loop3A_612, %parallel_loop3A_611 : i32
        %parallel_loop3A_614 = arith.index_cast %parallel_loop3A_609 : i32 to index
        %parallel_loop3A_615 = arith.index_cast %parallel_loop3A_613 : i32 to index
        %parallel_loop3A_616 = tpu.vector_load %arg12[%parallel_loop3A_614, %parallel_loop3A_615] {strides = array<i32>} : memref<8x1024xf32, #tpu.memory_space<vmem>>, vector<16xf32>,
        tpu.vector_store %arg12[%parallel_loop3A_614, %parallel_loop3A_615], %parallel_loop3A_605 {strides = array<i32>} : memref<8x1024xf32, #tpu.memory_space<vmem>>, vector<16xf32>,
        %parallel_loop3A_617 = arith.constant 1 : i32
        %parallel_loop3A_618 = arith.constant 0 : i32
        %parallel_loop3A_619 = tpu.memref_slice %arg13[%parallel_loop3A_617, %parallel_loop3A_201, %parallel_loop3A_618] : memref<2x32x272xf32, #tpu.memory_space<vmem>> -> memref<1x1x272xf32, #tpu.memory_space<vmem>>
        %parallel_loop3A_620 = tpu.memref_squeeze %parallel_loop3A_619 : memref<1x1x272xf32, #tpu.memory_space<vmem>> -> memref<272xf32, #tpu.memory_space<vmem>>
        %parallel_loop3A_621 = tpu.vector_load_idx %parallel_loop3A_620[%add3A_58] : memref<272xf32, #tpu.memory_space<vmem>>[vector<16xi32>], vector<16xf32>,
        %parallel_loop3A_622 = arith.constant 2 : i32
        %parallel_loop3A_623 = arith.muli %parallel_loop3A_227, %parallel_loop3A_622 : i32
        %parallel_loop3A_624 = arith.constant 1 : i32
        %parallel_loop3A_625 = arith.addi %parallel_loop3A_623, %parallel_loop3A_624 : i32
        %parallel_loop3A_626 = arith.constant 16 : i32
        %parallel_loop3A_627 = arith.muli %parallel_loop3A_225, %parallel_loop3A_626 : i32
        %parallel_loop3A_628 = arith.constant 0 : i32
        %parallel_loop3A_629 = arith.addi %parallel_loop3A_628, %parallel_loop3A_627 : i32
        %parallel_loop3A_630 = arith.index_cast %parallel_loop3A_625 : i32 to index
        %parallel_loop3A_631 = arith.index_cast %parallel_loop3A_629 : i32 to index
        %parallel_loop3A_632 = tpu.vector_load %arg12[%parallel_loop3A_630, %parallel_loop3A_631] {strides = array<i32>} : memref<8x1024xf32, #tpu.memory_space<vmem>>, vector<16xf32>,
        tpu.vector_store %arg12[%parallel_loop3A_630, %parallel_loop3A_631], %parallel_loop3A_621 {strides = array<i32>} : memref<8x1024xf32, #tpu.memory_space<vmem>>, vector<16xf32>,
        %parallel_loop3A_633 = arith.constant 1 : i32
        %parallel_loop3A_634 = arith.constant 0 : i32
        %parallel_loop3A_635 = tpu.memref_slice %arg13[%parallel_loop3A_633, %parallel_loop3A_201, %parallel_loop3A_634] : memref<2x32x272xf32, #tpu.memory_space<vmem>> -> memref<1x1x272xf32, #tpu.memory_space<vmem>>
        %parallel_loop3A_636 = tpu.memref_squeeze %parallel_loop3A_635 : memref<1x1x272xf32, #tpu.memory_space<vmem>> -> memref<272xf32, #tpu.memory_space<vmem>>
        %parallel_loop3A_637 = tpu.vector_load_idx %parallel_loop3A_636[%add3A_64] : memref<272xf32, #tpu.memory_space<vmem>>[vector<16xi32>], vector<16xf32>,
        %parallel_loop3A_638 = arith.constant 2 : i32
        %parallel_loop3A_639 = arith.muli %parallel_loop3A_227, %parallel_loop3A_638 : i32
        %parallel_loop3A_640 = arith.constant 1 : i32
        %parallel_loop3A_641 = arith.addi %parallel_loop3A_639, %parallel_loop3A_640 : i32
        %parallel_loop3A_642 = arith.constant 16 : i32
        %parallel_loop3A_643 = arith.muli %parallel_loop3A_225, %parallel_loop3A_642 : i32
        %parallel_loop3A_644 = arith.constant 128 : i32
        %parallel_loop3A_645 = arith.addi %parallel_loop3A_644, %parallel_loop3A_643 : i32
        %parallel_loop3A_646 = arith.index_cast %parallel_loop3A_641 : i32 to index
        %parallel_loop3A_647 = arith.index_cast %parallel_loop3A_645 : i32 to index
        %parallel_loop3A_648 = tpu.vector_load %arg12[%parallel_loop3A_646, %parallel_loop3A_647] {strides = array<i32>} : memref<8x1024xf32, #tpu.memory_space<vmem>>, vector<16xf32>,
        tpu.vector_store %arg12[%parallel_loop3A_646, %parallel_loop3A_647], %parallel_loop3A_637 {strides = array<i32>} : memref<8x1024xf32, #tpu.memory_space<vmem>>, vector<16xf32>,
        %parallel_loop3A_649 = arith.constant 1 : i32
        %parallel_loop3A_650 = arith.constant 0 : i32
        %parallel_loop3A_651 = tpu.memref_slice %arg13[%parallel_loop3A_649, %parallel_loop3A_201, %parallel_loop3A_650] : memref<2x32x272xf32, #tpu.memory_space<vmem>> -> memref<1x1x272xf32, #tpu.memory_space<vmem>>
        %parallel_loop3A_652 = tpu.memref_squeeze %parallel_loop3A_651 : memref<1x1x272xf32, #tpu.memory_space<vmem>> -> memref<272xf32, #tpu.memory_space<vmem>>
        %parallel_loop3A_653 = tpu.vector_load_idx %parallel_loop3A_652[%add3A_70] : memref<272xf32, #tpu.memory_space<vmem>>[vector<16xi32>], vector<16xf32>,
        %parallel_loop3A_654 = arith.constant 2 : i32
        %parallel_loop3A_655 = arith.muli %parallel_loop3A_227, %parallel_loop3A_654 : i32
        %parallel_loop3A_656 = arith.constant 1 : i32
        %parallel_loop3A_657 = arith.addi %parallel_loop3A_655, %parallel_loop3A_656 : i32
        %parallel_loop3A_658 = arith.constant 16 : i32
        %parallel_loop3A_659 = arith.muli %parallel_loop3A_225, %parallel_loop3A_658 : i32
        %parallel_loop3A_660 = arith.constant 256 : i32
        %parallel_loop3A_661 = arith.addi %parallel_loop3A_660, %parallel_loop3A_659 : i32
        %parallel_loop3A_662 = arith.index_cast %parallel_loop3A_657 : i32 to index
        %parallel_loop3A_663 = arith.index_cast %parallel_loop3A_661 : i32 to index
        %parallel_loop3A_664 = tpu.vector_load %arg12[%parallel_loop3A_662, %parallel_loop3A_663] {strides = array<i32>} : memref<8x1024xf32, #tpu.memory_space<vmem>>, vector<16xf32>,
        tpu.vector_store %arg12[%parallel_loop3A_662, %parallel_loop3A_663], %parallel_loop3A_653 {strides = array<i32>} : memref<8x1024xf32, #tpu.memory_space<vmem>>, vector<16xf32>,
        %parallel_loop3A_665 = arith.constant 1 : i32
        %parallel_loop3A_666 = arith.constant 0 : i32
        %parallel_loop3A_667 = tpu.memref_slice %arg13[%parallel_loop3A_665, %parallel_loop3A_201, %parallel_loop3A_666] : memref<2x32x272xf32, #tpu.memory_space<vmem>> -> memref<1x1x272xf32, #tpu.memory_space<vmem>>
        %parallel_loop3A_668 = tpu.memref_squeeze %parallel_loop3A_667 : memref<1x1x272xf32, #tpu.memory_space<vmem>> -> memref<272xf32, #tpu.memory_space<vmem>>
        %parallel_loop3A_669 = tpu.vector_load_idx %parallel_loop3A_668[%add3A_76] : memref<272xf32, #tpu.memory_space<vmem>>[vector<16xi32>], vector<16xf32>,
        %parallel_loop3A_670 = arith.constant 2 : i32
        %parallel_loop3A_671 = arith.muli %parallel_loop3A_227, %parallel_loop3A_670 : i32
        %parallel_loop3A_672 = arith.constant 1 : i32
        %parallel_loop3A_673 = arith.addi %parallel_loop3A_671, %parallel_loop3A_672 : i32
        %parallel_loop3A_674 = arith.constant 16 : i32
        %parallel_loop3A_675 = arith.muli %parallel_loop3A_225, %parallel_loop3A_674 : i32
        %parallel_loop3A_676 = arith.constant 384 : i32
        %parallel_loop3A_677 = arith.addi %parallel_loop3A_676, %parallel_loop3A_675 : i32
        %parallel_loop3A_678 = arith.index_cast %parallel_loop3A_673 : i32 to index
        %parallel_loop3A_679 = arith.index_cast %parallel_loop3A_677 : i32 to index
        %parallel_loop3A_680 = tpu.vector_load %arg12[%parallel_loop3A_678, %parallel_loop3A_679] {strides = array<i32>} : memref<8x1024xf32, #tpu.memory_space<vmem>>, vector<16xf32>,
        tpu.vector_store %arg12[%parallel_loop3A_678, %parallel_loop3A_679], %parallel_loop3A_669 {strides = array<i32>} : memref<8x1024xf32, #tpu.memory_space<vmem>>, vector<16xf32>,
        %parallel_loop3A_681 = arith.constant 1 : i32
        %parallel_loop3A_682 = arith.constant 0 : i32
        %parallel_loop3A_683 = tpu.memref_slice %arg13[%parallel_loop3A_681, %parallel_loop3A_201, %parallel_loop3A_682] : memref<2x32x272xf32, #tpu.memory_space<vmem>> -> memref<1x1x272xf32, #tpu.memory_space<vmem>>
        %parallel_loop3A_684 = tpu.memref_squeeze %parallel_loop3A_683 : memref<1x1x272xf32, #tpu.memory_space<vmem>> -> memref<272xf32, #tpu.memory_space<vmem>>
        %parallel_loop3A_685 = tpu.vector_load_idx %parallel_loop3A_684[%add3A_82] : memref<272xf32, #tpu.memory_space<vmem>>[vector<16xi32>], vector<16xf32>,
        %parallel_loop3A_686 = arith.constant 2 : i32
        %parallel_loop3A_687 = arith.muli %parallel_loop3A_227, %parallel_loop3A_686 : i32
        %parallel_loop3A_688 = arith.constant 1 : i32
        %parallel_loop3A_689 = arith.addi %parallel_loop3A_687, %parallel_loop3A_688 : i32
        %parallel_loop3A_690 = arith.constant 16 : i32
        %parallel_loop3A_691 = arith.muli %parallel_loop3A_225, %parallel_loop3A_690 : i32
        %parallel_loop3A_692 = arith.constant 512 : i32
        %parallel_loop3A_693 = arith.addi %parallel_loop3A_692, %parallel_loop3A_691 : i32
        %parallel_loop3A_694 = arith.index_cast %parallel_loop3A_689 : i32 to index
        %parallel_loop3A_695 = arith.index_cast %parallel_loop3A_693 : i32 to index
        %parallel_loop3A_696 = tpu.vector_load %arg12[%parallel_loop3A_694, %parallel_loop3A_695] {strides = array<i32>} : memref<8x1024xf32, #tpu.memory_space<vmem>>, vector<16xf32>,
        tpu.vector_store %arg12[%parallel_loop3A_694, %parallel_loop3A_695], %parallel_loop3A_685 {strides = array<i32>} : memref<8x1024xf32, #tpu.memory_space<vmem>>, vector<16xf32>,
        %parallel_loop3A_697 = arith.constant 1 : i32
        %parallel_loop3A_698 = arith.constant 0 : i32
        %parallel_loop3A_699 = tpu.memref_slice %arg13[%parallel_loop3A_697, %parallel_loop3A_201, %parallel_loop3A_698] : memref<2x32x272xf32, #tpu.memory_space<vmem>> -> memref<1x1x272xf32, #tpu.memory_space<vmem>>
        %parallel_loop3A_700 = tpu.memref_squeeze %parallel_loop3A_699 : memref<1x1x272xf32, #tpu.memory_space<vmem>> -> memref<272xf32, #tpu.memory_space<vmem>>
        %parallel_loop3A_701 = tpu.vector_load_idx %parallel_loop3A_700[%add3A_88] : memref<272xf32, #tpu.memory_space<vmem>>[vector<16xi32>], vector<16xf32>,
        %parallel_loop3A_702 = arith.constant 2 : i32
        %parallel_loop3A_703 = arith.muli %parallel_loop3A_227, %parallel_loop3A_702 : i32
        %parallel_loop3A_704 = arith.constant 1 : i32
        %parallel_loop3A_705 = arith.addi %parallel_loop3A_703, %parallel_loop3A_704 : i32
        %parallel_loop3A_706 = arith.constant 16 : i32
        %parallel_loop3A_707 = arith.muli %parallel_loop3A_225, %parallel_loop3A_706 : i32
        %parallel_loop3A_708 = arith.constant 640 : i32
        %parallel_loop3A_709 = arith.addi %parallel_loop3A_708, %parallel_loop3A_707 : i32
        %parallel_loop3A_710 = arith.index_cast %parallel_loop3A_705 : i32 to index
        %parallel_loop3A_711 = arith.index_cast %parallel_loop3A_709 : i32 to index
        %parallel_loop3A_712 = tpu.vector_load %arg12[%parallel_loop3A_710, %parallel_loop3A_711] {strides = array<i32>} : memref<8x1024xf32, #tpu.memory_space<vmem>>, vector<16xf32>,
        tpu.vector_store %arg12[%parallel_loop3A_710, %parallel_loop3A_711], %parallel_loop3A_701 {strides = array<i32>} : memref<8x1024xf32, #tpu.memory_space<vmem>>, vector<16xf32>,
        %parallel_loop3A_713 = arith.constant 1 : i32
        %parallel_loop3A_714 = arith.constant 0 : i32
        %parallel_loop3A_715 = tpu.memref_slice %arg13[%parallel_loop3A_713, %parallel_loop3A_201, %parallel_loop3A_714] : memref<2x32x272xf32, #tpu.memory_space<vmem>> -> memref<1x1x272xf32, #tpu.memory_space<vmem>>
        %parallel_loop3A_716 = tpu.memref_squeeze %parallel_loop3A_715 : memref<1x1x272xf32, #tpu.memory_space<vmem>> -> memref<272xf32, #tpu.memory_space<vmem>>
        %parallel_loop3A_717 = tpu.vector_load_idx %parallel_loop3A_716[%add3A_94] : memref<272xf32, #tpu.memory_space<vmem>>[vector<16xi32>], vector<16xf32>,
        %parallel_loop3A_718 = arith.constant 2 : i32
        %parallel_loop3A_719 = arith.muli %parallel_loop3A_227, %parallel_loop3A_718 : i32
        %parallel_loop3A_720 = arith.constant 1 : i32
        %parallel_loop3A_721 = arith.addi %parallel_loop3A_719, %parallel_loop3A_720 : i32
        %parallel_loop3A_722 = arith.constant 16 : i32
        %parallel_loop3A_723 = arith.muli %parallel_loop3A_225, %parallel_loop3A_722 : i32
        %parallel_loop3A_724 = arith.constant 768 : i32
        %parallel_loop3A_725 = arith.addi %parallel_loop3A_724, %parallel_loop3A_723 : i32
        %parallel_loop3A_726 = arith.index_cast %parallel_loop3A_721 : i32 to index
        %parallel_loop3A_727 = arith.index_cast %parallel_loop3A_725 : i32 to index
        %parallel_loop3A_728 = tpu.vector_load %arg12[%parallel_loop3A_726, %parallel_loop3A_727] {strides = array<i32>} : memref<8x1024xf32, #tpu.memory_space<vmem>>, vector<16xf32>,
        tpu.vector_store %arg12[%parallel_loop3A_726, %parallel_loop3A_727], %parallel_loop3A_717 {strides = array<i32>} : memref<8x1024xf32, #tpu.memory_space<vmem>>, vector<16xf32>,
        %parallel_loop3A_729 = arith.constant 1 : i32
        %parallel_loop3A_730 = arith.constant 0 : i32
        %parallel_loop3A_731 = tpu.memref_slice %arg13[%parallel_loop3A_729, %parallel_loop3A_201, %parallel_loop3A_730] : memref<2x32x272xf32, #tpu.memory_space<vmem>> -> memref<1x1x272xf32, #tpu.memory_space<vmem>>
        %parallel_loop3A_732 = tpu.memref_squeeze %parallel_loop3A_731 : memref<1x1x272xf32, #tpu.memory_space<vmem>> -> memref<272xf32, #tpu.memory_space<vmem>>
        %parallel_loop3A_733 = tpu.vector_load_idx %parallel_loop3A_732[%add3A_100] : memref<272xf32, #tpu.memory_space<vmem>>[vector<16xi32>], vector<16xf32>,
        %parallel_loop3A_734 = arith.constant 2 : i32
        %parallel_loop3A_735 = arith.muli %parallel_loop3A_227, %parallel_loop3A_734 : i32
        %parallel_loop3A_736 = arith.constant 1 : i32
        %parallel_loop3A_737 = arith.addi %parallel_loop3A_735, %parallel_loop3A_736 : i32
        %parallel_loop3A_738 = arith.constant 16 : i32
        %parallel_loop3A_739 = arith.muli %parallel_loop3A_225, %parallel_loop3A_738 : i32
        %parallel_loop3A_740 = arith.constant 896 : i32
        %parallel_loop3A_741 = arith.addi %parallel_loop3A_740, %parallel_loop3A_739 : i32
        %parallel_loop3A_742 = arith.index_cast %parallel_loop3A_737 : i32 to index
        %parallel_loop3A_743 = arith.index_cast %parallel_loop3A_741 : i32 to index
        %parallel_loop3A_744 = tpu.vector_load %arg12[%parallel_loop3A_742, %parallel_loop3A_743] {strides = array<i32>} : memref<8x1024xf32, #tpu.memory_space<vmem>>, vector<16xf32>,
        tpu.vector_store %arg12[%parallel_loop3A_742, %parallel_loop3A_743], %parallel_loop3A_733 {strides = array<i32>} : memref<8x1024xf32, #tpu.memory_space<vmem>>, vector<16xf32>,
      } {sc.loop_unroll_factor = 8 : i64, sc.parallel_access}
      %dma_start3A_192 = arith.constant 0 : i32
      %dma_start3A_193 = arith.constant 0 : i32
      %dma_start3A_194 = tpu.memref_slice %arg5[%add3A_170, %dma_start3A_192, %add3A, %dma_start3A_193] : memref<200x8x32x1024xf32, #tpu.memory_space<hbm>> -> memref<1x8x1x1024xf32, #tpu.memory_space<hbm>>
      %dma_start3A_195 = tpu.memref_squeeze %dma_start3A_194 : memref<1x8x1x1024xf32, #tpu.memory_space<hbm>> -> memref<8x1024xf32, #tpu.memory_space<hbm>>
      %dma_start3A_196 = arith.constant 0 : i32
      %dma_start3A_197 = arith.constant 0 : i32
      %dma_start3A_198 = tpu.memref_slice %arg5[%add3A_170, %dma_start3A_196, %add3A, %dma_start3A_197] : memref<200x8x32x1024xf32, #tpu.memory_space<hbm>> -> memref<1x8x1x1024xf32, #tpu.memory_space<hbm>>
      %dma_start3A_199 = tpu.memref_squeeze %dma_start3A_198 : memref<1x8x1x1024xf32, #tpu.memory_space<hbm>> -> memref<8x1024xf32, #tpu.memory_space<hbm>>
      tpu.enqueue_dma source(%arg12 : memref<8x1024xf32, #tpu.memory_space<vmem>>) target(%dma_start3A_199 : memref<8x1024xf32, #tpu.memory_space<hbm>>) target_semaphore(%arg17 : memref<!tpu.dma_semaphore, #tpu.memory_space<semaphore_mem>>)
      %scan3A_200 = arith.constant 0 : i32
      scf.yield %scan3A_200 : i32
    }
    %scan3A_119 = arith.constant 100 : i32
    %dma_wait3A = arith.constant 198 : i32
    %dma_wait3A_120 = arith.constant 0 : i32
    %dma_wait3A_121 = arith.constant 0 : i32
    %dma_wait3A_122 = tpu.memref_slice %arg5[%dma_wait3A, %dma_wait3A_120, %add3A, %dma_wait3A_121] : memref<200x8x32x1024xf32, #tpu.memory_space<hbm>> -> memref<1x8x1x1024xf32, #tpu.memory_space<hbm>>
    %dma_wait3A_123 = tpu.memref_squeeze %dma_wait3A_122 : memref<1x8x1x1024xf32, #tpu.memory_space<hbm>> -> memref<8x1024xf32, #tpu.memory_space<hbm>>
    %dma_wait3A_124 = arith.constant 0 : i32
    %dma_wait3A_125 = arith.constant 0 : i32
    %dma_wait3A_126 = tpu.memref_slice %arg5[%dma_wait3A, %dma_wait3A_124, %add3A, %dma_wait3A_125] : memref<200x8x32x1024xf32, #tpu.memory_space<hbm>> -> memref<1x8x1x1024xf32, #tpu.memory_space<hbm>>
    %dma_wait3A_127 = tpu.memref_squeeze %dma_wait3A_126 : memref<1x8x1x1024xf32, #tpu.memory_space<hbm>> -> memref<8x1024xf32, #tpu.memory_space<hbm>>
    tpu.wait_dma2 semaphore(%arg16 : memref<!tpu.dma_semaphore, #tpu.memory_space<semaphore_mem>>) src(%arg11 : memref<8x1024xf32, #tpu.memory_space<vmem>>) dst(%dma_wait3A_127 : memref<8x1024xf32, #tpu.memory_space<hbm>>)
    %dma_wait3A_128 = arith.constant 199 : i32
    %dma_wait3A_129 = arith.constant 0 : i32
    %dma_wait3A_130 = arith.constant 0 : i32
    %dma_wait3A_131 = tpu.memref_slice %arg5[%dma_wait3A_128, %dma_wait3A_129, %add3A, %dma_wait3A_130] : memref<200x8x32x1024xf32, #tpu.memory_space<hbm>> -> memref<1x8x1x1024xf32, #tpu.memory_space<hbm>>
    %dma_wait3A_132 = tpu.memref_squeeze %dma_wait3A_131 : memref<1x8x1x1024xf32, #tpu.memory_space<hbm>> -> memref<8x1024xf32, #tpu.memory_space<hbm>>
    %dma_wait3A_133 = arith.constant 0 : i32
    %dma_wait3A_134 = arith.constant 0 : i32
    %dma_wait3A_135 = tpu.memref_slice %arg5[%dma_wait3A_128, %dma_wait3A_133, %add3A, %dma_wait3A_134] : memref<200x8x32x1024xf32, #tpu.memory_space<hbm>> -> memref<1x8x1x1024xf32, #tpu.memory_space<hbm>>
    %dma_wait3A_136 = tpu.memref_squeeze %dma_wait3A_135 : memref<1x8x1x1024xf32, #tpu.memory_space<hbm>> -> memref<8x1024xf32, #tpu.memory_space<hbm>>
    tpu.wait_dma2 semaphore(%arg17 : memref<!tpu.dma_semaphore, #tpu.memory_space<semaphore_mem>>) src(%arg12 : memref<8x1024xf32, #tpu.memory_space<vmem>>) dst(%dma_wait3A_136 : memref<8x1024xf32, #tpu.memory_space<hbm>>)
    return
  }
}

</mosaic_0001>

<sc_bundles>
// kernel: _embed.3.cloned.1.call-start
scs
__scs_entry_jumppad:
0x0: {  	(pc) =	sbr.rel $0x88, $3  }
0x1: {  	(tag) =	ssettag $0x0;
	lr =	simm.s32 $0x1  }
0x2: {  	[smem:$0x3F9F] =	sst lr;
	_ =	strace $0xD0000000  }
0x3: {  	_ = 	snop  }
0x4: {  	_ = 	snop  }
0x5: {  	_ = 	snop  }
0x6: {  	_ = 	snop  }
0x7: {  	_ = 	snop  }
__scs_overlays_trampoline_lowered:
0x8: {  	[smem:$0x3FAE] =	sst s0  }
0x9: {  	[smem:$0x3FAF] =	sst s1  }
0xa: {  	[smem:$0x3FB0] =	sst s2  }
0xb: {  	[smem:$0x3FB1] =	sst s3  }
0xc: {  	[smem:$0x3FB2] =	sst s4  }
0xd: {  	[smem:$0x3FB3] =	sst s5  }
0xe: {  	[smem:$0x3FB4] =	sst s6  }
0xf: {  	[smem:$0x3FB5] =	sst s7  }
0x10: {  	[smem:$0x3FB6] =	sst s8  }
0x11: {  	[smem:$0x3FB7] =	sst s9;
	s0 =	simm.s32 @!p0 $0x0  }
0x12: {  	s1 =	sld [smem:$0x3F9D];
	s0 =	simm.s32 @p0 $0x1  }
0x13: {  	[smem:$0x3FB8] =	sst s0;
	s0 =	simm.s32 @!p1 $0x0  }
0x14: {  	s2 =	sld [smem:$0x3F9C];
	s0 =	simm.s32 @p1 $0x1  }
0x15: {  	[smem:$0x3FB9] =	sst s0;
	s0 =	simm.s32 @!p2 $0x0  }
0x16: {  	s3 =	sld [smem:$0x3FDB];
	s0 =	simm.s32 @p2 $0x1  }
0x17: {  	s4 =	simm.s32 $0x1BF5;
	[smem:$0x3FBB] =	sst s0  }
0x18: {  	s0 =	sld [smem:$0x3F9E];
	_ =	swait.ge [sflag:s4], $0x0  }
0x19: {  	s7 =	sld [smem:$0x3F9F]  }
0x1a: {  	s8 =	sadd.s32 $0xFFFFE003, lr  }
0x1b: {  	s9 =	sadd.s32 $0xFFFFFEF7, lr;
	s5 =	simm.s32 $0xFFFFFFFF;
	p2 =	slt.u32 s8, $0xFFFFF086  }
0x1c: {  	p1 =	slt.u32 s9, $0xF7A;
	s5 =	simm.s32 @!p2 $0x0  }
0x1d: {  	s5 =	simm.s32 @p1 $0x1;
	p0 =	seq.s32 s7, s2  }
0x1e: {  	s7 =	smul.u32 @!p0 $0xF7A, s2;
	p2 =	seq.s32 @!p0 s5, $0x0  }
0x1f: {  	s9 =	smul.u32 $0xF7A, s1;
	s8 =	simm.s32 @!p0 $0x1BF5;
	p2 =	por !p2, p0  }
0x20: {  	[sflag:s8] =	ssyncset.s32 @!p0 $0xFFFFF086;
	s6 =	sadd.s32 @!p0 s3, s7;
	s7 =	simm.s32 @!p0 $0x108  }
0x21: {  	s3 =	sadd.s32 s3, s9;
	s6 =	sadd.s32 @!p0 $0x88, s6;
	s7 =	simm.s32 @p2 $0x1082  }
0x22: {  	[simem:s7], [sflag:s8] =	dma.local @!p0 [hbm:s6], $0xF7A  }
0x23: {  	s9 =	sor.u32 $0xD0000000, s2;
	s6 =	simm.s32 $0x108;
	_ =	swait.ge @!p0 [sflag:s8], $0x0  }
0x24: {  	s3 =	sadd.s32 $0x88, s3;
	s6 =	simm.s32 @!p1 $0x1082;
	[sflag:s4] =	ssyncset.s32 $0xFFFFF086  }
0x25: {  	[simem:s6], [sflag:s4] =	dma.local [hbm:s3], $0xF7A  }
0x26: {  	[smem:$0x3F9F] =	sst s1;
	(tag) =	ssettag s2;
	_ =	strace s9  }
0x27: {  	s1 =	sld [smem:$0x3FAF]  }
0x28: {  	s2 =	sld [smem:$0x3FB0]  }
0x29: {  	s4 =	sld [smem:$0x3FB2]  }
0x2a: {  	p0 =	seq.s32 s5, $0x0;
	s5 =	sld [smem:$0x3FB3]  }
0x2b: {  	s6 =	sld [smem:$0x3FB4]  }
0x2c: {  	s7 =	sld [smem:$0x3FB5]  }
0x2d: {  	s3 =	simm.s32 $0x108;
	s8 =	sld [smem:$0x3FB6]  }
0x2e: {  	s3 =	simm.s32 @!p0 $0x1082;
	s9 =	sld [smem:$0x3FB7]  }
0x2f: {  	lr =	sadd.s32 s0, s3;
	s0 =	sld [smem:$0x3FAE]  }
0x30: {  	s3 =	sld [smem:$0x3FB1]  }
0x31: {  	[smem:$0x3FBA] =	sst s10  }
0x32: {  	s10 =	sld [smem:$0x3FB8];
	_ =	sdelay $0x3  }
0x33: {  	p0 =	seq.s32 s10, $0x1;
	s10 =	sld [smem:$0x3FBA];
	_ =	sdelay $0x3  }
0x34: {  	[smem:$0x3FBA] =	sst s10  }
0x35: {  	s10 =	sld [smem:$0x3FB9];
	_ =	sdelay $0x3  }
0x36: {  	p1 =	seq.s32 s10, $0x1;
	s10 =	sld [smem:$0x3FBA];
	_ =	sdelay $0x3  }
0x37: {  	[smem:$0x3FBA] =	sst s10  }
0x38: {  	s10 =	sld [smem:$0x3FBB]  }
0x39: {  	_ = 	snop;
	(pc) =	sbr.ind lr, $3  }
0x3a: {  	_ = 	snop  }
0x3b: {  	_ = 	snop  }
0x3c: {  	p2 =	seq.s32 s10, $0x1;
	s10 =	sld [smem:$0x3FBA]  }
0x3d: {  	_ =	shalt  }
0x3e: {  	_ =	shalt  }
0x3f: {  	_ =	shalt  }
0x40: {  	_ =	shalt  }
0x41: {  	_ =	shalt  }
0x42: {  	_ =	shalt  }
0x43: {  	_ =	shalt  }
0x44: {  	_ =	shalt  }
0x45: {  	_ =	shalt  }
0x46: {  	_ =	shalt  }
0x47: {  	_ =	shalt  }
0x48: {  	_ =	shalt  }
0x49: {  	_ =	shalt  }
0x4a: {  	_ =	shalt  }
0x4b: {  	_ =	shalt  }
0x4c: {  	_ =	shalt  }
0x4d: {  	_ =	shalt  }
0x4e: {  	_ =	shalt  }
0x4f: {  	_ =	shalt  }
0x50: {  	_ =	shalt  }
0x51: {  	_ =	shalt  }
0x52: {  	_ =	shalt  }
0x53: {  	_ =	shalt  }
0x54: {  	_ =	shalt  }
0x55: {  	_ =	shalt  }
0x56: {  	_ =	shalt  }
0x57: {  	_ =	shalt  }
0x58: {  	_ =	shalt  }
0x59: {  	_ =	shalt  }
0x5a: {  	_ =	shalt  }
0x5b: {  	_ =	shalt  }
0x5c: {  	_ =	shalt  }
0x5d: {  	_ =	shalt  }
0x5e: {  	_ =	shalt  }
0x5f: {  	_ =	shalt  }
0x60: {  	_ =	shalt  }
0x61: {  	_ =	shalt  }
0x62: {  	_ =	shalt  }
0x63: {  	_ =	shalt  }
0x64: {  	_ =	shalt  }
0x65: {  	_ =	shalt  }
0x66: {  	_ =	shalt  }
0x67: {  	_ =	shalt  }
0x68: {  	_ =	shalt  }
0x69: {  	_ =	shalt  }
0x6a: {  	_ =	shalt  }
0x6b: {  	_ =	shalt  }
0x6c: {  	_ =	shalt  }
0x6d: {  	_ =	shalt  }
0x6e: {  	_ =	shalt  }
0x6f: {  	_ =	shalt  }
0x70: {  	_ =	shalt  }
0x71: {  	_ =	shalt  }
0x72: {  	_ =	shalt  }
0x73: {  	_ =	shalt  }
0x74: {  	_ =	shalt  }
0x75: {  	_ =	shalt  }
0x76: {  	_ =	shalt  }
0x77: {  	_ =	shalt  }
0x78: {  	_ =	shalt  }
0x79: {  	_ =	shalt  }
0x7a: {  	_ =	shalt  }
0x7b: {  	_ =	shalt  }
0x7c: {  	_ =	shalt  }
0x7d: {  	_ =	shalt  }
0x7e: {  	_ =	shalt  }
0x7f: {  	_ =	shalt  }
0x80: {  	_ =	shalt  }
0x81: {  	_ =	shalt  }
0x82: {  	_ =	shalt  }
0x83: {  	_ =	shalt  }
0x84: {  	_ =	shalt  }
0x85: {  	_ =	shalt  }
0x86: {  	_ =	shalt  }
0x87: {  	_ =	shalt  }
.Lfunc_end0:
.L_simem_size_0:
called_computation_lowered:
.L_overlay_start_0:
0x88: {  	s2 =	sld [smem:$0x3FD9]  }
0x89: {  	s3 =	sld [smem:$0x3FFE];
	_ =	sdelay $0x1  }
0x8a: {  	s1 =	srdreg.scid  }
0x8b: {  	s0 =	sand.u32 $0x1, s1  }
0x8c: {  	s17 =	sshll.u32 s0, $0xA;
	s2 =	sadd.s32 s3, s2  }
0x8d: {  	s2 =	sadd.s32 s2, s17  }
0x8e: {  	[smem:$0x3FC6] =	sst s2  }
0x8f: {  	_ = 	snop  }
0x90: {  	s2 =	sld [smem:$0x3FC9];
	(tm) =	ssettm $0x1  }
0x91: {  	s18 =	sld [smem:$0x3FFB];
	_ =	sdelay $0x3  }
0x92: {  	_ =	strace s18  }
0x93: {  	s3 =	sld [smem:$0x3FFC];
	_ =	sdelay $0x3  }
0x94: {  	_ =	strace s3  }
0x95: {  	s3 =	sld [smem:$0x3FFD];
	_ =	sdelay $0x3  }
0x96: {  	_ =	strace s3  }
0x97: {  	_ =	strace $0x8FFFFFFF  }
0x98: {  	s19 =	sld [smem:$0x3FDB];
	_ =	sdelay $0x1  }
0x99: {  	s4 =	simm.s32 $_scs_section_size  }
0x9a: {  	s5 =	simm.s32 $_size__tile_overlayer_lowered;
	s6 =	simm.s32 $_tile_overlayer_lowered  }
0x9b: {  	s22 =	simm.s32 $0x1BFF;
	s21 =	sshll.u32 s6, $0x1;
	s3 =	sadd.s32 s4, s19  }
0x9c: {  	s7 =	simm.s32 $0x0;
	s20 =	sshll.u32 s5, $0x1;
	s5 =	sadd.s32 s21, s3  }
0x9d: {  	[timem:s7], [sflag:s22] =	dma.local [hbm:s5], s20  }
0x9e: {  	_ =	swait.ge [sflag:s22], s20  }
0x9f: {  	s4 =	ssub.s32 $0x0, s20;
	[sflag:s22] =	ssyncset.done $0x0  }
0xa0: {  	[sflag:s22] =	ssyncadd.s32 s4;
	_ =	sdelay $0x1  }
0xa1: {  	s23 =	simm.s32 $0x1B8B  }
0xa2: {  	_ =	swait.ge [sflag:s23], $0x1  }
0xa3: {  	[sflag:s23] =	ssyncset.done $0x0  }
0xa4: {  	s25 =	simm.s32 $0x1B8E;
	s24 =	sld [smem:$0x3FFE];
	[sflag:s23] =	ssyncadd.s32 $0xFFFFFFFF  }
0xa5: {  	s26 =	simm.s32 $execute0_lowered;
	[smem:$0x3FD2] =	sst s25  }
0xa6: {  	s5 =	sshll.u32 s26, $0x1;
	_ =	strace $0x80000046;
	[dreg:$0x1] =	wrdreg $0xFFFFFFFF  }
0xa7: {  	s28 =	simm.s32 $_size_execute0_lowered;
	s3 =	sadd.s32 s3, s5;
	[dreg:$0x0] =	wrdreg $0x0  }
0xa8: {  	s5 =	sshll.u32 s28, $0x1;
	[dreg:$0x2] =	wrdreg s3  }
0xa9: {  	[dreg:$0x3] =	wrdreg s5  }
0xaa: {  	[dreg:$0x4] =	wrdreg $0xC0  }
0xab: {  	_ =	task [dreg:s7], $0x5FFFF  }
0xac: {  	[dreg:$0x1] =	wrdreg $0xFFFFFFFF  }
0xad: {  	[dreg:$0x0] =	wrdreg $0x60  }
0xae: {  	[dreg:$0x2] =	wrdreg s2  }
0xaf: {  	[dreg:$0x3] =	wrdreg s24  }
0xb0: {  	[dreg:$0x4] =	wrdreg $0x9  }
0xb1: {  	_ =	task.clear_ibuf [dreg:s7], $0x5FFFF;
	_ =	strace $0x90000046  }
0xb2: {  	s29 =	simm.s32 $0x9;
	_ =	strace $0x80000048  }
0xb3: {  	_ =	swait.ge [sflag:s29], $0x1  }
0xb4: {  	[sflag:s29] =	ssyncadd.s32 $0xFFFFFFFF  }
0xb5: {  	_ =	strace $0x90000048  }
0xb6: {  	_ =	sfence  }
0xb7: {  	s30 =	sld [smem:$0x0];
	_ =	sdelay $0x2  }
0xb8: {  	s31 =	sshll.u32 s1, $0xD;
	s1 =	sshrl.u32 s1, $0x2  }
0xb9: {  	s3 =	sand.u32 $0x4000, s31;
	s1 =	sadd.s32 s1, s30  }
0xba: {  	s0 =	sor.u32 s3, s0;
	s1 =	sshll.u32 s1, $0x11  }
0xbb: {  	s0 =	sor.u32 s1, s0  }
0xbc: {  	s0 =	sadd.s32 $0x8F2B, s0  }
0xbd: {  	[sflag:s0] =	ssyncadd.remote.s32 $0x1  }
0xbe: {  	_ =	sfence.sel $0xFFFF  }
0xbf: {  	[dreg:$0x0] =	wrdreg $0xFFFFFFFF;
	(pc) =	sbr.abs _section_cstart, $3  }
0xc0: {  	[dreg:$0x1] =	wrdreg $0xFFFFFFFF  }
0xc1: {  	_ =	task.clear_ibuf [dreg:s7], $0x2FFFF;
	_ =	strace $0x9FFFFFFF  }
0xc2: {  	(tm) =	ssettm $0x7FFFFFFF  }
0xc3: {  	_ =	shalt  }
tec
execute0_lowered:
.L_overlay_start_1:
0x0: {  	(tag) =	ssettag $0x1  }
0x1: {  	v5 =	vlaneseq.u32  }
0x2: {  	s0 =	rddreg [dreg:$0x0];
	v0 =	vmul.u32 $0xC8, v5  }
0x3: {  	s1 =	rddreg [dreg:$0x1];
	s2 =	simm.s32 $0x0;
	s3 =	srdreg.scid  }
0x4: {  	s4 =	stileid.u32;
	s14 =	simm.s32 $0x1;
	s17 =	simm.s32 $0x400;
	v5 =	vmul.u32 $0x11, v5;
	v1 =	vadd.s32 $0xC80, v0  }
0x5: {  	s19 =	simm.s32 $0x2;
	s3 =	sand.u32 $0x1, s3;
	s4 =	sshll.u32 s4, $0x1;
	v2 =	vadd.s32 $0x1900, v0;
	v3 =	vadd.s32 $0x2580, v0;
	v4 =	vadd.s32 $0x3200, v0  }
0x6: {  	s24 =	simm.s32 $0x0;
	s6 =	ssub.s32 $0x2, s3;
	s3 =	sor.u32 s3, s4;
	v6 =	vadd.s32 $0x3E80, v0;
	v7 =	vadd.s32 $0x4B00, v0;
	v8 =	vadd.s32 $0x5780, v0  }
0x7: {  	[smem:$0x7FF] =	sst s2;
	s29 =	sadd.s32 $0x400, s1;
	s8 =	smul.u32 $0xC80, s3;
	v9 =	vadd.s32 $0x1, v5;
	v10 =	vadd.s32 $0x2, v5;
	v11 =	vadd.s32 $0x3, v5  }
0x8: {  	s5 =	sadd.s32 $0xC4200, s1;
	_ =	strace $0x80000047;
	s7 =	sshrl.u32 s6, $0x1;
	v12 =	vadd.s32 $0x4, v5;
	v13 =	vadd.s32 $0x5, v5;
	v14 =	vadd.s32 $0x6, v5  }
0x9: {  	[dreg:$0x3] =	wrdreg s29;
	v15 =	vadd.s32 $0x7, v5;
	v16 =	vadd.s32 $0x8, v5;
	v17 =	vadd.s32 $0x9, v5;
	s30 =	ssub.s32 s6, s7;
	s0 =	sadd.s32 s0, s8  }
0xa: {  	s4 =	sadd.s32 $0xC00, s1;
	v18 =	vadd.s32 $0xA, v5;
	v19 =	vadd.s32 $0xB, v5;
	v20 =	vadd.s32 $0xC, v5;
	s31 =	smax.u32 s30, $0x1;
	[dreg:$0x4] =	wrdreg s0  }
0xb: {  	v21 =	vadd.s32 $0xD, v5;
	v22 =	vadd.s32 $0xE, v5;
	v23 =	vadd.s32 $0xF, v5;
	s7 =	sshll.u32 s3, $0xA;
	s3 =	simm.s32 $0x0;
	[dreg:$0x5] =	wrdreg s31  }
.LBB2_1:
0xc: {  	[dreg:$0x6] =	wrdreg s3  }
0xd: {  	s0 =	rddreg [dreg:$0x4];
	s1 =	simm.s32 $0x5  }
0xe: {  	[tilespmem:s2], [sflag:$0x5] =	stream.linear.gather [hbm4b:s0+s2], $0x6400, $0x38;
	[tilespmem:$0x1BE00] =	vst v63  }
0xf: {  	_ =	swait.ge [sflag:s1], $0x6400  }
0x10: {  	[sflag:s1] =	ssyncset.done $0x0  }
0x11: {  	v24 =	vadd.s32 s2, v0;
	s31 =	simm.s32 $0xC800;
	s30 =	rddreg [dreg:$0x3];
	[sflag:s1] =	ssyncadd.s32 $0xFFFF9C00  }
0x12: {  	[tilespmem:s31], [sflag:$0x5] =	stream.linear.gather [hbm4b:s30+s2], $0x3200, $0x38;
	[tilespmem:$0x1BE00] =	vst v63  }
0x13: {  	_ =	swait.ge [sflag:s1], $0x3200  }
0x14: {  	[sflag:s1] =	ssyncset.done $0x0  }
0x15: {  	[sflag:s1] =	ssyncadd.s32 $0xFFFFCE00  }
0x16: {  	v24 =	vld.idx.msk [tilespmem:v24+s2+$0x0], $0xffff  }
0x17: {  	v25 =	vadd.s32 s2, v1;
	_ =	sdelay $0x2  }
0x18: {  	s0 =	simm.s32 $0x6440  }
0x19: {  	[tilespmem:s0+$0xFFFFFFC0] =	vst v24  }
0x1a: {  	v24 =	vld.idx.msk [tilespmem:v25+s2+$0x0], $0xffff  }
0x1b: {  	v25 =	vadd.s32 s2, v2;
	_ =	sdelay $0x3  }
0x1c: {  	[tilespmem:s0+$0xFFFFFFD0] =	vst v24  }
0x1d: {  	v24 =	vld.idx.msk [tilespmem:v25+s2+$0x0], $0xffff  }
0x1e: {  	v25 =	vadd.s32 s2, v3;
	_ =	sdelay $0x3  }
0x1f: {  	[tilespmem:s0+$0xFFFFFFE0] =	vst v24  }
0x20: {  	v24 =	vld.idx.msk [tilespmem:v25+s2+$0x0], $0xffff  }
0x21: {  	v25 =	vadd.s32 s2, v4;
	_ =	sdelay $0x3  }
0x22: {  	[tilespmem:s0+$0xFFFFFFF0] =	vst v24  }
0x23: {  	v24 =	vld.idx.msk [tilespmem:v25+s2+$0x0], $0xffff  }
0x24: {  	v25 =	vadd.s32 s2, v6;
	_ =	sdelay $0x3  }
0x25: {  	[tilespmem:s0+$0x0] =	vst v24  }
0x26: {  	v24 =	vld.idx.msk [tilespmem:v25+s2+$0x0], $0xffff  }
0x27: {  	v25 =	vadd.s32 s2, v7;
	_ =	sdelay $0x3  }
0x28: {  	[tilespmem:s0+$0x10] =	vst v24  }
0x29: {  	v24 =	vld.idx.msk [tilespmem:v25+s2+$0x0], $0xffff  }
0x2a: {  	v25 =	vadd.s32 s2, v8;
	_ =	sdelay $0x3  }
0x2b: {  	[tilespmem:s0+$0x20] =	vst v24  }
0x2c: {  	s1 =	simm.s32 $0x1;
	v24 =	vld.idx.msk [tilespmem:v25+s2+$0x0], $0xffff  }
0x2d: {  	s3 =	simm.s32 $0x2;
	v25 =	vadd.s32 s1, v0  }
.LBB2_2:
0x2e: {  	p0 =	sne.s32 s3, $0xC7;
	_ =	sdelay $0x2  }
0x2f: {  	[tilespmem:s0+$0x30] =	vst v24  }
0x30: {  	v24 =	vld.idx.msk [tilespmem:v25+s2+$0x0], $0xffff;
	_ =	sdelay $0x1  }
0x31: {  	v25 =	vadd.s32 s1, v1;
	_ =	sdelay $0x2  }
0x32: {  	s0 =	sadd.s32 $0x80, s0  }
0x33: {  	[tilespmem:s0+$0xFFFFFFC0] =	vst v24  }
0x34: {  	v24 =	vld.idx.msk [tilespmem:v25+s2+$0x0], $0xffff;
	_ =	sdelay $0x1  }
0x35: {  	v25 =	vadd.s32 s1, v2;
	_ =	sdelay $0x3  }
0x36: {  	[tilespmem:s0+$0xFFFFFFD0] =	vst v24  }
0x37: {  	v24 =	vld.idx.msk [tilespmem:v25+s2+$0x0], $0xffff;
	_ =	sdelay $0x1  }
0x38: {  	v25 =	vadd.s32 s1, v3;
	_ =	sdelay $0x3  }
0x39: {  	[tilespmem:s0+$0xFFFFFFE0] =	vst v24  }
0x3a: {  	v24 =	vld.idx.msk [tilespmem:v25+s2+$0x0], $0xffff;
	_ =	sdelay $0x1  }
0x3b: {  	v25 =	vadd.s32 s1, v4;
	_ =	sdelay $0x3  }
0x3c: {  	[tilespmem:s0+$0xFFFFFFF0] =	vst v24  }
0x3d: {  	v24 =	vld.idx.msk [tilespmem:v25+s2+$0x0], $0xffff;
	_ =	sdelay $0x1  }
0x3e: {  	v25 =	vadd.s32 s1, v6;
	_ =	sdelay $0x3  }
0x3f: {  	[tilespmem:s0+$0x0] =	vst v24  }
0x40: {  	v24 =	vld.idx.msk [tilespmem:v25+s2+$0x0], $0xffff;
	_ =	sdelay $0x1  }
0x41: {  	v25 =	vadd.s32 s1, v7;
	_ =	sdelay $0x3  }
0x42: {  	[tilespmem:s0+$0x10] =	vst v24  }
0x43: {  	v24 =	vld.idx.msk [tilespmem:v25+s2+$0x0], $0xffff;
	_ =	sdelay $0x1  }
0x44: {  	v25 =	vadd.s32 s1, v8;
	s1 =	smov.u32 s3;
	_ =	sdelay $0x2  }
.Ltmp0:
0x45: {  	(pc) =	sbr.rel @p0 .LBB2_2-.Ltmp0, $3  }
0x46: {  	[tilespmem:s0+$0x20] =	vst v24  }
0x47: {  	v24 =	vld.idx.msk [tilespmem:v25+s2+$0x0], $0xffff;
	_ =	sdelay $0x1  }
0x48: {  	s3 =	sadd.s32 $0x1, s3;
	v25 =	vadd.s32 s1, v0  }
0x49: {  	_ =	sdelay $0x2  }
0x4a: {  	[tilespmem:s0+$0x30] =	vst v24  }
0x4b: {  	v24 =	vld.idx.msk [tilespmem:v25+s2+$0x0], $0xffff  }
0x4c: {  	v57 =	vadd.s32 s1, v1;
	_ =	sdelay $0x2  }
0x4d: {  	s29 =	sadd.s32 $0x80, s0  }
0x4e: {  	[tilespmem:s29+$0xFFFFFFC0] =	vst v24  }
0x4f: {  	v24 =	vld.idx.msk [tilespmem:v57+s2+$0x0], $0xffff  }
0x50: {  	v58 =	vadd.s32 s1, v2;
	_ =	sdelay $0x3  }
0x51: {  	[tilespmem:s29+$0xFFFFFFD0] =	vst v24  }
0x52: {  	v24 =	vld.idx.msk [tilespmem:v58+s2+$0x0], $0xffff  }
0x53: {  	v59 =	vadd.s32 s1, v3;
	_ =	sdelay $0x3  }
0x54: {  	[tilespmem:s29+$0xFFFFFFE0] =	vst v24  }
0x55: {  	v24 =	vld.idx.msk [tilespmem:v59+s2+$0x0], $0xffff  }
0x56: {  	v60 =	vadd.s32 s1, v4;
	_ =	sdelay $0x3  }
0x57: {  	[tilespmem:s29+$0xFFFFFFF0] =	vst v24  }
0x58: {  	v24 =	vld.idx.msk [tilespmem:v60+s2+$0x0], $0xffff  }
0x59: {  	v61 =	vadd.s32 s1, v6;
	_ =	sdelay $0x3  }
0x5a: {  	[tilespmem:s29+$0x0] =	vst v24  }
0x5b: {  	v24 =	vld.idx.msk [tilespmem:v61+s2+$0x0], $0xffff  }
0x5c: {  	v62 =	vadd.s32 s1, v7;
	_ =	sdelay $0x3  }
0x5d: {  	[tilespmem:s29+$0x10] =	vst v24  }
0x5e: {  	v24 =	vld.idx.msk [tilespmem:v62+s2+$0x0], $0xffff  }
0x5f: {  	v63 =	vadd.s32 s1, v8;
	_ =	sdelay $0x3  }
0x60: {  	[tilespmem:s29+$0x20] =	vst v24  }
0x61: {  	v24 =	vld.idx.msk [tilespmem:v63+s2+$0x0], $0xffff;
	_ =	sdelay $0x3  }
0x62: {  	s30 =	simm.s32 $0x80  }
0x63: {  	s31 =	simm.s32 $0x6400;
	s3 =	simm.s32 $0xFA00;
	s25 =	simm.s32 $0x0;
	[tilespmem:s29+$0x30] =	vst v24  }
0x64: {  	[tilespmem:s3], [sflag:$0x1] =	stream.indirect.gather [hbm4b:s4+s30], $0x40, s31, s30, $0xb8;
	[tilespmem:$0x1BE00] =	vst v63  }
.LBB2_4:
0x65: {  	s26 =	sshllo.u32 s25, $0x1  }
0x66: {  	_ =	swait.ge [sflag:s14], $0x2000;
	s1 =	simm.s32 $0x80;
	s0 =	sshll.u32 s26, $0x7  }
0x67: {  	s3 =	simm.s32 $0x11A00;
	[sflag:s14] =	ssyncset.done $0x0;
	s0 =	sand.u32 $0x3FFFFF80, s0  }
0x68: {  	p0 =	seq.s32 s25, $0x0;
	[sflag:s14] =	ssyncadd.s32 $0xFFFFE000;
	s0 =	sadd.s32 $0x6400, s0  }
0x69: {  	[tilespmem:s3], [sflag:$0x2] =	stream.indirect.gather [hbm4b:s4+s1], $0x40, s0, s1, $0xb8;
	[tilespmem:$0x1BE00] =	vst v63  }
0x6a: {  	s0 =	simm.s32 @!p0 $0x3  }
0x6b: {  	_ =	swait.ge @!p0 [sflag:s0], $0x2000  }
0x6c: {  	s13 =	sshll.u32 s25, $0x7;
	[sflag:s0] =	ssyncset.done @!p0 $0x0  }
0x6d: {  	s15 =	simm.s32 $0x0;
	s29 =	sand.u32 $0x3FFFFF80, s13;
	[sflag:s0] =	ssyncadd.s32 @!p0 $0xFFFFE000  }
0x6e: {  	s6 =	sand.u32 $0x3FFFFF00, s15;
	v31 =	vld [tilespmem:s29+$0xC800]  }
0x6f: {  	v24 =	vld [tilespmem:s6+$0xFA00];
	_ =	sdelay $0x3  }
0x70: {  	s16 =	smul.u32 $0x440, s24  }
0x71: {  	v24 =	vadd.f32 v24, v31  }
0x72: {  	s28 =	sshra.s32 s16, $0x2  }
0x73: {  	[tilespmem:s28+$0x17A00] =	vst v24  }
0x74: {  	v24 =	vld [tilespmem:s6+$0xFA40];
	_ =	sdelay $0x4  }
0x75: {  	v24 =	vadd.f32 v24, v31;
	_ =	sdelay $0x1  }
0x76: {  	[tilespmem:s28+$0x17A11] =	vst v24  }
0x77: {  	v24 =	vld [tilespmem:s6+$0xFA80];
	_ =	sdelay $0x4  }
0x78: {  	v24 =	vadd.f32 v24, v31  }
0x79: {  	v26 =	vld [tilespmem:s29+$0xC810]  }
0x7a: {  	v29 =	vld [tilespmem:s6+$0xFA10];
	[tilespmem:s28+$0x17A22] =	vst v24  }
0x7b: {  	v24 =	vld [tilespmem:s6+$0xFAC0]  }
0x7c: {  	s11 =	sor.u32 $0x4, s24  }
0x7d: {  	s18 =	sshll.u32 s11, $0x8  }
0x7e: {  	s13 =	sand.u32 $0x3FFFFF00, s18;
	v27 =	vld [tilespmem:s29+$0xC800]  }
0x7f: {  	v34 =	vld [tilespmem:s13+$0xFA00];
	v29 =	vadd.f32 v29, v26  }
0x80: {  	v24 =	vadd.f32 v24, v31  }
0x81: {  	[tilespmem:s28+$0x17B10] =	vst v29  }
0x82: {  	v37 =	vld [tilespmem:s6+$0xFA50];
	[tilespmem:s28+$0x17A33] =	vst v24  }
0x83: {  	s22 =	smul.u32 $0x440, s11;
	v24 =	vld [tilespmem:s6+$0xFB00]  }
0x84: {  	v29 =	vadd.f32 v34, v27  }
0x85: {  	s31 =	sshra.s32 s22, $0x2;
	v25 =	vld [tilespmem:s6+$0xFA20]  }
0x86: {  	s8 =	sor.u32 $0x5, s24;
	v30 =	vld [tilespmem:s29+$0xC820];
	[tilespmem:s31+$0x17A00] =	vst v29  }
0x87: {  	s20 =	sshll.u32 s8, $0x8;
	v38 =	vld [tilespmem:s13+$0xFA40];
	v37 =	vadd.f32 v37, v26  }
0x88: {  	s15 =	sand.u32 $0x3FFFFC00, s20;
	v28 =	vld [tilespmem:s29+$0xC810];
	v24 =	vadd.f32 v24, v31  }
0x89: {  	s9 =	sor.u32 $0x6, s24;
	v35 =	vld [tilespmem:s15+$0xFA10];
	[tilespmem:s28+$0x17B21] =	vst v37  }
0x8a: {  	s23 =	sshll.u32 s9, $0x8;
	v42 =	vld [tilespmem:s6+$0xFA90];
	[tilespmem:s28+$0x17A44] =	vst v24  }
0x8b: {  	s18 =	sand.u32 $0x3FFFFC00, s23;
	v25 =	vadd.f32 v25, v30;
	v24 =	vld [tilespmem:s6+$0xFB40]  }
0x8c: {  	v60 =	vld [tilespmem:s18+$0xFA20];
	v41 =	vadd.f32 v38, v27  }
0x8d: {  	s3 =	sor.u32 $0x7, s24;
	[tilespmem:s28+$0x17C20] =	vst v25;
	v25 =	vld [tilespmem:s29+$0xC820]  }
0x8e: {  	s21 =	sshll.u32 s3, $0x8;
	v33 =	vld [tilespmem:s6+$0xFA30];
	[tilespmem:s31+$0x17A11] =	vst v41  }
0x8f: {  	s12 =	sand.u32 $0x3FFFFC00, s21;
	v37 =	vld [tilespmem:s13+$0xFA80];
	v38 =	vadd.f32 v42, v26  }
0x90: {  	v59 =	vld [tilespmem:s12+$0xFA30];
	v24 =	vadd.f32 v24, v31  }
0x91: {  	s16 =	smul.u32 $0x440, s9;
	v36 =	vld [tilespmem:s6+$0xFA60];
	[tilespmem:s28+$0x17B32] =	vst v38  }
0x92: {  	s10 =	smul.u32 $0x440, s8;
	v29 =	vadd.f32 v35, v28;
	v35 =	vadd.f32 v60, v25;
	[tilespmem:s28+$0x17A55] =	vst v24;
	v24 =	vld [tilespmem:s29+$0xC830]  }
0x93: {  	s1 =	sshra.s32 s16, $0x2;
	v38 =	vld [tilespmem:s6+$0xFAD0]  }
0x94: {  	s30 =	sshra.s32 s10, $0x2;
	[tilespmem:s1+$0x17A00] =	vst v35;
	v37 =	vadd.f32 v37, v27;
	v32 =	vld [tilespmem:s6+$0xFB80]  }
0x95: {  	[tilespmem:s30+$0x17A00] =	vst v29;
	v35 =	vld [tilespmem:s18+$0xFA60]  }
0x96: {  	v29 =	vld [tilespmem:s29+$0xC830];
	v36 =	vadd.f32 v36, v30;
	[tilespmem:s31+$0x17A22] =	vst v37  }
0x97: {  	v37 =	vld [tilespmem:s13+$0xFAC0];
	v33 =	vadd.f32 v33, v24  }
0x98: {  	v61 =	vld [tilespmem:s15+$0xFA50];
	[tilespmem:s28+$0x17C31] =	vst v36;
	v38 =	vadd.f32 v38, v26  }
0x99: {  	v63 =	vld [tilespmem:s6+$0xFAA0];
	v32 =	vadd.f32 v32, v31;
	[tilespmem:s28+$0x17D30] =	vst v33  }
0x9a: {  	s20 =	smul.u32 $0x440, s3;
	v35 =	vadd.f32 v35, v25;
	[tilespmem:s28+$0x17B43] =	vst v38;
	v62 =	vld [tilespmem:s6+$0xFA70]  }
0x9b: {  	v34 =	vadd.f32 v59, v29;
	v38 =	vld [tilespmem:s6+$0xFB10];
	[tilespmem:s28+$0x17A66] =	vst v32  }
0x9c: {  	s0 =	sshra.s32 s20, $0x2;
	[tilespmem:s1+$0x17A11] =	vst v35;
	v37 =	vadd.f32 v37, v27;
	v39 =	vld [tilespmem:s6+$0xFBC0]  }
0x9d: {  	[tilespmem:s0+$0x17A00] =	vst v34;
	v50 =	vld [tilespmem:s18+$0xFAA0];
	v33 =	vadd.f32 v61, v28  }
0x9e: {  	v43 =	vld [tilespmem:s12+$0xFA70];
	[tilespmem:s31+$0x17A33] =	vst v37;
	v32 =	vadd.f32 v63, v30  }
0x9f: {  	v37 =	vld [tilespmem:s13+$0xFB00];
	[tilespmem:s30+$0x17A11] =	vst v33;
	v36 =	vadd.f32 v62, v24  }
0xa0: {  	v38 =	vadd.f32 v38, v26;
	v45 =	vld [tilespmem:s15+$0xFA90];
	[tilespmem:s28+$0x17C42] =	vst v32  }
0xa1: {  	v47 =	vld [tilespmem:s6+$0xFAE0];
	v44 =	vadd.f32 v39, v31;
	[tilespmem:s28+$0x17D41] =	vst v36  }
0xa2: {  	[tilespmem:s28+$0x17B54] =	vst v38;
	v36 =	vadd.f32 v50, v25;
	v46 =	vld [tilespmem:s6+$0xFAB0]  }
0xa3: {  	v38 =	vld [tilespmem:s6+$0xFB50];
	v33 =	vadd.f32 v43, v29;
	[tilespmem:s28+$0x17A77] =	vst v44  }
0xa4: {  	v37 =	vadd.f32 v37, v27;
	v48 =	vld [tilespmem:s6+$0xFC00];
	[tilespmem:s1+$0x17A22] =	vst v36  }
0xa5: {  	[tilespmem:s0+$0x17A11] =	vst v33;
	v49 =	vadd.f32 v45, v28;
	v36 =	vld [tilespmem:s18+$0xFAE0]  }
0xa6: {  	[tilespmem:s31+$0x17A44] =	vst v37;
	v52 =	vld [tilespmem:s12+$0xFAB0];
	v51 =	vadd.f32 v47, v30  }
0xa7: {  	v37 =	vld [tilespmem:s13+$0xFB40];
	[tilespmem:s30+$0x17A22] =	vst v49;
	v32 =	vadd.f32 v46, v24  }
0xa8: {  	v38 =	vadd.f32 v38, v26;
	v54 =	vld [tilespmem:s15+$0xFAD0];
	[tilespmem:s28+$0x17C53] =	vst v51  }
0xa9: {  	v56 =	vld [tilespmem:s6+$0xFB20];
	v53 =	vadd.f32 v48, v31;
	[tilespmem:s28+$0x17D52] =	vst v32  }
0xaa: {  	[tilespmem:s28+$0x17B65] =	vst v38;
	v36 =	vadd.f32 v36, v25;
	v55 =	vld [tilespmem:s6+$0xFAF0]  }
0xab: {  	v38 =	vld [tilespmem:s6+$0xFB90];
	v34 =	vadd.f32 v52, v29;
	[tilespmem:s28+$0x17A88] =	vst v53  }
0xac: {  	v37 =	vadd.f32 v37, v27;
	v57 =	vld [tilespmem:s6+$0xFC40];
	[tilespmem:s1+$0x17A33] =	vst v36  }
0xad: {  	[tilespmem:s0+$0x17A22] =	vst v34;
	v32 =	vadd.f32 v54, v28;
	v36 =	vld [tilespmem:s18+$0xFB20]  }
0xae: {  	[tilespmem:s31+$0x17A55] =	vst v37;
	v59 =	vld [tilespmem:s12+$0xFAF0];
	v58 =	vadd.f32 v56, v30  }
0xaf: {  	v37 =	vld [tilespmem:s13+$0xFB80];
	[tilespmem:s30+$0x17A33] =	vst v32;
	v33 =	vadd.f32 v55, v24  }
0xb0: {  	v38 =	vadd.f32 v38, v26;
	v61 =	vld [tilespmem:s15+$0xFB10];
	[tilespmem:s28+$0x17C64] =	vst v58  }
0xb1: {  	v63 =	vld [tilespmem:s6+$0xFB60];
	v60 =	vadd.f32 v57, v31;
	[tilespmem:s28+$0x17D63] =	vst v33  }
0xb2: {  	[tilespmem:s28+$0x17B76] =	vst v38;
	v36 =	vadd.f32 v36, v25;
	v62 =	vld [tilespmem:s6+$0xFB30]  }
0xb3: {  	v38 =	vld [tilespmem:s6+$0xFBD0];
	v32 =	vadd.f32 v59, v29;
	[tilespmem:s28+$0x17A99] =	vst v60  }
0xb4: {  	v37 =	vadd.f32 v37, v27;
	v42 =	vld [tilespmem:s6+$0xFC80];
	[tilespmem:s1+$0x17A44] =	vst v36  }
0xb5: {  	[tilespmem:s0+$0x17A33] =	vst v32;
	v33 =	vadd.f32 v61, v28;
	v36 =	vld [tilespmem:s18+$0xFB60]  }
0xb6: {  	[tilespmem:s31+$0x17A66] =	vst v37;
	v44 =	vld [tilespmem:s12+$0xFB30];
	v43 =	vadd.f32 v63, v30  }
0xb7: {  	v37 =	vld [tilespmem:s13+$0xFBC0];
	[tilespmem:s30+$0x17A44] =	vst v33;
	v34 =	vadd.f32 v62, v24  }
0xb8: {  	v38 =	vadd.f32 v38, v26;
	v46 =	vld [tilespmem:s15+$0xFB50];
	[tilespmem:s28+$0x17C75] =	vst v43  }
0xb9: {  	v48 =	vld [tilespmem:s6+$0xFBA0];
	v45 =	vadd.f32 v42, v31;
	[tilespmem:s28+$0x17D74] =	vst v34  }
0xba: {  	[tilespmem:s28+$0x17B87] =	vst v38;
	v36 =	vadd.f32 v36, v25;
	v47 =	vld [tilespmem:s6+$0xFB70]  }
0xbb: {  	v38 =	vld [tilespmem:s6+$0xFC10];
	v33 =	vadd.f32 v44, v29;
	[tilespmem:s28+$0x17AAA] =	vst v45  }
0xbc: {  	v37 =	vadd.f32 v37, v27;
	v49 =	vld [tilespmem:s6+$0xFCC0];
	[tilespmem:s1+$0x17A55] =	vst v36  }
0xbd: {  	[tilespmem:s0+$0x17A44] =	vst v33;
	v34 =	vadd.f32 v46, v28;
	v36 =	vld [tilespmem:s18+$0xFBA0]  }
0xbe: {  	[tilespmem:s31+$0x17A77] =	vst v37;
	v51 =	vld [tilespmem:s12+$0xFB70];
	v50 =	vadd.f32 v48, v30  }
0xbf: {  	v37 =	vld [tilespmem:s13+$0xFC00];
	[tilespmem:s30+$0x17A55] =	vst v34;
	v32 =	vadd.f32 v47, v24  }
0xc0: {  	v38 =	vadd.f32 v38, v26;
	v53 =	vld [tilespmem:s15+$0xFB90];
	[tilespmem:s28+$0x17C86] =	vst v50  }
0xc1: {  	v55 =	vld [tilespmem:s6+$0xFBE0];
	v52 =	vadd.f32 v49, v31;
	[tilespmem:s28+$0x17D85] =	vst v32  }
0xc2: {  	[tilespmem:s28+$0x17B98] =	vst v38;
	v36 =	vadd.f32 v36, v25;
	v54 =	vld [tilespmem:s6+$0xFBB0]  }
0xc3: {  	v38 =	vld [tilespmem:s6+$0xFC50];
	v34 =	vadd.f32 v51, v29;
	[tilespmem:s28+$0x17ABB] =	vst v52  }
0xc4: {  	v37 =	vadd.f32 v37, v27;
	v56 =	vld [tilespmem:s6+$0xFD00];
	[tilespmem:s1+$0x17A66] =	vst v36  }
0xc5: {  	[tilespmem:s0+$0x17A55] =	vst v34;
	v32 =	vadd.f32 v53, v28;
	v36 =	vld [tilespmem:s18+$0xFBE0]  }
0xc6: {  	[tilespmem:s31+$0x17A88] =	vst v37;
	v58 =	vld [tilespmem:s12+$0xFBB0];
	v57 =	vadd.f32 v55, v30  }
0xc7: {  	v37 =	vld [tilespmem:s13+$0xFC40];
	[tilespmem:s30+$0x17A66] =	vst v32;
	v33 =	vadd.f32 v54, v24  }
0xc8: {  	v38 =	vadd.f32 v38, v26;
	v60 =	vld [tilespmem:s15+$0xFBD0];
	[tilespmem:s28+$0x17C97] =	vst v57  }
0xc9: {  	v62 =	vld [tilespmem:s6+$0xFC20];
	v59 =	vadd.f32 v56, v31;
	[tilespmem:s28+$0x17D96] =	vst v33  }
0xca: {  	[tilespmem:s28+$0x17BA9] =	vst v38;
	v36 =	vadd.f32 v36, v25;
	v61 =	vld [tilespmem:s6+$0xFBF0]  }
0xcb: {  	v38 =	vld [tilespmem:s6+$0xFC90];
	v32 =	vadd.f32 v58, v29;
	[tilespmem:s28+$0x17ACC] =	vst v59  }
0xcc: {  	v37 =	vadd.f32 v37, v27;
	v63 =	vld [tilespmem:s6+$0xFD40];
	[tilespmem:s1+$0x17A77] =	vst v36  }
0xcd: {  	[tilespmem:s0+$0x17A66] =	vst v32;
	v33 =	vadd.f32 v60, v28;
	v36 =	vld [tilespmem:s18+$0xFC20]  }
0xce: {  	[tilespmem:s31+$0x17A99] =	vst v37;
	v42 =	vld [tilespmem:s12+$0xFBF0];
	v41 =	vadd.f32 v62, v30  }
0xcf: {  	v37 =	vld [tilespmem:s13+$0xFC80];
	[tilespmem:s30+$0x17A77] =	vst v33;
	v34 =	vadd.f32 v61, v24  }
0xd0: {  	v58 =	vadd.f32 v38, v26;
	v44 =	vld [tilespmem:s15+$0xFC10];
	[tilespmem:s28+$0x17CA8] =	vst v41  }
0xd1: {  	v46 =	vld [tilespmem:s6+$0xFC60];
	v43 =	vadd.f32 v63, v31;
	[tilespmem:s28+$0x17DA7] =	vst v34  }
0xd2: {  	[tilespmem:s28+$0x17BBA] =	vst v58;
	v36 =	vadd.f32 v36, v25;
	v45 =	vld [tilespmem:s6+$0xFC30]  }
0xd3: {  	v62 =	vld [tilespmem:s6+$0xFCD0];
	v33 =	vadd.f32 v42, v29;
	[tilespmem:s28+$0x17ADD] =	vst v43  }
0xd4: {  	v61 =	vadd.f32 v37, v27;
	v47 =	vld [tilespmem:s6+$0xFD80];
	[tilespmem:s1+$0x17A88] =	vst v36  }
0xd5: {  	[tilespmem:s0+$0x17A77] =	vst v33;
	v34 =	vadd.f32 v44, v28;
	v36 =	vld [tilespmem:s18+$0xFC60]  }
0xd6: {  	v49 =	vld [tilespmem:s12+$0xFC30];
	[tilespmem:s31+$0x17AAA] =	vst v61;
	v48 =	vadd.f32 v46, v30  }
0xd7: {  	v40 =	vld [tilespmem:s13+$0xFCC0];
	[tilespmem:s30+$0x17A88] =	vst v34;
	v32 =	vadd.f32 v45, v24  }
0xd8: {  	v41 =	vadd.f32 v62, v26;
	v51 =	vld [tilespmem:s15+$0xFC50];
	[tilespmem:s28+$0x17CB9] =	vst v48  }
0xd9: {  	v53 =	vld [tilespmem:s6+$0xFCA0];
	v50 =	vadd.f32 v47, v31;
	[tilespmem:s28+$0x17DB8] =	vst v32  }
0xda: {  	[tilespmem:s28+$0x17BCB] =	vst v41;
	v36 =	vadd.f32 v36, v25;
	v52 =	vld [tilespmem:s6+$0xFC70]  }
0xdb: {  	v44 =	vld [tilespmem:s6+$0xFD10];
	v34 =	vadd.f32 v49, v29;
	[tilespmem:s28+$0x17AEE] =	vst v50  }
0xdc: {  	v43 =	vadd.f32 v40, v27;
	v54 =	vld [tilespmem:s6+$0xFDC0];
	[tilespmem:s1+$0x17A99] =	vst v36  }
0xdd: {  	[tilespmem:s0+$0x17A88] =	vst v34;
	v32 =	vadd.f32 v51, v28;
	v63 =	vld [tilespmem:s18+$0xFCA0]  }
0xde: {  	v56 =	vld [tilespmem:s12+$0xFC70];
	[tilespmem:s31+$0x17ABB] =	vst v43;
	v55 =	vadd.f32 v53, v30  }
0xdf: {  	v46 =	vld [tilespmem:s13+$0xFD00];
	[tilespmem:s30+$0x17A99] =	vst v32;
	v33 =	vadd.f32 v52, v24  }
0xe0: {  	v36 =	vadd.f32 v44, v26;
	[tilespmem:s28+$0x17CCA] =	vst v55  }
0xe1: {  	v57 =	vld [tilespmem:s15+$0xFC90];
	v31 =	vadd.f32 v54, v31;
	[tilespmem:s28+$0x17DC9] =	vst v33  }
0xe2: {  	[tilespmem:s28+$0x17BDC] =	vst v36;
	v35 =	vadd.f32 v63, v25;
	v59 =	vld [tilespmem:s6+$0xFCB0]  }
0xe3: {  	v32 =	vadd.f32 v56, v29;
	[tilespmem:s28+$0x17AFF] =	vst v31;
	v31 =	vld [tilespmem:s6+$0xFCE0]  }
0xe4: {  	v36 =	vld [tilespmem:s6+$0xFD50];
	[tilespmem:s1+$0x17AAA] =	vst v35;
	v35 =	vadd.f32 v46, v27  }
0xe5: {  	[tilespmem:s0+$0x17A99] =	vst v32  }
0xe6: {  	v32 =	vld [tilespmem:s12+$0xFCB0];
	v33 =	vadd.f32 v57, v28;
	[tilespmem:s31+$0x17ACC] =	vst v35  }
0xe7: {  	v35 =	vld [tilespmem:s13+$0xFD40];
	v34 =	vadd.f32 v59, v24  }
0xe8: {  	v60 =	vld.idx.msk [tilespmem:v5+s28+$0x17A00], $0xffff;
	[tilespmem:s30+$0x17AAA] =	vst v33;
	v31 =	vadd.f32 v31, v30  }
0xe9: {  	v36 =	vadd.f32 v36, v26;
	v33 =	vld [tilespmem:s15+$0xFCD0];
	[tilespmem:s28+$0x17DDA] =	vst v34  }
0xea: {  	[tilespmem:s28+$0x17CDB] =	vst v31;
	v31 =	vld [tilespmem:s6+$0xFCF0]  }
0xeb: {  	v32 =	vadd.f32 v32, v29;
	[tilespmem:s28+$0x17BED] =	vst v36;
	v42 =	vld [tilespmem:s6+$0xFD20]  }
0xec: {  	v36 =	vld [tilespmem:s6+$0xFD90];
	v35 =	vadd.f32 v35, v27  }
0xed: {  	v45 =	vld [tilespmem:s18+$0xFCE0];
	[tilespmem:s0+$0x17AAA] =	vst v32  }
0xee: {  	s10 =	simm.s32 $0x0;
	v48 =	vld [tilespmem:s12+$0xFCF0];
	v33 =	vadd.f32 v33, v28;
	[tilespmem:s31+$0x17ADD] =	vst v35  }
0xef: {  	[tilespmem:s10+$0x13A00] =	vst v60;
	v35 =	vld [tilespmem:s13+$0xFD80];
	v31 =	vadd.f32 v31, v24  }
0xf0: {  	v38 =	vld.idx.msk [tilespmem:v9+s28+$0x17A00], $0xffff;
	[tilespmem:s30+$0x17ABB] =	vst v33;
	v47 =	vadd.f32 v42, v30  }
0xf1: {  	v36 =	vadd.f32 v36, v26;
	[tilespmem:s28+$0x17DEB] =	vst v31;
	v31 =	vld [tilespmem:s15+$0xFD10]  }
0xf2: {  	v34 =	vadd.f32 v45, v25;
	[tilespmem:s28+$0x17CEC] =	vst v47;
	v49 =	vld [tilespmem:s6+$0xFD30]  }
0xf3: {  	[tilespmem:s28+$0x17BFE] =	vst v36;
	v50 =	vld [tilespmem:s6+$0xFD60]  }
0xf4: {  	[tilespmem:s1+$0x17ABB] =	vst v34;
	v36 =	vld [tilespmem:s6+$0xFDD0];
	v35 =	vadd.f32 v35, v27  }
0xf5: {  	v33 =	vadd.f32 v48, v29;
	v34 =	vld [tilespmem:s18+$0xFD20];
	[tilespmem:s10+$0x13A80] =	vst v38  }
0xf6: {  	v38 =	vld.idx.msk [tilespmem:v10+s28+$0x17A00], $0xffff;
	[tilespmem:s31+$0x17AEE] =	vst v35;
	v31 =	vadd.f32 v31, v28  }
0xf7: {  	[tilespmem:s0+$0x17ABB] =	vst v33;
	v35 =	vld [tilespmem:s13+$0xFDC0];
	v32 =	vadd.f32 v49, v24  }
0xf8: {  	v51 =	vadd.f32 v50, v30;
	[tilespmem:s30+$0x17ACC] =	vst v31;
	v31 =	vld [tilespmem:s12+$0xFD30]  }
0xf9: {  	v26 =	vadd.f32 v36, v26;
	[tilespmem:s28+$0x17DFC] =	vst v32;
	v52 =	vld [tilespmem:s15+$0xFD50]  }
0xfa: {  	[tilespmem:s28+$0x17CFD] =	vst v51;
	v53 =	vld [tilespmem:s6+$0xFD70]  }
0xfb: {  	v34 =	vadd.f32 v34, v25;
	[tilespmem:s28+$0x17C0F] =	vst v26;
	v54 =	vld [tilespmem:s6+$0xFDA0]  }
0xfc: {  	v26 =	vadd.f32 v35, v27;
	v27 =	vld.idx.msk [tilespmem:v5+s28+$0x17B10], $0xffff  }
0xfd: {  	[tilespmem:s1+$0x17ACC] =	vst v34;
	v31 =	vadd.f32 v31, v29  }
0xfe: {  	[tilespmem:s10+$0x13B00] =	vst v38;
	v34 =	vld [tilespmem:s18+$0xFD60];
	v32 =	vadd.f32 v52, v28  }
0xff: {  	v38 =	vld.idx.msk [tilespmem:v11+s28+$0x17A00], $0xffff;
	[tilespmem:s0+$0x17ACC] =	vst v31  }
0x100: {  	v33 =	vadd.f32 v53, v24;
	[tilespmem:s30+$0x17ADD] =	vst v32;
	v55 =	vld [tilespmem:s12+$0xFD70]  }
0x101: {  	v31 =	vadd.f32 v54, v30;
	[tilespmem:s10+$0x14200] =	vst v27;
	v56 =	vld [tilespmem:s15+$0xFD90]  }
0x102: {  	[tilespmem:s28+$0x17E0D] =	vst v33;
	v27 =	vld.idx.msk [tilespmem:v9+s28+$0x17B10], $0xffff  }
0x103: {  	[tilespmem:s28+$0x17D0E] =	vst v31;
	v31 =	vld [tilespmem:s6+$0xFDB0]  }
0x104: {  	v34 =	vadd.f32 v34, v25;
	v57 =	vld [tilespmem:s6+$0xFDE0]  }
0x105: {  	[tilespmem:s10+$0x13B80] =	vst v38  }
0x106: {  	v38 =	vld.idx.msk [tilespmem:v12+s28+$0x17A00], $0xffff;
	[tilespmem:s1+$0x17ADD] =	vst v34;
	v32 =	vadd.f32 v55, v29  }
0x107: {  	v34 =	vld [tilespmem:s18+$0xFDA0];
	v33 =	vadd.f32 v56, v28;
	[tilespmem:s10+$0x14280] =	vst v27  }
0x108: {  	v31 =	vadd.f32 v31, v24;
	[tilespmem:s0+$0x17ADD] =	vst v32;
	v27 =	vld.idx.msk [tilespmem:v10+s28+$0x17B10], $0xffff  }
0x109: {  	v30 =	vadd.f32 v57, v30;
	[tilespmem:s30+$0x17AEE] =	vst v33;
	v32 =	vld [tilespmem:s12+$0xFDB0]  }
0x10a: {  	[tilespmem:s28+$0x17E1E] =	vst v31;
	v31 =	vld [tilespmem:s15+$0xFDD0]  }
0x10b: {  	[tilespmem:s28+$0x17D1F] =	vst v30;
	v30 =	vld [tilespmem:s6+$0xFDF0]  }
0x10c: {  	[tilespmem:s10+$0x13C00] =	vst v38;
	v34 =	vadd.f32 v34, v25;
	v58 =	vld.idx.msk [tilespmem:v5+s28+$0x17C20], $0xffff  }
0x10d: {  	v59 =	vld.idx.msk [tilespmem:v13+s28+$0x17A00], $0xffff;
	[tilespmem:s10+$0x14300] =	vst v27  }
0x10e: {  	[tilespmem:s1+$0x17AEE] =	vst v34;
	v32 =	vadd.f32 v32, v29;
	v61 =	vld.idx.msk [tilespmem:v11+s28+$0x17B10], $0xffff  }
0x10f: {  	[tilespmem:s31+$0x17AFF] =	vst v26;
	v26 =	vadd.f32 v31, v28;
	v28 =	vld [tilespmem:s18+$0xFDE0]  }
0x110: {  	v31 =	vld.idx.msk [tilespmem:v5+s31+$0x17A00], $0xffff;
	[tilespmem:s0+$0x17AEE] =	vst v32  }
0x111: {  	v24 =	vadd.f32 v30, v24;
	[tilespmem:s10+$0x14A00] =	vst v58;
	v30 =	vld [tilespmem:s12+$0xFDF0]  }
0x112: {  	[tilespmem:s30+$0x17AFF] =	vst v26;
	v33 =	vld.idx.msk [tilespmem:v9+s28+$0x17C20], $0xffff  }
0x113: {  	s21 =	sshll.u32 s11, $0x2;
	[tilespmem:s10+$0x13C80] =	vst v59;
	v60 =	vld.idx.msk [tilespmem:v5+s30+$0x17A00], $0xffff  }
0x114: {  	s21 =	sand.u32 $0x3FFFFFFC, s21;
	v26 =	vld.idx.msk [tilespmem:v14+s28+$0x17A00], $0xffff;
	[tilespmem:s28+$0x17E2F] =	vst v24;
	v25 =	vadd.f32 v28, v25  }
0x115: {  	v24 =	vld.idx.msk [tilespmem:v5+s28+$0x17D30], $0xffff;
	[tilespmem:s21+$0x13A00] =	vst v31  }
0x116: {  	s22 =	sshll.u32 s8, $0x2;
	v28 =	vld.idx.msk [tilespmem:v9+s31+$0x17A00], $0xffff;
	[tilespmem:s1+$0x17AFF] =	vst v25  }
0x117: {  	s8 =	sand.u32 $0xFFFFFFF0, s22;
	v25 =	vadd.f32 v30, v29;
	[tilespmem:s10+$0x14A80] =	vst v33;
	v29 =	vld.idx.msk [tilespmem:v5+s1+$0x17A00], $0xffff  }
0x118: {  	[tilespmem:s8+$0x14200] =	vst v60;
	v31 =	vld.idx.msk [tilespmem:v10+s28+$0x17C20], $0xffff  }
0x119: {  	v30 =	vld.idx.msk [tilespmem:v9+s30+$0x17A00], $0xffff;
	[tilespmem:s0+$0x17AFF] =	vst v25  }
0x11a: {  	s23 =	sshll.u32 s9, $0x2;
	[tilespmem:s10+$0x15200] =	vst v24;
	v25 =	vld.idx.msk [tilespmem:v5+s0+$0x17A00], $0xffff  }
0x11b: {  	s23 =	sand.u32 $0xFFFFFFF0, s23;
	v24 =	vld.idx.msk [tilespmem:v9+s28+$0x17D30], $0xffff;
	[tilespmem:s21+$0x13A80] =	vst v28  }
0x11c: {  	v28 =	vld.idx.msk [tilespmem:v10+s31+$0x17A00], $0xffff;
	[tilespmem:s23+$0x14A00] =	vst v29  }
0x11d: {  	s3 =	sshll.u32 s3, $0x2;
	[tilespmem:s10+$0x14B00] =	vst v31;
	v29 =	vld.idx.msk [tilespmem:v9+s1+$0x17A00], $0xffff  }
0x11e: {  	s9 =	sand.u32 $0xFFFFFFF0, s3;
	[tilespmem:s8+$0x14280] =	vst v30;
	v31 =	vld.idx.msk [tilespmem:v11+s28+$0x17C20], $0xffff  }
0x11f: {  	v30 =	vld.idx.msk [tilespmem:v10+s30+$0x17A00], $0xffff;
	[tilespmem:s9+$0x15200] =	vst v25  }
0x120: {  	[tilespmem:s10+$0x15280] =	vst v24;
	v27 =	vld.idx.msk [tilespmem:v9+s0+$0x17A00], $0xffff  }
0x121: {  	v25 =	vld.idx.msk [tilespmem:v10+s28+$0x17D30], $0xffff;
	[tilespmem:s21+$0x13B00] =	vst v28  }
0x122: {  	v24 =	vld.idx.msk [tilespmem:v11+s31+$0x17A00], $0xffff;
	[tilespmem:s23+$0x14A80] =	vst v29  }
0x123: {  	[tilespmem:s10+$0x14380] =	vst v61;
	v28 =	vld.idx.msk [tilespmem:v10+s1+$0x17A00], $0xffff  }
0x124: {  	[tilespmem:s10+$0x14B80] =	vst v31;
	v31 =	vld.idx.msk [tilespmem:v12+s28+$0x17B10], $0xffff  }
0x125: {  	v29 =	vld.idx.msk [tilespmem:v12+s28+$0x17C20], $0xffff;
	[tilespmem:s9+$0x15280] =	vst v27  }
0x126: {  	[tilespmem:s8+$0x14300] =	vst v30;
	v27 =	vld.idx.msk [tilespmem:v10+s0+$0x17A00], $0xffff  }
0x127: {  	[tilespmem:s21+$0x13B80] =	vst v24;
	v24 =	vld.idx.msk [tilespmem:v11+s30+$0x17A00], $0xffff  }
0x128: {  	v30 =	vld.idx.msk [tilespmem:v12+s31+$0x17A00], $0xffff;
	[tilespmem:s23+$0x14B00] =	vst v28  }
0x129: {  	[tilespmem:s10+$0x14400] =	vst v31;
	v28 =	vld.idx.msk [tilespmem:v11+s1+$0x17A00], $0xffff  }
0x12a: {  	[tilespmem:s10+$0x14C00] =	vst v29;
	v31 =	vld.idx.msk [tilespmem:v13+s28+$0x17B10], $0xffff  }
0x12b: {  	v29 =	vld.idx.msk [tilespmem:v13+s28+$0x17C20], $0xffff;
	[tilespmem:s9+$0x15300] =	vst v27  }
0x12c: {  	v27 =	vld.idx.msk [tilespmem:v11+s0+$0x17A00], $0xffff;
	[tilespmem:s8+$0x14380] =	vst v24  }
0x12d: {  	[tilespmem:s21+$0x13C00] =	vst v30;
	v24 =	vld.idx.msk [tilespmem:v12+s30+$0x17A00], $0xffff  }
0x12e: {  	v30 =	vld.idx.msk [tilespmem:v13+s31+$0x17A00], $0xffff;
	[tilespmem:s23+$0x14B80] =	vst v28  }
0x12f: {  	[tilespmem:s10+$0x14480] =	vst v31;
	v28 =	vld.idx.msk [tilespmem:v12+s1+$0x17A00], $0xffff  }
0x130: {  	[tilespmem:s10+$0x14C80] =	vst v29;
	v31 =	vld.idx.msk [tilespmem:v14+s28+$0x17B10], $0xffff  }
0x131: {  	v29 =	vld.idx.msk [tilespmem:v14+s28+$0x17C20], $0xffff;
	[tilespmem:s9+$0x15380] =	vst v27  }
0x132: {  	v27 =	vld.idx.msk [tilespmem:v12+s0+$0x17A00], $0xffff;
	[tilespmem:s8+$0x14400] =	vst v24  }
0x133: {  	[tilespmem:s21+$0x13C80] =	vst v30;
	v24 =	vld.idx.msk [tilespmem:v13+s30+$0x17A00], $0xffff  }
0x134: {  	v30 =	vld.idx.msk [tilespmem:v14+s31+$0x17A00], $0xffff;
	[tilespmem:s23+$0x14C00] =	vst v28  }
0x135: {  	[tilespmem:s10+$0x14500] =	vst v31;
	v28 =	vld.idx.msk [tilespmem:v13+s1+$0x17A00], $0xffff  }
0x136: {  	[tilespmem:s10+$0x14D00] =	vst v29;
	v31 =	vld.idx.msk [tilespmem:v15+s28+$0x17B10], $0xffff  }
0x137: {  	v29 =	vld.idx.msk [tilespmem:v15+s28+$0x17C20], $0xffff;
	[tilespmem:s9+$0x15400] =	vst v27  }
0x138: {  	v27 =	vld.idx.msk [tilespmem:v13+s0+$0x17A00], $0xffff;
	[tilespmem:s8+$0x14480] =	vst v24  }
0x139: {  	[tilespmem:s21+$0x13D00] =	vst v30;
	v24 =	vld.idx.msk [tilespmem:v14+s30+$0x17A00], $0xffff  }
0x13a: {  	v30 =	vld.idx.msk [tilespmem:v15+s31+$0x17A00], $0xffff;
	[tilespmem:s23+$0x14C80] =	vst v28  }
0x13b: {  	[tilespmem:s10+$0x14580] =	vst v31;
	v28 =	vld.idx.msk [tilespmem:v14+s1+$0x17A00], $0xffff  }
0x13c: {  	[tilespmem:s10+$0x14D80] =	vst v29;
	v31 =	vld.idx.msk [tilespmem:v16+s28+$0x17B10], $0xffff  }
0x13d: {  	v29 =	vld.idx.msk [tilespmem:v16+s28+$0x17C20], $0xffff;
	[tilespmem:s9+$0x15480] =	vst v27  }
0x13e: {  	v27 =	vld.idx.msk [tilespmem:v14+s0+$0x17A00], $0xffff;
	[tilespmem:s8+$0x14500] =	vst v24  }
0x13f: {  	[tilespmem:s21+$0x13D80] =	vst v30;
	v30 =	vld.idx.msk [tilespmem:v15+s30+$0x17A00], $0xffff  }
0x140: {  	v62 =	vld.idx.msk [tilespmem:v16+s31+$0x17A00], $0xffff;
	[tilespmem:s23+$0x14D00] =	vst v28  }
0x141: {  	[tilespmem:s10+$0x14600] =	vst v31;
	v63 =	vld.idx.msk [tilespmem:v15+s1+$0x17A00], $0xffff  }
0x142: {  	[tilespmem:s10+$0x14E00] =	vst v29;
	v28 =	vld.idx.msk [tilespmem:v17+s28+$0x17B10], $0xffff  }
0x143: {  	v24 =	vld.idx.msk [tilespmem:v17+s28+$0x17C20], $0xffff;
	[tilespmem:s9+$0x15500] =	vst v27  }
0x144: {  	v29 =	vld.idx.msk [tilespmem:v15+s0+$0x17A00], $0xffff;
	[tilespmem:s8+$0x14580] =	vst v30  }
0x145: {  	[tilespmem:s21+$0x13E00] =	vst v62;
	v27 =	vld.idx.msk [tilespmem:v16+s30+$0x17A00], $0xffff  }
0x146: {  	v31 =	vld.idx.msk [tilespmem:v17+s31+$0x17A00], $0xffff;
	[tilespmem:s23+$0x14D80] =	vst v63  }
0x147: {  	s12 =	simm.s32 $0x8;
	v30 =	vld.idx.msk [tilespmem:v16+s1+$0x17A00], $0xffff  }
.LBB2_5:
0x148: {  	s3 =	sshll.u32 s12, $0x8  }
0x149: {  	p0 =	slt.u32 s12, $0x18;
	[tilespmem:s10+$0x15300] =	vst v25;
	s6 =	smov.u32 s12;
	s12 =	sadd.s32 $0x8, s12  }
0x14a: {  	v25 =	vld [tilespmem:s29+$0xC800];
	s3 =	sand.u32 $0x3FFFFF00, s3;
	[tilespmem:s9+$0x15580] =	vst v29  }
0x14b: {  	v29 =	vld [tilespmem:s3+$0xFA00];
	[tilespmem:s10+$0x14680] =	vst v28  }
0x14c: {  	v28 =	vld.idx.msk [tilespmem:v18+s28+$0x17B10], $0xffff;
	[tilespmem:s8+$0x14600] =	vst v27  }
0x14d: {  	[tilespmem:s21+$0x13E80] =	vst v31;
	v27 =	vld.idx.msk [tilespmem:v16+s0+$0x17A00], $0xffff  }
0x14e: {  	v31 =	vld.idx.msk [tilespmem:v18+s31+$0x17A00], $0xffff;
	[tilespmem:s23+$0x14E00] =	vst v30  }
0x14f: {  	s11 =	smul.u32 $0x440, s6;
	[tilespmem:s10+$0x13D00] =	vst v26;
	v26 =	vld.idx.msk [tilespmem:v17+s1+$0x17A00], $0xffff  }
0x150: {  	v29 =	vadd.f32 v29, v25;
	v30 =	vld.idx.msk [tilespmem:v17+s30+$0x17A00], $0xffff  }
0x151: {  	s13 =	sshra.s32 s11, $0x2;
	v32 =	vld.idx.msk [tilespmem:v11+s28+$0x17D30], $0xffff  }
0x152: {  	[tilespmem:s13+$0x17A00] =	vst v29;
	v29 =	vld.idx.msk [tilespmem:v15+s28+$0x17A00], $0xffff  }
0x153: {  	v33 =	vld [tilespmem:s3+$0xFA40];
	[tilespmem:s9+$0x15600] =	vst v27  }
0x154: {  	[tilespmem:s21+$0x13F00] =	vst v31  }
0x155: {  	v27 =	vld.idx.msk [tilespmem:v17+s0+$0x17A00], $0xffff  }
0x156: {  	v31 =	vld.idx.msk [tilespmem:v19+s31+$0x17A00], $0xffff;
	[tilespmem:s23+$0x14E80] =	vst v26  }
0x157: {  	[tilespmem:s8+$0x14680] =	vst v30;
	v26 =	vld.idx.msk [tilespmem:v18+s1+$0x17A00], $0xffff  }
0x158: {  	[tilespmem:s10+$0x14700] =	vst v28;
	v28 =	vld.idx.msk [tilespmem:v18+s30+$0x17A00], $0xffff  }
0x159: {  	v30 =	vadd.f32 v33, v25;
	v33 =	vld.idx.msk [tilespmem:v19+s28+$0x17B10], $0xffff;
	[tilespmem:s10+$0x15380] =	vst v32  }
0x15a: {  	[tilespmem:s10+$0x13D80] =	vst v29;
	v29 =	vld.idx.msk [tilespmem:v12+s28+$0x17D30], $0xffff  }
0x15b: {  	[tilespmem:s13+$0x17A11] =	vst v30;
	v30 =	vld.idx.msk [tilespmem:v16+s28+$0x17A00], $0xffff  }
0x15c: {  	v32 =	vld [tilespmem:s3+$0xFA80];
	[tilespmem:s9+$0x15680] =	vst v27  }
0x15d: {  	[tilespmem:s23+$0x14F00] =	vst v26;
	v26 =	vld.idx.msk [tilespmem:v18+s0+$0x17A00], $0xffff  }
0x15e: {  	[tilespmem:s8+$0x14700] =	vst v28;
	v27 =	vld.idx.msk [tilespmem:v19+s1+$0x17A00], $0xffff  }
0x15f: {  	[tilespmem:s21+$0x13F80] =	vst v31;
	v28 =	vld.idx.msk [tilespmem:v19+s30+$0x17A00], $0xffff  }
0x160: {  	[tilespmem:s10+$0x14780] =	vst v33;
	v31 =	vld.idx.msk [tilespmem:v20+s31+$0x17A00], $0xffff  }
0x161: {  	v32 =	vadd.f32 v32, v25;
	v33 =	vld.idx.msk [tilespmem:v20+s28+$0x17B10], $0xffff;
	[tilespmem:s10+$0x15400] =	vst v29  }
0x162: {  	[tilespmem:s10+$0x13E00] =	vst v30;
	v29 =	vld.idx.msk [tilespmem:v13+s28+$0x17D30], $0xffff  }
0x163: {  	[tilespmem:s13+$0x17A22] =	vst v32;
	v30 =	vld.idx.msk [tilespmem:v17+s28+$0x17A00], $0xffff  }
0x164: {  	v32 =	vld [tilespmem:s3+$0xFAC0];
	[tilespmem:s9+$0x15700] =	vst v26  }
0x165: {  	[tilespmem:s23+$0x14F80] =	vst v27;
	v26 =	vld.idx.msk [tilespmem:v19+s0+$0x17A00], $0xffff  }
0x166: {  	[tilespmem:s8+$0x14780] =	vst v28;
	v27 =	vld.idx.msk [tilespmem:v20+s1+$0x17A00], $0xffff  }
0x167: {  	[tilespmem:s21+$0x14000] =	vst v31;
	v28 =	vld.idx.msk [tilespmem:v20+s30+$0x17A00], $0xffff  }
0x168: {  	[tilespmem:s10+$0x14800] =	vst v33;
	v31 =	vld.idx.msk [tilespmem:v21+s31+$0x17A00], $0xffff  }
0x169: {  	v32 =	vadd.f32 v32, v25;
	v33 =	vld.idx.msk [tilespmem:v21+s28+$0x17B10], $0xffff;
	[tilespmem:s10+$0x15480] =	vst v29  }
0x16a: {  	[tilespmem:s10+$0x13E80] =	vst v30;
	v29 =	vld.idx.msk [tilespmem:v14+s28+$0x17D30], $0xffff  }
0x16b: {  	[tilespmem:s13+$0x17A33] =	vst v32;
	v30 =	vld.idx.msk [tilespmem:v18+s28+$0x17A00], $0xffff  }
0x16c: {  	v32 =	vld [tilespmem:s3+$0xFB00];
	[tilespmem:s9+$0x15780] =	vst v26  }
0x16d: {  	[tilespmem:s23+$0x15000] =	vst v27;
	v26 =	vld.idx.msk [tilespmem:v20+s0+$0x17A00], $0xffff  }
0x16e: {  	[tilespmem:s8+$0x14800] =	vst v28;
	v27 =	vld.idx.msk [tilespmem:v21+s1+$0x17A00], $0xffff  }
0x16f: {  	[tilespmem:s21+$0x14080] =	vst v31;
	v28 =	vld.idx.msk [tilespmem:v21+s30+$0x17A00], $0xffff  }
0x170: {  	[tilespmem:s10+$0x14880] =	vst v33;
	v31 =	vld.idx.msk [tilespmem:v22+s31+$0x17A00], $0xffff  }
0x171: {  	v32 =	vadd.f32 v32, v25;
	v33 =	vld.idx.msk [tilespmem:v22+s28+$0x17B10], $0xffff;
	[tilespmem:s10+$0x15500] =	vst v29  }
0x172: {  	[tilespmem:s10+$0x13F00] =	vst v30;
	v29 =	vld.idx.msk [tilespmem:v15+s28+$0x17D30], $0xffff  }
0x173: {  	[tilespmem:s13+$0x17A44] =	vst v32;
	v30 =	vld.idx.msk [tilespmem:v19+s28+$0x17A00], $0xffff  }
0x174: {  	v32 =	vld [tilespmem:s3+$0xFB40];
	[tilespmem:s9+$0x15800] =	vst v26  }
0x175: {  	[tilespmem:s23+$0x15080] =	vst v27;
	v26 =	vld.idx.msk [tilespmem:v21+s0+$0x17A00], $0xffff  }
0x176: {  	[tilespmem:s8+$0x14880] =	vst v28;
	v27 =	vld.idx.msk [tilespmem:v22+s1+$0x17A00], $0xffff  }
0x177: {  	[tilespmem:s21+$0x14100] =	vst v31;
	v28 =	vld.idx.msk [tilespmem:v22+s30+$0x17A00], $0xffff  }
0x178: {  	[tilespmem:s10+$0x14900] =	vst v33;
	v31 =	vld.idx.msk [tilespmem:v23+s31+$0x17A00], $0xffff  }
0x179: {  	v32 =	vadd.f32 v32, v25;
	v33 =	vld.idx.msk [tilespmem:v23+s28+$0x17B10], $0xffff;
	[tilespmem:s10+$0x15580] =	vst v29  }
0x17a: {  	[tilespmem:s10+$0x13F80] =	vst v30;
	v29 =	vld.idx.msk [tilespmem:v16+s28+$0x17D30], $0xffff  }
0x17b: {  	[tilespmem:s13+$0x17A55] =	vst v32;
	v30 =	vld.idx.msk [tilespmem:v20+s28+$0x17A00], $0xffff  }
0x17c: {  	v32 =	vld [tilespmem:s3+$0xFB80];
	[tilespmem:s9+$0x15880] =	vst v26  }
0x17d: {  	[tilespmem:s23+$0x15100] =	vst v27;
	v26 =	vld.idx.msk [tilespmem:v22+s0+$0x17A00], $0xffff  }
0x17e: {  	[tilespmem:s8+$0x14900] =	vst v28;
	v27 =	vld.idx.msk [tilespmem:v23+s1+$0x17A00], $0xffff  }
0x17f: {  	[tilespmem:s21+$0x14180] =	vst v31;
	v28 =	vld.idx.msk [tilespmem:v23+s30+$0x17A00], $0xffff  }
0x180: {  	[tilespmem:s10+$0x14980] =	vst v33  }
0x181: {  	v31 =	vadd.f32 v32, v25;
	[tilespmem:s10+$0x15600] =	vst v29  }
0x182: {  	[tilespmem:s10+$0x14000] =	vst v30;
	v29 =	vld.idx.msk [tilespmem:v17+s28+$0x17D30], $0xffff  }
0x183: {  	[tilespmem:s13+$0x17A66] =	vst v31;
	v30 =	vld.idx.msk [tilespmem:v21+s28+$0x17A00], $0xffff  }
0x184: {  	v31 =	vld [tilespmem:s3+$0xFBC0];
	[tilespmem:s23+$0x15180] =	vst v27  }
0x185: {  	[tilespmem:s8+$0x14980] =	vst v28  }
0x186: {  	[tilespmem:s9+$0x15900] =	vst v26  }
0x187: {  	v26 =	vld.idx.msk [tilespmem:v23+s0+$0x17A00], $0xffff  }
0x188: {  	[tilespmem:s10+$0x15680] =	vst v29  }
0x189: {  	v27 =	vadd.f32 v31, v25;
	[tilespmem:s10+$0x14080] =	vst v30;
	v28 =	vld.idx.msk [tilespmem:v18+s28+$0x17D30], $0xffff  }
0x18a: {  	v29 =	vld.idx.msk [tilespmem:v22+s28+$0x17A00], $0xffff  }
0x18b: {  	[tilespmem:s13+$0x17A77] =	vst v27  }
0x18c: {  	v27 =	vld [tilespmem:s3+$0xFC00]  }
0x18d: {  	[tilespmem:s9+$0x15980] =	vst v26;
	_ =	sdelay $0x1  }
0x18e: {  	[tilespmem:s10+$0x15700] =	vst v28  }
0x18f: {  	[tilespmem:s10+$0x14100] =	vst v29;
	v26 =	vld.idx.msk [tilespmem:v19+s28+$0x17D30], $0xffff  }
0x190: {  	v27 =	vadd.f32 v27, v25;
	v28 =	vld.idx.msk [tilespmem:v23+s28+$0x17A00], $0xffff;
	_ =	sdelay $0x1  }
0x191: {  	[tilespmem:s13+$0x17A88] =	vst v27  }
0x192: {  	v27 =	vld [tilespmem:s3+$0xFC40];
	_ =	sdelay $0x1  }
0x193: {  	[tilespmem:s10+$0x15780] =	vst v26  }
0x194: {  	[tilespmem:s10+$0x14180] =	vst v28;
	v28 =	vld.idx.msk [tilespmem:v20+s28+$0x17D30], $0xffff;
	_ =	sdelay $0x1  }
0x195: {  	v26 =	vadd.f32 v27, v25;
	_ =	sdelay $0x1  }
0x196: {  	[tilespmem:s13+$0x17A99] =	vst v26  }
0x197: {  	v27 =	vld [tilespmem:s29+$0xC810]  }
0x198: {  	s0 =	sor.u32 $0x7, s6;
	v26 =	vld [tilespmem:s29+$0xC830];
	[tilespmem:s10+$0x15800] =	vst v28  }
0x199: {  	s1 =	sshll.u32 s0, $0x8;
	s9 =	sshll.u32 s0, $0x2;
	s0 =	smul.u32 $0x440, s0;
	v28 =	vld [tilespmem:s3+$0xFA20]  }
0x19a: {  	s21 =	sand.u32 $0x3FFFFC00, s1;
	v31 =	vld [tilespmem:s29+$0xC820]  }
0x19b: {  	s1 =	sor.u32 $0x4, s6;
	v32 =	vld [tilespmem:s3+$0xFA10]  }
0x19c: {  	s11 =	sshll.u32 s1, $0x8;
	s30 =	smul.u32 $0x440, s1;
	s8 =	sshll.u32 s1, $0x2;
	v33 =	vld [tilespmem:s3+$0xFA30]  }
0x19d: {  	s1 =	sor.u32 $0x5, s6;
	s18 =	sand.u32 $0x3FFFFF00, s11;
	v29 =	vld [tilespmem:s29+$0xC800]  }
0x19e: {  	s23 =	sshll.u32 s1, $0x2;
	s11 =	sshll.u32 s1, $0x8;
	s1 =	smul.u32 $0x440, s1;
	v34 =	vld [tilespmem:s18+$0xFA00]  }
0x19f: {  	s20 =	sand.u32 $0x3FFFFC00, s11;
	v28 =	vadd.f32 v28, v31;
	v30 =	vld [tilespmem:s29+$0xC810]  }
0x1a0: {  	v35 =	vld [tilespmem:s20+$0xFA10]  }
0x1a1: {  	v32 =	vadd.f32 v32, v27;
	[tilespmem:s13+$0x17C20] =	vst v28;
	v28 =	vld [tilespmem:s29+$0xC820]  }
0x1a2: {  	s11 =	sor.u32 $0x6, s6;
	v33 =	vadd.f32 v33, v26;
	v36 =	vld [tilespmem:s3+$0xFA60]  }
0x1a3: {  	s15 =	sshll.u32 s11, $0x2;
	s22 =	sshll.u32 s11, $0x8;
	s16 =	smul.u32 $0x440, s11;
	[tilespmem:s13+$0x17B10] =	vst v32;
	v32 =	vadd.f32 v34, v29;
	v34 =	vld [tilespmem:s21+$0xFA30]  }
0x1a4: {  	s31 =	sshra.s32 s30, $0x2;
	s11 =	sand.u32 $0x3FFFFC00, s22;
	v37 =	vld [tilespmem:s3+$0xFA50];
	[tilespmem:s13+$0x17D30] =	vst v33  }
0x1a5: {  	[tilespmem:s31+$0x17A00] =	vst v32;
	v32 =	vadd.f32 v35, v30;
	v33 =	vld [tilespmem:s11+$0xFA20]  }
0x1a6: {  	s30 =	sshra.s32 s1, $0x2;
	v35 =	vld [tilespmem:s18+$0xFA40]  }
0x1a7: {  	v36 =	vadd.f32 v36, v31;
	[tilespmem:s30+$0x17A00] =	vst v32;
	v32 =	vld [tilespmem:s29+$0xC830]  }
0x1a8: {  	v38 =	vld [tilespmem:s20+$0xFA50]  }
0x1a9: {  	v37 =	vadd.f32 v37, v27;
	[tilespmem:s13+$0x17C31] =	vst v36;
	v36 =	vld [tilespmem:s3+$0xFA70]  }
0x1aa: {  	v39 =	vld [tilespmem:s3+$0xFAA0];
	v33 =	vadd.f32 v33, v28  }
0x1ab: {  	s1 =	sshra.s32 s16, $0x2;
	[tilespmem:s13+$0x17B21] =	vst v37;
	v35 =	vadd.f32 v35, v29;
	v37 =	vld.idx.msk [tilespmem:v21+s28+$0x17D30], $0xffff  }
0x1ac: {  	v40 =	vld [tilespmem:s3+$0xFA90];
	[tilespmem:s1+$0x17A00] =	vst v33;
	v33 =	vadd.f32 v34, v32  }
0x1ad: {  	s0 =	sshra.s32 s0, $0x2;
	[tilespmem:s31+$0x17A11] =	vst v35;
	v34 =	vadd.f32 v38, v30;
	v35 =	vld [tilespmem:s11+$0xFA60]  }
0x1ae: {  	v36 =	vadd.f32 v36, v26;
	v38 =	vld [tilespmem:s18+$0xFA80];
	[tilespmem:s0+$0x17A00] =	vst v33  }
0x1af: {  	v33 =	vadd.f32 v39, v31;
	[tilespmem:s30+$0x17A11] =	vst v34;
	v34 =	vld [tilespmem:s21+$0xFA70]  }
0x1b0: {  	[tilespmem:s13+$0x17D41] =	vst v36;
	v36 =	vld [tilespmem:s20+$0xFA90]  }
0x1b1: {  	v39 =	vadd.f32 v40, v27;
	[tilespmem:s13+$0x17C42] =	vst v33;
	v33 =	vld [tilespmem:s3+$0xFAB0]  }
0x1b2: {  	v40 =	vld [tilespmem:s3+$0xFAE0];
	v35 =	vadd.f32 v35, v28;
	[tilespmem:s10+$0x15880] =	vst v37  }
0x1b3: {  	[tilespmem:s13+$0x17B32] =	vst v39;
	v37 =	vadd.f32 v38, v29;
	v38 =	vld.idx.msk [tilespmem:v22+s28+$0x17D30], $0xffff  }
0x1b4: {  	v39 =	vld [tilespmem:s3+$0xFAD0];
	[tilespmem:s1+$0x17A11] =	vst v35;
	v34 =	vadd.f32 v34, v32  }
0x1b5: {  	[tilespmem:s31+$0x17A22] =	vst v37;
	v35 =	vadd.f32 v36, v30;
	v36 =	vld [tilespmem:s11+$0xFAA0]  }
0x1b6: {  	v33 =	vadd.f32 v33, v26;
	v37 =	vld [tilespmem:s18+$0xFAC0];
	[tilespmem:s0+$0x17A11] =	vst v34  }
0x1b7: {  	v34 =	vadd.f32 v40, v31;
	[tilespmem:s30+$0x17A22] =	vst v35;
	v35 =	vld [tilespmem:s21+$0xFAB0]  }
0x1b8: {  	[tilespmem:s13+$0x17D52] =	vst v33;
	v33 =	vld [tilespmem:s20+$0xFAD0]  }
0x1b9: {  	v39 =	vadd.f32 v39, v27;
	[tilespmem:s13+$0x17C53] =	vst v34;
	v34 =	vld [tilespmem:s3+$0xFAF0]  }
0x1ba: {  	v40 =	vld [tilespmem:s3+$0xFB20];
	v36 =	vadd.f32 v36, v28;
	[tilespmem:s10+$0x15900] =	vst v38  }
0x1bb: {  	[tilespmem:s13+$0x17B43] =	vst v39;
	v37 =	vadd.f32 v37, v29;
	v38 =	vld.idx.msk [tilespmem:v23+s28+$0x17D30], $0xffff  }
0x1bc: {  	v39 =	vld [tilespmem:s3+$0xFB10];
	[tilespmem:s1+$0x17A22] =	vst v36;
	v35 =	vadd.f32 v35, v32  }
0x1bd: {  	[tilespmem:s31+$0x17A33] =	vst v37;
	v33 =	vadd.f32 v33, v30;
	v36 =	vld [tilespmem:s11+$0xFAE0]  }
0x1be: {  	v34 =	vadd.f32 v34, v26;
	v37 =	vld [tilespmem:s18+$0xFB00];
	[tilespmem:s0+$0x17A22] =	vst v35  }
0x1bf: {  	v35 =	vadd.f32 v40, v31;
	[tilespmem:s30+$0x17A33] =	vst v33;
	v33 =	vld [tilespmem:s21+$0xFAF0]  }
0x1c0: {  	[tilespmem:s13+$0x17D63] =	vst v34;
	v34 =	vld [tilespmem:s20+$0xFB10]  }
0x1c1: {  	v39 =	vadd.f32 v39, v27;
	[tilespmem:s13+$0x17C64] =	vst v35;
	v35 =	vld [tilespmem:s3+$0xFB30]  }
0x1c2: {  	v40 =	vld [tilespmem:s3+$0xFB60];
	v36 =	vadd.f32 v36, v28;
	[tilespmem:s10+$0x15980] =	vst v38  }
0x1c3: {  	v38 =	vld [tilespmem:s3+$0xFC80];
	[tilespmem:s13+$0x17B54] =	vst v39;
	v37 =	vadd.f32 v37, v29  }
0x1c4: {  	v39 =	vld [tilespmem:s3+$0xFB50];
	[tilespmem:s1+$0x17A33] =	vst v36;
	v33 =	vadd.f32 v33, v32  }
0x1c5: {  	[tilespmem:s31+$0x17A44] =	vst v37;
	v34 =	vadd.f32 v34, v30;
	v36 =	vld [tilespmem:s11+$0xFB20]  }
0x1c6: {  	v35 =	vadd.f32 v35, v26;
	v37 =	vld [tilespmem:s18+$0xFB40];
	[tilespmem:s0+$0x17A33] =	vst v33  }
0x1c7: {  	v33 =	vadd.f32 v40, v31;
	[tilespmem:s30+$0x17A44] =	vst v34;
	v34 =	vld [tilespmem:s21+$0xFB30]  }
0x1c8: {  	v38 =	vadd.f32 v38, v25;
	[tilespmem:s13+$0x17D74] =	vst v35;
	v35 =	vld [tilespmem:s20+$0xFB50]  }
0x1c9: {  	v39 =	vadd.f32 v39, v27;
	[tilespmem:s13+$0x17C75] =	vst v33;
	v33 =	vld [tilespmem:s3+$0xFB70]  }
0x1ca: {  	[tilespmem:s13+$0x17AAA] =	vst v38;
	v38 =	vld [tilespmem:s3+$0xFBA0];
	v36 =	vadd.f32 v36, v28  }
0x1cb: {  	v40 =	vld [tilespmem:s3+$0xFCC0];
	[tilespmem:s13+$0x17B65] =	vst v39;
	v37 =	vadd.f32 v37, v29  }
0x1cc: {  	v39 =	vld [tilespmem:s3+$0xFB90];
	[tilespmem:s1+$0x17A44] =	vst v36;
	v34 =	vadd.f32 v34, v32  }
0x1cd: {  	[tilespmem:s31+$0x17A55] =	vst v37;
	v35 =	vadd.f32 v35, v30;
	v36 =	vld [tilespmem:s11+$0xFB60]  }
0x1ce: {  	v33 =	vadd.f32 v33, v26;
	v37 =	vld [tilespmem:s18+$0xFB80];
	[tilespmem:s0+$0x17A44] =	vst v34  }
0x1cf: {  	v34 =	vadd.f32 v38, v31;
	[tilespmem:s30+$0x17A55] =	vst v35;
	v35 =	vld [tilespmem:s21+$0xFB70]  }
0x1d0: {  	v38 =	vadd.f32 v40, v25;
	[tilespmem:s13+$0x17D85] =	vst v33;
	v33 =	vld [tilespmem:s20+$0xFB90]  }
0x1d1: {  	v39 =	vadd.f32 v39, v27;
	[tilespmem:s13+$0x17C86] =	vst v34;
	v34 =	vld [tilespmem:s3+$0xFBB0]  }
0x1d2: {  	[tilespmem:s13+$0x17ABB] =	vst v38;
	v38 =	vld [tilespmem:s3+$0xFBE0];
	v36 =	vadd.f32 v36, v28  }
0x1d3: {  	v40 =	vld [tilespmem:s3+$0xFD00];
	[tilespmem:s13+$0x17B76] =	vst v39;
	v37 =	vadd.f32 v37, v29  }
0x1d4: {  	v39 =	vld [tilespmem:s3+$0xFBD0];
	[tilespmem:s1+$0x17A55] =	vst v36;
	v35 =	vadd.f32 v35, v32  }
0x1d5: {  	[tilespmem:s31+$0x17A66] =	vst v37;
	v33 =	vadd.f32 v33, v30;
	v36 =	vld [tilespmem:s11+$0xFBA0]  }
0x1d6: {  	v34 =	vadd.f32 v34, v26;
	v37 =	vld [tilespmem:s18+$0xFBC0];
	[tilespmem:s0+$0x17A55] =	vst v35  }
0x1d7: {  	v35 =	vadd.f32 v38, v31;
	[tilespmem:s30+$0x17A66] =	vst v33;
	v33 =	vld [tilespmem:s21+$0xFBB0]  }
0x1d8: {  	v38 =	vadd.f32 v40, v25;
	[tilespmem:s13+$0x17D96] =	vst v34;
	v34 =	vld [tilespmem:s20+$0xFBD0]  }
0x1d9: {  	v39 =	vadd.f32 v39, v27;
	[tilespmem:s13+$0x17C97] =	vst v35;
	v35 =	vld [tilespmem:s3+$0xFBF0]  }
0x1da: {  	[tilespmem:s13+$0x17ACC] =	vst v38;
	v38 =	vld [tilespmem:s3+$0xFC20];
	v36 =	vadd.f32 v36, v28  }
0x1db: {  	v40 =	vld [tilespmem:s3+$0xFD40];
	[tilespmem:s13+$0x17B87] =	vst v39;
	v37 =	vadd.f32 v37, v29  }
0x1dc: {  	v39 =	vld [tilespmem:s3+$0xFC10];
	[tilespmem:s1+$0x17A66] =	vst v36;
	v33 =	vadd.f32 v33, v32  }
0x1dd: {  	[tilespmem:s31+$0x17A77] =	vst v37;
	v34 =	vadd.f32 v34, v30;
	v36 =	vld [tilespmem:s11+$0xFBE0]  }
0x1de: {  	v35 =	vadd.f32 v35, v26;
	v37 =	vld [tilespmem:s18+$0xFC00];
	[tilespmem:s0+$0x17A66] =	vst v33  }
0x1df: {  	v33 =	vadd.f32 v38, v31;
	[tilespmem:s30+$0x17A77] =	vst v34;
	v34 =	vld [tilespmem:s21+$0xFBF0]  }
0x1e0: {  	v38 =	vadd.f32 v40, v25;
	[tilespmem:s13+$0x17DA7] =	vst v35;
	v35 =	vld [tilespmem:s20+$0xFC10]  }
0x1e1: {  	v39 =	vadd.f32 v39, v27;
	[tilespmem:s13+$0x17CA8] =	vst v33;
	v33 =	vld [tilespmem:s3+$0xFC30]  }
0x1e2: {  	[tilespmem:s13+$0x17ADD] =	vst v38;
	v38 =	vld [tilespmem:s3+$0xFC60];
	v36 =	vadd.f32 v36, v28  }
0x1e3: {  	v40 =	vld [tilespmem:s3+$0xFD80];
	[tilespmem:s13+$0x17B98] =	vst v39;
	v37 =	vadd.f32 v37, v29  }
0x1e4: {  	v39 =	vld [tilespmem:s3+$0xFC50];
	[tilespmem:s1+$0x17A77] =	vst v36;
	v34 =	vadd.f32 v34, v32  }
0x1e5: {  	[tilespmem:s31+$0x17A88] =	vst v37;
	v35 =	vadd.f32 v35, v30;
	v36 =	vld [tilespmem:s11+$0xFC20]  }
0x1e6: {  	v33 =	vadd.f32 v33, v26;
	v37 =	vld [tilespmem:s18+$0xFC40];
	[tilespmem:s0+$0x17A77] =	vst v34  }
0x1e7: {  	v34 =	vadd.f32 v38, v31;
	[tilespmem:s30+$0x17A88] =	vst v35;
	v35 =	vld [tilespmem:s21+$0xFC30]  }
0x1e8: {  	v38 =	vadd.f32 v40, v25;
	[tilespmem:s13+$0x17DB8] =	vst v33;
	v33 =	vld [tilespmem:s20+$0xFC50]  }
0x1e9: {  	v39 =	vadd.f32 v39, v27;
	[tilespmem:s13+$0x17CB9] =	vst v34;
	v34 =	vld [tilespmem:s3+$0xFC70]  }
0x1ea: {  	[tilespmem:s13+$0x17AEE] =	vst v38;
	v38 =	vld [tilespmem:s3+$0xFCA0];
	v36 =	vadd.f32 v36, v28  }
0x1eb: {  	v40 =	vld [tilespmem:s3+$0xFDC0];
	[tilespmem:s13+$0x17BA9] =	vst v39;
	v37 =	vadd.f32 v37, v29  }
0x1ec: {  	v39 =	vld [tilespmem:s3+$0xFC90];
	[tilespmem:s1+$0x17A88] =	vst v36;
	v35 =	vadd.f32 v35, v32  }
0x1ed: {  	[tilespmem:s31+$0x17A99] =	vst v37;
	v33 =	vadd.f32 v33, v30;
	v36 =	vld [tilespmem:s11+$0xFC60]  }
0x1ee: {  	v34 =	vadd.f32 v34, v26;
	v37 =	vld [tilespmem:s18+$0xFC80];
	[tilespmem:s0+$0x17A88] =	vst v35  }
0x1ef: {  	v35 =	vadd.f32 v38, v31;
	[tilespmem:s30+$0x17A99] =	vst v33;
	v33 =	vld [tilespmem:s21+$0xFC70]  }
0x1f0: {  	v25 =	vadd.f32 v40, v25;
	[tilespmem:s13+$0x17DC9] =	vst v34;
	v34 =	vld [tilespmem:s20+$0xFC90]  }
0x1f1: {  	v38 =	vadd.f32 v39, v27;
	[tilespmem:s13+$0x17CCA] =	vst v35;
	v35 =	vld [tilespmem:s3+$0xFCB0]  }
0x1f2: {  	[tilespmem:s13+$0x17AFF] =	vst v25;
	v25 =	vld [tilespmem:s3+$0xFCE0];
	v36 =	vadd.f32 v36, v28  }
0x1f3: {  	v39 =	vld.idx.msk [tilespmem:v5+s13+$0x17A00], $0xffff;
	[tilespmem:s13+$0x17BBA] =	vst v38;
	v37 =	vadd.f32 v37, v29  }
0x1f4: {  	v38 =	vld [tilespmem:s3+$0xFCD0];
	[tilespmem:s1+$0x17A99] =	vst v36;
	v33 =	vadd.f32 v33, v32  }
0x1f5: {  	[tilespmem:s31+$0x17AAA] =	vst v37;
	v34 =	vadd.f32 v34, v30;
	v36 =	vld [tilespmem:s11+$0xFCA0]  }
0x1f6: {  	v35 =	vadd.f32 v35, v26;
	v37 =	vld [tilespmem:s18+$0xFCC0];
	[tilespmem:s0+$0x17A99] =	vst v33  }
0x1f7: {  	v25 =	vadd.f32 v25, v31;
	[tilespmem:s30+$0x17AAA] =	vst v34;
	v33 =	vld [tilespmem:s21+$0xFCB0]  }
0x1f8: {  	[tilespmem:s13+$0x17DDA] =	vst v35;
	v34 =	vld [tilespmem:s20+$0xFCD0]  }
0x1f9: {  	s6 =	sshll.u32 s6, $0x2;
	v35 =	vadd.f32 v38, v27;
	[tilespmem:s13+$0x17CDB] =	vst v25;
	v25 =	vld [tilespmem:s3+$0xFCF0]  }
0x1fa: {  	[tilespmem:s6+$0x13A00] =	vst v39;
	v38 =	vld [tilespmem:s3+$0xFD20];
	v36 =	vadd.f32 v36, v28  }
0x1fb: {  	v39 =	vld.idx.msk [tilespmem:v9+s13+$0x17A00], $0xffff;
	[tilespmem:s13+$0x17BCB] =	vst v35;
	v35 =	vadd.f32 v37, v29  }
0x1fc: {  	v37 =	vld [tilespmem:s3+$0xFD10];
	[tilespmem:s1+$0x17AAA] =	vst v36;
	v33 =	vadd.f32 v33, v32  }
0x1fd: {  	[tilespmem:s31+$0x17ABB] =	vst v35;
	v34 =	vadd.f32 v34, v30;
	v35 =	vld [tilespmem:s11+$0xFCE0]  }
0x1fe: {  	v25 =	vadd.f32 v25, v26;
	v36 =	vld [tilespmem:s18+$0xFD00];
	[tilespmem:s0+$0x17AAA] =	vst v33  }
0x1ff: {  	v33 =	vadd.f32 v38, v31;
	[tilespmem:s30+$0x17ABB] =	vst v34;
	v34 =	vld [tilespmem:s21+$0xFCF0]  }
0x200: {  	[tilespmem:s13+$0x17DEB] =	vst v25;
	v25 =	vld [tilespmem:s20+$0xFD10]  }
0x201: {  	v37 =	vadd.f32 v37, v27;
	[tilespmem:s13+$0x17CEC] =	vst v33;
	v33 =	vld [tilespmem:s3+$0xFD30]  }
0x202: {  	[tilespmem:s6+$0x13A80] =	vst v39;
	v38 =	vld [tilespmem:s3+$0xFD60];
	v35 =	vadd.f32 v35, v28  }
0x203: {  	v39 =	vld.idx.msk [tilespmem:v10+s13+$0x17A00], $0xffff;
	[tilespmem:s13+$0x17BDC] =	vst v37;
	v36 =	vadd.f32 v36, v29  }
0x204: {  	v37 =	vld [tilespmem:s3+$0xFD50];
	[tilespmem:s1+$0x17ABB] =	vst v35;
	v34 =	vadd.f32 v34, v32  }
0x205: {  	[tilespmem:s31+$0x17ACC] =	vst v36;
	v25 =	vadd.f32 v25, v30;
	v35 =	vld [tilespmem:s11+$0xFD20]  }
0x206: {  	v33 =	vadd.f32 v33, v26;
	v36 =	vld [tilespmem:s18+$0xFD40];
	[tilespmem:s0+$0x17ABB] =	vst v34  }
0x207: {  	v34 =	vadd.f32 v38, v31;
	[tilespmem:s30+$0x17ACC] =	vst v25;
	v25 =	vld [tilespmem:s21+$0xFD30]  }
0x208: {  	[tilespmem:s13+$0x17DFC] =	vst v33;
	v33 =	vld [tilespmem:s20+$0xFD50]  }
0x209: {  	v37 =	vadd.f32 v37, v27;
	[tilespmem:s13+$0x17CFD] =	vst v34;
	v34 =	vld [tilespmem:s3+$0xFD70]  }
0x20a: {  	[tilespmem:s6+$0x13B00] =	vst v39;
	v38 =	vld [tilespmem:s3+$0xFDA0];
	v35 =	vadd.f32 v35, v28  }
0x20b: {  	v39 =	vld.idx.msk [tilespmem:v11+s13+$0x17A00], $0xffff;
	[tilespmem:s13+$0x17BED] =	vst v37;
	v36 =	vadd.f32 v36, v29  }
0x20c: {  	v37 =	vld [tilespmem:s3+$0xFD90];
	[tilespmem:s1+$0x17ACC] =	vst v35;
	v25 =	vadd.f32 v25, v32  }
0x20d: {  	[tilespmem:s31+$0x17ADD] =	vst v36;
	v33 =	vadd.f32 v33, v30;
	v35 =	vld [tilespmem:s11+$0xFD60]  }
0x20e: {  	v34 =	vadd.f32 v34, v26;
	v36 =	vld [tilespmem:s18+$0xFD80];
	[tilespmem:s0+$0x17ACC] =	vst v25  }
0x20f: {  	v25 =	vadd.f32 v38, v31;
	[tilespmem:s30+$0x17ADD] =	vst v33;
	v33 =	vld [tilespmem:s21+$0xFD70]  }
0x210: {  	[tilespmem:s13+$0x17E0D] =	vst v34;
	v34 =	vld [tilespmem:s20+$0xFD90]  }
0x211: {  	v37 =	vadd.f32 v37, v27;
	[tilespmem:s13+$0x17D0E] =	vst v25;
	v25 =	vld [tilespmem:s3+$0xFDB0]  }
0x212: {  	[tilespmem:s6+$0x13B80] =	vst v39;
	v38 =	vld [tilespmem:s3+$0xFDE0];
	v35 =	vadd.f32 v35, v28  }
0x213: {  	v39 =	vld.idx.msk [tilespmem:v12+s13+$0x17A00], $0xffff;
	[tilespmem:s13+$0x17BFE] =	vst v37;
	v36 =	vadd.f32 v36, v29  }
0x214: {  	v37 =	vld [tilespmem:s3+$0xFDD0];
	[tilespmem:s1+$0x17ADD] =	vst v35;
	v33 =	vadd.f32 v33, v32  }
0x215: {  	[tilespmem:s31+$0x17AEE] =	vst v36;
	v34 =	vadd.f32 v34, v30;
	v35 =	vld [tilespmem:s11+$0xFDA0]  }
0x216: {  	v25 =	vadd.f32 v25, v26;
	v36 =	vld [tilespmem:s18+$0xFDC0];
	[tilespmem:s0+$0x17ADD] =	vst v33  }
0x217: {  	v31 =	vadd.f32 v38, v31;
	[tilespmem:s30+$0x17AEE] =	vst v34;
	v33 =	vld [tilespmem:s21+$0xFDB0]  }
0x218: {  	[tilespmem:s13+$0x17E1E] =	vst v25;
	v25 =	vld [tilespmem:s20+$0xFDD0]  }
0x219: {  	v27 =	vadd.f32 v37, v27;
	[tilespmem:s13+$0x17D1F] =	vst v31;
	v31 =	vld [tilespmem:s3+$0xFDF0]  }
0x21a: {  	[tilespmem:s6+$0x13C00] =	vst v39;
	v34 =	vld.idx.msk [tilespmem:v5+s13+$0x17C20], $0xffff;
	v35 =	vadd.f32 v35, v28  }
0x21b: {  	v37 =	vld.idx.msk [tilespmem:v13+s13+$0x17A00], $0xffff;
	[tilespmem:s13+$0x17C0F] =	vst v27;
	v27 =	vadd.f32 v36, v29  }
0x21c: {  	v29 =	vld.idx.msk [tilespmem:v5+s13+$0x17B10], $0xffff;
	[tilespmem:s1+$0x17AEE] =	vst v35;
	v33 =	vadd.f32 v33, v32  }
0x21d: {  	[tilespmem:s31+$0x17AFF] =	vst v27;
	v25 =	vadd.f32 v25, v30;
	v27 =	vld [tilespmem:s11+$0xFDE0]  }
0x21e: {  	v26 =	vadd.f32 v31, v26;
	v30 =	vld.idx.msk [tilespmem:v5+s31+$0x17A00], $0xffff;
	[tilespmem:s0+$0x17AEE] =	vst v33  }
0x21f: {  	[tilespmem:s30+$0x17AFF] =	vst v25;
	v25 =	vld [tilespmem:s21+$0xFDF0]  }
0x220: {  	[tilespmem:s6+$0x14A00] =	vst v34;
	v31 =	vld.idx.msk [tilespmem:v5+s30+$0x17A00], $0xffff  }
0x221: {  	v33 =	vld.idx.msk [tilespmem:v9+s13+$0x17C20], $0xffff;
	[tilespmem:s13+$0x17E2F] =	vst v26  }
0x222: {  	[tilespmem:s6+$0x14200] =	vst v29;
	v29 =	vld.idx.msk [tilespmem:v5+s13+$0x17D30], $0xffff;
	v27 =	vadd.f32 v27, v28  }
0x223: {  	s21 =	sand.u32 $0x3FFFFFFC, s8;
	[tilespmem:s6+$0x13C80] =	vst v37;
	v28 =	vld.idx.msk [tilespmem:v9+s13+$0x17B10], $0xffff  }
0x224: {  	v26 =	vld.idx.msk [tilespmem:v14+s13+$0x17A00], $0xffff;
	[tilespmem:s21+$0x13A00] =	vst v30;
	v25 =	vadd.f32 v25, v32  }
0x225: {  	s8 =	sand.u32 $0xFFFFFFF0, s23;
	v30 =	vld.idx.msk [tilespmem:v9+s31+$0x17A00], $0xffff;
	[tilespmem:s1+$0x17AFF] =	vst v27  }
0x226: {  	[tilespmem:s8+$0x14200] =	vst v31;
	v27 =	vld.idx.msk [tilespmem:v5+s1+$0x17A00], $0xffff  }
0x227: {  	[tilespmem:s6+$0x14A80] =	vst v33;
	v31 =	vld.idx.msk [tilespmem:v9+s30+$0x17A00], $0xffff  }
0x228: {  	v32 =	vld.idx.msk [tilespmem:v10+s13+$0x17C20], $0xffff;
	[tilespmem:s0+$0x17AFF] =	vst v25  }
0x229: {  	[tilespmem:s6+$0x14280] =	vst v28;
	v25 =	vld.idx.msk [tilespmem:v5+s0+$0x17A00], $0xffff  }
0x22a: {  	v28 =	vld.idx.msk [tilespmem:v10+s13+$0x17B10], $0xffff;
	[tilespmem:s6+$0x15200] =	vst v29  }
0x22b: {  	s23 =	sand.u32 $0xFFFFFFF0, s15;
	v29 =	vld.idx.msk [tilespmem:v9+s13+$0x17D30], $0xffff;
	[tilespmem:s21+$0x13A80] =	vst v30  }
0x22c: {  	v30 =	vld.idx.msk [tilespmem:v10+s31+$0x17A00], $0xffff;
	[tilespmem:s23+$0x14A00] =	vst v27  }
0x22d: {  	[tilespmem:s8+$0x14280] =	vst v31;
	v27 =	vld.idx.msk [tilespmem:v9+s1+$0x17A00], $0xffff  }
0x22e: {  	s9 =	sand.u32 $0xFFFFFFF0, s9;
	[tilespmem:s6+$0x14B00] =	vst v32;
	v31 =	vld.idx.msk [tilespmem:v10+s30+$0x17A00], $0xffff  }
0x22f: {  	v32 =	vld.idx.msk [tilespmem:v11+s13+$0x17C20], $0xffff;
	[tilespmem:s9+$0x15200] =	vst v25  }
0x230: {  	[tilespmem:s6+$0x14300] =	vst v28;
	v28 =	vld.idx.msk [tilespmem:v9+s0+$0x17A00], $0xffff  }
0x231: {  	v33 =	vld.idx.msk [tilespmem:v11+s13+$0x17B10], $0xffff;
	[tilespmem:s6+$0x15280] =	vst v29  }
0x232: {  	v25 =	vld.idx.msk [tilespmem:v10+s13+$0x17D30], $0xffff;
	[tilespmem:s21+$0x13B00] =	vst v30  }
0x233: {  	v29 =	vld.idx.msk [tilespmem:v11+s31+$0x17A00], $0xffff;
	[tilespmem:s23+$0x14A80] =	vst v27  }
0x234: {  	v27 =	vld.idx.msk [tilespmem:v10+s1+$0x17A00], $0xffff;
	[tilespmem:s10+$0x14E80] =	vst v24  }
0x235: {  	[tilespmem:s6+$0x14B80] =	vst v32;
	v24 =	vld.idx.msk [tilespmem:v18+s28+$0x17C20], $0xffff  }
0x236: {  	v30 =	vld.idx.msk [tilespmem:v12+s13+$0x17C20], $0xffff;
	[tilespmem:s9+$0x15280] =	vst v28  }
0x237: {  	[tilespmem:s6+$0x14380] =	vst v33;
	v28 =	vld.idx.msk [tilespmem:v10+s0+$0x17A00], $0xffff  }
0x238: {  	v32 =	vld.idx.msk [tilespmem:v12+s13+$0x17B10], $0xffff;
	[tilespmem:s8+$0x14300] =	vst v31  }
0x239: {  	[tilespmem:s21+$0x13B80] =	vst v29;
	v29 =	vld.idx.msk [tilespmem:v11+s30+$0x17A00], $0xffff  }
0x23a: {  	v31 =	vld.idx.msk [tilespmem:v12+s31+$0x17A00], $0xffff;
	[tilespmem:s23+$0x14B00] =	vst v27  }
0x23b: {  	v27 =	vld.idx.msk [tilespmem:v11+s1+$0x17A00], $0xffff;
	[tilespmem:s10+$0x14F00] =	vst v24  }
0x23c: {  	[tilespmem:s6+$0x14C00] =	vst v30;
	v24 =	vld.idx.msk [tilespmem:v19+s28+$0x17C20], $0xffff  }
0x23d: {  	v30 =	vld.idx.msk [tilespmem:v13+s13+$0x17C20], $0xffff;
	[tilespmem:s9+$0x15300] =	vst v28  }
0x23e: {  	[tilespmem:s6+$0x14400] =	vst v32;
	v28 =	vld.idx.msk [tilespmem:v11+s0+$0x17A00], $0xffff  }
0x23f: {  	v32 =	vld.idx.msk [tilespmem:v13+s13+$0x17B10], $0xffff;
	[tilespmem:s8+$0x14380] =	vst v29  }
0x240: {  	[tilespmem:s21+$0x13C00] =	vst v31;
	v29 =	vld.idx.msk [tilespmem:v12+s30+$0x17A00], $0xffff  }
0x241: {  	v31 =	vld.idx.msk [tilespmem:v13+s31+$0x17A00], $0xffff;
	[tilespmem:s23+$0x14B80] =	vst v27  }
0x242: {  	v27 =	vld.idx.msk [tilespmem:v12+s1+$0x17A00], $0xffff;
	[tilespmem:s10+$0x14F80] =	vst v24  }
0x243: {  	[tilespmem:s6+$0x14C80] =	vst v30;
	v24 =	vld.idx.msk [tilespmem:v20+s28+$0x17C20], $0xffff  }
0x244: {  	v30 =	vld.idx.msk [tilespmem:v14+s13+$0x17C20], $0xffff;
	[tilespmem:s9+$0x15380] =	vst v28  }
0x245: {  	[tilespmem:s6+$0x14480] =	vst v32;
	v28 =	vld.idx.msk [tilespmem:v12+s0+$0x17A00], $0xffff  }
0x246: {  	v32 =	vld.idx.msk [tilespmem:v14+s13+$0x17B10], $0xffff;
	[tilespmem:s8+$0x14400] =	vst v29  }
0x247: {  	[tilespmem:s21+$0x13C80] =	vst v31;
	v29 =	vld.idx.msk [tilespmem:v13+s30+$0x17A00], $0xffff  }
0x248: {  	v31 =	vld.idx.msk [tilespmem:v14+s31+$0x17A00], $0xffff;
	[tilespmem:s23+$0x14C00] =	vst v27  }
0x249: {  	v27 =	vld.idx.msk [tilespmem:v13+s1+$0x17A00], $0xffff;
	[tilespmem:s10+$0x15000] =	vst v24  }
0x24a: {  	[tilespmem:s6+$0x14D00] =	vst v30;
	v24 =	vld.idx.msk [tilespmem:v21+s28+$0x17C20], $0xffff  }
0x24b: {  	v30 =	vld.idx.msk [tilespmem:v15+s13+$0x17C20], $0xffff;
	[tilespmem:s9+$0x15400] =	vst v28  }
0x24c: {  	[tilespmem:s6+$0x14500] =	vst v32;
	v28 =	vld.idx.msk [tilespmem:v13+s0+$0x17A00], $0xffff  }
0x24d: {  	v32 =	vld.idx.msk [tilespmem:v15+s13+$0x17B10], $0xffff;
	[tilespmem:s8+$0x14480] =	vst v29  }
0x24e: {  	[tilespmem:s21+$0x13D00] =	vst v31;
	v29 =	vld.idx.msk [tilespmem:v14+s30+$0x17A00], $0xffff  }
0x24f: {  	v31 =	vld.idx.msk [tilespmem:v15+s31+$0x17A00], $0xffff;
	[tilespmem:s23+$0x14C80] =	vst v27  }
0x250: {  	v27 =	vld.idx.msk [tilespmem:v14+s1+$0x17A00], $0xffff;
	[tilespmem:s10+$0x15080] =	vst v24  }
0x251: {  	[tilespmem:s6+$0x14D80] =	vst v30;
	v24 =	vld.idx.msk [tilespmem:v22+s28+$0x17C20], $0xffff  }
0x252: {  	v30 =	vld.idx.msk [tilespmem:v16+s13+$0x17C20], $0xffff;
	[tilespmem:s9+$0x15480] =	vst v28  }
0x253: {  	[tilespmem:s6+$0x14580] =	vst v32;
	v28 =	vld.idx.msk [tilespmem:v14+s0+$0x17A00], $0xffff  }
0x254: {  	v32 =	vld.idx.msk [tilespmem:v16+s13+$0x17B10], $0xffff;
	[tilespmem:s8+$0x14500] =	vst v29  }
0x255: {  	[tilespmem:s21+$0x13D80] =	vst v31;
	v31 =	vld.idx.msk [tilespmem:v15+s30+$0x17A00], $0xffff  }
0x256: {  	v33 =	vld.idx.msk [tilespmem:v16+s31+$0x17A00], $0xffff;
	[tilespmem:s23+$0x14D00] =	vst v27  }
0x257: {  	v34 =	vld.idx.msk [tilespmem:v15+s1+$0x17A00], $0xffff;
	[tilespmem:s10+$0x15100] =	vst v24  }
0x258: {  	[tilespmem:s6+$0x14E00] =	vst v30;
	v35 =	vld.idx.msk [tilespmem:v23+s28+$0x17C20], $0xffff;
	s28 =	smov.u32 s13  }
0x259: {  	v24 =	vld.idx.msk [tilespmem:v17+s28+$0x17C20], $0xffff;
	[tilespmem:s9+$0x15500] =	vst v28  }
.Ltmp1:
0x25a: {  	[tilespmem:s6+$0x14600] =	vst v32;
	v29 =	vld.idx.msk [tilespmem:v15+s0+$0x17A00], $0xffff;
	(pc) =	sbr.rel @p0 .LBB2_5-.Ltmp1, $4  }
0x25b: {  	v28 =	vld.idx.msk [tilespmem:v17+s28+$0x17B10], $0xffff;
	[tilespmem:s8+$0x14580] =	vst v31  }
0x25c: {  	[tilespmem:s21+$0x13E00] =	vst v33;
	v27 =	vld.idx.msk [tilespmem:v16+s30+$0x17A00], $0xffff  }
0x25d: {  	v31 =	vld.idx.msk [tilespmem:v17+s31+$0x17A00], $0xffff;
	[tilespmem:s23+$0x14D80] =	vst v34  }
0x25e: {  	v30 =	vld.idx.msk [tilespmem:v16+s1+$0x17A00], $0xffff;
	[tilespmem:s10+$0x15180] =	vst v35;
	s10 =	smov.u32 s6  }
0x25f: {  	_ =	sdelay $0x2  }
0x260: {  	[tilespmem:s10+$0x15300] =	vst v25  }
0x261: {  	v25 =	vld.idx.msk [tilespmem:v11+s28+$0x17D30], $0xffff;
	_ =	sdelay $0x4  }
0x262: {  	[tilespmem:s10+$0x15380] =	vst v25  }
0x263: {  	v25 =	vld.idx.msk [tilespmem:v12+s28+$0x17D30], $0xffff;
	_ =	sdelay $0x3  }
0x264: {  	[tilespmem:s9+$0x15580] =	vst v29  }
0x265: {  	[tilespmem:s10+$0x15400] =	vst v25  }
0x266: {  	[tilespmem:s10+$0x14680] =	vst v28;
	v25 =	vld.idx.msk [tilespmem:v13+s28+$0x17D30], $0xffff  }
0x267: {  	v28 =	vld.idx.msk [tilespmem:v16+s0+$0x17A00], $0xffff;
	[tilespmem:s21+$0x13E80] =	vst v31  }
0x268: {  	v29 =	vld.idx.msk [tilespmem:v18+s31+$0x17A00], $0xffff;
	[tilespmem:s23+$0x14E00] =	vst v30  }
0x269: {  	[tilespmem:s8+$0x14600] =	vst v27;
	v27 =	vld.idx.msk [tilespmem:v17+s1+$0x17A00], $0xffff  }
0x26a: {  	[tilespmem:s10+$0x13D00] =	vst v26;
	v30 =	vld.idx.msk [tilespmem:v17+s30+$0x17A00], $0xffff  }
0x26b: {  	v26 =	vld.idx.msk [tilespmem:v18+s28+$0x17B10], $0xffff;
	[tilespmem:s10+$0x15480] =	vst v25  }
0x26c: {  	[tilespmem:s9+$0x15600] =	vst v28;
	v25 =	vld.idx.msk [tilespmem:v14+s28+$0x17D30], $0xffff  }
0x26d: {  	v28 =	vld.idx.msk [tilespmem:v15+s28+$0x17A00], $0xffff;
	[tilespmem:s21+$0x13F00] =	vst v29  }
0x26e: {  	v29 =	vld.idx.msk [tilespmem:v17+s0+$0x17A00], $0xffff;
	[tilespmem:s23+$0x14E80] =	vst v27  }
0x26f: {  	[tilespmem:s8+$0x14680] =	vst v30;
	v27 =	vld.idx.msk [tilespmem:v18+s1+$0x17A00], $0xffff  }
0x270: {  	v30 =	vld.idx.msk [tilespmem:v18+s30+$0x17A00], $0xffff;
	[tilespmem:s10+$0x14700] =	vst v26  }
0x271: {  	[tilespmem:s10+$0x15500] =	vst v25  }
0x272: {  	[tilespmem:s10+$0x13D80] =	vst v28;
	v25 =	vld.idx.msk [tilespmem:v15+s28+$0x17D30], $0xffff  }
0x273: {  	v26 =	vld.idx.msk [tilespmem:v19+s31+$0x17A00], $0xffff;
	[tilespmem:s9+$0x15680] =	vst v29  }
0x274: {  	[tilespmem:s23+$0x14F00] =	vst v27;
	v28 =	vld.idx.msk [tilespmem:v19+s28+$0x17B10], $0xffff  }
0x275: {  	[tilespmem:s10+$0x14E80] =	vst v24;
	v29 =	vld.idx.msk [tilespmem:v16+s28+$0x17A00], $0xffff  }
0x276: {  	v27 =	vld.idx.msk [tilespmem:v18+s0+$0x17A00], $0xffff;
	[tilespmem:s8+$0x14700] =	vst v30  }
0x277: {  	v24 =	vld.idx.msk [tilespmem:v18+s28+$0x17C20], $0xffff;
	[tilespmem:s10+$0x15580] =	vst v25  }
0x278: {  	[tilespmem:s21+$0x13F80] =	vst v26;
	v25 =	vld.idx.msk [tilespmem:v16+s28+$0x17D30], $0xffff  }
0x279: {  	v30 =	vld.idx.msk [tilespmem:v19+s1+$0x17A00], $0xffff;
	[tilespmem:s10+$0x14780] =	vst v28  }
0x27a: {  	v26 =	vld.idx.msk [tilespmem:v19+s30+$0x17A00], $0xffff;
	[tilespmem:s10+$0x13E00] =	vst v29  }
0x27b: {  	v28 =	vld.idx.msk [tilespmem:v20+s31+$0x17A00], $0xffff;
	[tilespmem:s9+$0x15700] =	vst v27  }
0x27c: {  	[tilespmem:s10+$0x14F00] =	vst v24;
	v29 =	vld.idx.msk [tilespmem:v20+s28+$0x17B10], $0xffff  }
0x27d: {  	v27 =	vld.idx.msk [tilespmem:v17+s28+$0x17A00], $0xffff;
	[tilespmem:s10+$0x15600] =	vst v25  }
0x27e: {  	[tilespmem:s23+$0x14F80] =	vst v30;
	v25 =	vld.idx.msk [tilespmem:v17+s28+$0x17D30], $0xffff  }
0x27f: {  	v30 =	vld.idx.msk [tilespmem:v19+s0+$0x17A00], $0xffff;
	[tilespmem:s8+$0x14780] =	vst v26  }
0x280: {  	[tilespmem:s21+$0x14000] =	vst v28;
	v26 =	vld.idx.msk [tilespmem:v20+s1+$0x17A00], $0xffff  }
0x281: {  	[tilespmem:s10+$0x14800] =	vst v29;
	v28 =	vld.idx.msk [tilespmem:v20+s30+$0x17A00], $0xffff  }
0x282: {  	[tilespmem:s10+$0x13E80] =	vst v27;
	v27 =	vld.idx.msk [tilespmem:v21+s31+$0x17A00], $0xffff  }
0x283: {  	v29 =	vld.idx.msk [tilespmem:v18+s28+$0x17A00], $0xffff;
	[tilespmem:s10+$0x15680] =	vst v25  }
0x284: {  	[tilespmem:s9+$0x15780] =	vst v30;
	v25 =	vld.idx.msk [tilespmem:v18+s28+$0x17D30], $0xffff  }
0x285: {  	v24 =	vld.idx.msk [tilespmem:v19+s28+$0x17C20], $0xffff;
	[tilespmem:s23+$0x15000] =	vst v26  }
0x286: {  	v26 =	vld.idx.msk [tilespmem:v21+s28+$0x17B10], $0xffff;
	[tilespmem:s8+$0x14800] =	vst v28  }
0x287: {  	v28 =	vld.idx.msk [tilespmem:v20+s0+$0x17A00], $0xffff;
	[tilespmem:s21+$0x14080] =	vst v27  }
0x288: {  	v27 =	vld.idx.msk [tilespmem:v21+s1+$0x17A00], $0xffff;
	[tilespmem:s10+$0x13F00] =	vst v29  }
0x289: {  	v29 =	vld.idx.msk [tilespmem:v19+s28+$0x17A00], $0xffff;
	[tilespmem:s10+$0x15700] =	vst v25  }
0x28a: {  	[tilespmem:s10+$0x14F80] =	vst v24;
	v25 =	vld.idx.msk [tilespmem:v19+s28+$0x17D30], $0xffff  }
0x28b: {  	v24 =	vld.idx.msk [tilespmem:v20+s28+$0x17C20], $0xffff;
	[tilespmem:s10+$0x14880] =	vst v26  }
0x28c: {  	v26 =	vld.idx.msk [tilespmem:v21+s30+$0x17A00], $0xffff;
	[tilespmem:s9+$0x15800] =	vst v28  }
0x28d: {  	v28 =	vld.idx.msk [tilespmem:v22+s31+$0x17A00], $0xffff;
	[tilespmem:s23+$0x15080] =	vst v27  }
0x28e: {  	v27 =	vld.idx.msk [tilespmem:v22+s28+$0x17B10], $0xffff;
	[tilespmem:s10+$0x13F80] =	vst v29  }
0x28f: {  	v29 =	vld.idx.msk [tilespmem:v20+s28+$0x17A00], $0xffff;
	[tilespmem:s10+$0x15780] =	vst v25  }
0x290: {  	[tilespmem:s10+$0x15000] =	vst v24;
	v25 =	vld.idx.msk [tilespmem:v20+s28+$0x17D30], $0xffff  }
0x291: {  	v24 =	vld.idx.msk [tilespmem:v21+s28+$0x17C20], $0xffff;
	[tilespmem:s8+$0x14880] =	vst v26  }
0x292: {  	v26 =	vld.idx.msk [tilespmem:v21+s0+$0x17A00], $0xffff;
	[tilespmem:s21+$0x14100] =	vst v28  }
0x293: {  	v28 =	vld.idx.msk [tilespmem:v22+s1+$0x17A00], $0xffff;
	[tilespmem:s10+$0x14900] =	vst v27  }
0x294: {  	v27 =	vld.idx.msk [tilespmem:v22+s30+$0x17A00], $0xffff;
	[tilespmem:s10+$0x14000] =	vst v29  }
0x295: {  	v29 =	vld.idx.msk [tilespmem:v21+s28+$0x17A00], $0xffff;
	[tilespmem:s10+$0x15800] =	vst v25  }
0x296: {  	[tilespmem:s10+$0x15080] =	vst v24;
	v25 =	vld.idx.msk [tilespmem:v21+s28+$0x17D30], $0xffff  }
0x297: {  	v24 =	vld.idx.msk [tilespmem:v22+s28+$0x17C20], $0xffff;
	[tilespmem:s9+$0x15880] =	vst v26  }
0x298: {  	v26 =	vld.idx.msk [tilespmem:v23+s31+$0x17A00], $0xffff;
	[tilespmem:s23+$0x15100] =	vst v28  }
0x299: {  	v28 =	vld.idx.msk [tilespmem:v23+s28+$0x17B10], $0xffff;
	[tilespmem:s8+$0x14900] =	vst v27  }
0x29a: {  	v27 =	vld.idx.msk [tilespmem:v22+s0+$0x17A00], $0xffff;
	[tilespmem:s10+$0x14080] =	vst v29  }
0x29b: {  	v29 =	vld.idx.msk [tilespmem:v22+s28+$0x17A00], $0xffff;
	[tilespmem:s10+$0x15880] =	vst v25  }
0x29c: {  	[tilespmem:s10+$0x15100] =	vst v24;
	v25 =	vld.idx.msk [tilespmem:v22+s28+$0x17D30], $0xffff  }
0x29d: {  	v24 =	vld.idx.msk [tilespmem:v23+s28+$0x17C20], $0xffff;
	[tilespmem:s21+$0x14180] =	vst v26  }
0x29e: {  	v26 =	vld.idx.msk [tilespmem:v23+s1+$0x17A00], $0xffff;
	[tilespmem:s10+$0x14980] =	vst v28  }
0x29f: {  	v28 =	vld.idx.msk [tilespmem:v23+s30+$0x17A00], $0xffff;
	[tilespmem:s9+$0x15900] =	vst v27  }
0x2a0: {  	v27 =	vld.idx.msk [tilespmem:v23+s0+$0x17A00], $0xffff;
	[tilespmem:s10+$0x14100] =	vst v29  }
0x2a1: {  	v29 =	vld.idx.msk [tilespmem:v23+s28+$0x17A00], $0xffff;
	[tilespmem:s10+$0x15900] =	vst v25  }
0x2a2: {  	[tilespmem:s10+$0x15180] =	vst v24;
	v25 =	vld.idx.msk [tilespmem:v23+s28+$0x17D30], $0xffff  }
0x2a3: {  	[tilespmem:s23+$0x15180] =	vst v26  }
0x2a4: {  	s18 =	sshll.u32 s25, $0x13;
	[tilespmem:s8+$0x14980] =	vst v28  }
0x2a5: {  	s0 =	sor.u32 s7, s18;
	[tilespmem:s9+$0x15980] =	vst v27  }
0x2a6: {  	s20 =	simm.s32 $0x8000;
	s0 =	sshrl.u32 s0, $0x3;
	[tilespmem:s10+$0x14180] =	vst v29  }
0x2a7: {  	s3 =	simm.s32 $0x13A00;
	p0 =	seq.s32 s25, $0x63;
	s0 =	sadd.s32 s5, s0;
	[tilespmem:s10+$0x15980] =	vst v25  }
0x2a8: {  	[hbm4b:s0+s17] =	stream.strided.scatter [tilespmem:s3], [sflag:$0x3], $0x2000, s20, s17, $0x38;
	[tilespmem:$0x1BE00] =	vst v63  }
0x2a9: {  	p1 =	seq.s32 @!p0 s25, $0x0;
	s0 =	sshll.u32 @!p0 s25, $0x8;
	_ =	swait.ge [sflag:s19], $0x2000  }
0x2aa: {  	s1 =	simm.s32 @!p0 $0x80;
	s0 =	sand.u32 @!p0 $0x3FFFFF00, s0;
	[sflag:s19] =	ssyncset.done $0x0  }
0x2ab: {  	s3 =	simm.s32 @!p0 $0xFA00;
	s0 =	sadd.s32 @!p0 $0x6500, s0;
	[sflag:s19] =	ssyncadd.s32 $0xFFFFE000  }
0x2ac: {  	[tilespmem:s3], [sflag:$0x1] =	stream.indirect.gather @!p0 [hbm4b:s4+s1], $0x40, s0, s1, $0xb8;
	[tilespmem:$0x1BE00] =	vst v63  }
0x2ad: {  	p0 =	por p0, !p1  }
0x2ae: {  	s0 =	simm.s32 @p0 $0x4  }
0x2af: {  	_ =	swait.ge @p0 [sflag:s0], $0x2000  }
0x2b0: {  	s21 =	sshll.u32 s26, $0x6;
	[sflag:s0] =	ssyncset.done @p0 $0x0  }
0x2b1: {  	s22 =	simm.s32 $0x0;
	s29 =	sand.u32 $0x3FFFFFC0, s21;
	[sflag:s0] =	ssyncadd.s32 @p0 $0xFFFFE000  }
0x2b2: {  	s6 =	sand.u32 $0x3FFFFF00, s22;
	v31 =	vld [tilespmem:s29+$0xC800]  }
0x2b3: {  	v24 =	vld [tilespmem:s6+$0x11A00];
	_ =	sdelay $0x2  }
0x2b4: {  	s23 =	simm.s32 $0x0  }
0x2b5: {  	s3 =	smul.u32 $0x440, s23  }
0x2b6: {  	v24 =	vadd.f32 v24, v31  }
0x2b7: {  	s28 =	sshra.s32 s3, $0x2  }
0x2b8: {  	[tilespmem:s28+$0x19C00] =	vst v24  }
0x2b9: {  	v24 =	vld [tilespmem:s6+$0x11A40];
	_ =	sdelay $0x4  }
0x2ba: {  	v24 =	vadd.f32 v24, v31;
	_ =	sdelay $0x1  }
0x2bb: {  	[tilespmem:s28+$0x19C11] =	vst v24  }
0x2bc: {  	v24 =	vld [tilespmem:s6+$0x11A80];
	_ =	sdelay $0x4  }
0x2bd: {  	v24 =	vadd.f32 v24, v31  }
0x2be: {  	v26 =	vld [tilespmem:s29+$0xC810]  }
0x2bf: {  	v29 =	vld [tilespmem:s6+$0x11A10];
	[tilespmem:s28+$0x19C22] =	vst v24  }
0x2c0: {  	v24 =	vld [tilespmem:s6+$0x11AC0]  }
0x2c1: {  	s11 =	sor.u32 $0x4, s23  }
0x2c2: {  	s8 =	sshll.u32 s11, $0x8  }
0x2c3: {  	s13 =	sand.u32 $0x3FFFFF00, s8;
	v27 =	vld [tilespmem:s29+$0xC800]  }
0x2c4: {  	v34 =	vld [tilespmem:s13+$0x11A00];
	v29 =	vadd.f32 v29, v26  }
0x2c5: {  	v24 =	vadd.f32 v24, v31  }
0x2c6: {  	[tilespmem:s28+$0x19D10] =	vst v29  }
0x2c7: {  	v37 =	vld [tilespmem:s6+$0x11A50];
	[tilespmem:s28+$0x19C33] =	vst v24  }
0x2c8: {  	s22 =	smul.u32 $0x440, s11;
	v24 =	vld [tilespmem:s6+$0x11B00]  }
0x2c9: {  	v29 =	vadd.f32 v34, v27  }
0x2ca: {  	s31 =	sshra.s32 s22, $0x2;
	v25 =	vld [tilespmem:s6+$0x11A20]  }
0x2cb: {  	s9 =	sor.u32 $0x5, s23;
	v30 =	vld [tilespmem:s29+$0xC820];
	[tilespmem:s31+$0x19C00] =	vst v29  }
0x2cc: {  	s20 =	sshll.u32 s9, $0x8;
	v38 =	vld [tilespmem:s13+$0x11A40];
	v37 =	vadd.f32 v37, v26  }
0x2cd: {  	s15 =	sand.u32 $0x3FFFFC00, s20;
	v28 =	vld [tilespmem:s29+$0xC810];
	v24 =	vadd.f32 v24, v31  }
0x2ce: {  	s3 =	sor.u32 $0x7, s23;
	s23 =	sor.u32 $0x6, s23;
	v35 =	vld [tilespmem:s15+$0x11A10];
	[tilespmem:s28+$0x19D21] =	vst v37  }
0x2cf: {  	s0 =	sshll.u32 s23, $0x8;
	v42 =	vld [tilespmem:s6+$0x11A90];
	[tilespmem:s28+$0x19C44] =	vst v24  }
0x2d0: {  	s18 =	sand.u32 $0x3FFFFC00, s0;
	v25 =	vadd.f32 v25, v30;
	v24 =	vld [tilespmem:s6+$0x11B40]  }
0x2d1: {  	v60 =	vld [tilespmem:s18+$0x11A20];
	v41 =	vadd.f32 v38, v27  }
0x2d2: {  	[tilespmem:s28+$0x19E20] =	vst v25;
	v25 =	vld [tilespmem:s29+$0xC820]  }
0x2d3: {  	s21 =	sshll.u32 s3, $0x8;
	v33 =	vld [tilespmem:s6+$0x11A30];
	[tilespmem:s31+$0x19C11] =	vst v41  }
0x2d4: {  	s12 =	sand.u32 $0x3FFFFC00, s21;
	v37 =	vld [tilespmem:s13+$0x11A80];
	v38 =	vadd.f32 v42, v26  }
0x2d5: {  	v59 =	vld [tilespmem:s12+$0x11A30];
	v24 =	vadd.f32 v24, v31  }
0x2d6: {  	s17 =	smul.u32 $0x440, s23;
	v36 =	vld [tilespmem:s6+$0x11A60];
	[tilespmem:s28+$0x19D32] =	vst v38  }
0x2d7: {  	s16 =	smul.u32 $0x440, s9;
	v29 =	vadd.f32 v35, v28;
	v35 =	vadd.f32 v60, v25;
	[tilespmem:s28+$0x19C55] =	vst v24;
	v24 =	vld [tilespmem:s29+$0xC830]  }
0x2d8: {  	s1 =	sshra.s32 s17, $0x2;
	v38 =	vld [tilespmem:s6+$0x11AD0]  }
0x2d9: {  	s30 =	sshra.s32 s16, $0x2;
	[tilespmem:s1+$0x19C00] =	vst v35;
	v37 =	vadd.f32 v37, v27;
	v32 =	vld [tilespmem:s6+$0x11B80]  }
0x2da: {  	[tilespmem:s30+$0x19C00] =	vst v29;
	v35 =	vld [tilespmem:s18+$0x11A60]  }
0x2db: {  	v29 =	vld [tilespmem:s29+$0xC830];
	v36 =	vadd.f32 v36, v30;
	[tilespmem:s31+$0x19C22] =	vst v37  }
0x2dc: {  	v37 =	vld [tilespmem:s13+$0x11AC0];
	v33 =	vadd.f32 v33, v24  }
0x2dd: {  	v61 =	vld [tilespmem:s15+$0x11A50];
	[tilespmem:s28+$0x19E31] =	vst v36;
	v38 =	vadd.f32 v38, v26  }
0x2de: {  	v63 =	vld [tilespmem:s6+$0x11AA0];
	v32 =	vadd.f32 v32, v31;
	[tilespmem:s28+$0x19F30] =	vst v33  }
0x2df: {  	s20 =	smul.u32 $0x440, s3;
	v35 =	vadd.f32 v35, v25;
	[tilespmem:s28+$0x19D43] =	vst v38;
	v62 =	vld [tilespmem:s6+$0x11A70]  }
0x2e0: {  	v34 =	vadd.f32 v59, v29;
	v38 =	vld [tilespmem:s6+$0x11B10];
	[tilespmem:s28+$0x19C66] =	vst v32  }
0x2e1: {  	s0 =	sshra.s32 s20, $0x2;
	[tilespmem:s1+$0x19C11] =	vst v35;
	v37 =	vadd.f32 v37, v27;
	v39 =	vld [tilespmem:s6+$0x11BC0]  }
0x2e2: {  	[tilespmem:s0+$0x19C00] =	vst v34;
	v50 =	vld [tilespmem:s18+$0x11AA0];
	v33 =	vadd.f32 v61, v28  }
0x2e3: {  	v43 =	vld [tilespmem:s12+$0x11A70];
	[tilespmem:s31+$0x19C33] =	vst v37;
	v32 =	vadd.f32 v63, v30  }
0x2e4: {  	v37 =	vld [tilespmem:s13+$0x11B00];
	[tilespmem:s30+$0x19C11] =	vst v33;
	v36 =	vadd.f32 v62, v24  }
0x2e5: {  	v38 =	vadd.f32 v38, v26;
	v45 =	vld [tilespmem:s15+$0x11A90];
	[tilespmem:s28+$0x19E42] =	vst v32  }
0x2e6: {  	v47 =	vld [tilespmem:s6+$0x11AE0];
	v44 =	vadd.f32 v39, v31;
	[tilespmem:s28+$0x19F41] =	vst v36  }
0x2e7: {  	[tilespmem:s28+$0x19D54] =	vst v38;
	v36 =	vadd.f32 v50, v25;
	v46 =	vld [tilespmem:s6+$0x11AB0]  }
0x2e8: {  	v38 =	vld [tilespmem:s6+$0x11B50];
	v33 =	vadd.f32 v43, v29;
	[tilespmem:s28+$0x19C77] =	vst v44  }
0x2e9: {  	v37 =	vadd.f32 v37, v27;
	v48 =	vld [tilespmem:s6+$0x11C00];
	[tilespmem:s1+$0x19C22] =	vst v36  }
0x2ea: {  	[tilespmem:s0+$0x19C11] =	vst v33;
	v49 =	vadd.f32 v45, v28;
	v36 =	vld [tilespmem:s18+$0x11AE0]  }
0x2eb: {  	[tilespmem:s31+$0x19C44] =	vst v37;
	v52 =	vld [tilespmem:s12+$0x11AB0];
	v51 =	vadd.f32 v47, v30  }
0x2ec: {  	v37 =	vld [tilespmem:s13+$0x11B40];
	[tilespmem:s30+$0x19C22] =	vst v49;
	v32 =	vadd.f32 v46, v24  }
0x2ed: {  	v38 =	vadd.f32 v38, v26;
	v54 =	vld [tilespmem:s15+$0x11AD0];
	[tilespmem:s28+$0x19E53] =	vst v51  }
0x2ee: {  	v56 =	vld [tilespmem:s6+$0x11B20];
	v53 =	vadd.f32 v48, v31;
	[tilespmem:s28+$0x19F52] =	vst v32  }
0x2ef: {  	[tilespmem:s28+$0x19D65] =	vst v38;
	v36 =	vadd.f32 v36, v25;
	v55 =	vld [tilespmem:s6+$0x11AF0]  }
0x2f0: {  	v38 =	vld [tilespmem:s6+$0x11B90];
	v34 =	vadd.f32 v52, v29;
	[tilespmem:s28+$0x19C88] =	vst v53  }
0x2f1: {  	v37 =	vadd.f32 v37, v27;
	v57 =	vld [tilespmem:s6+$0x11C40];
	[tilespmem:s1+$0x19C33] =	vst v36  }
0x2f2: {  	[tilespmem:s0+$0x19C22] =	vst v34;
	v32 =	vadd.f32 v54, v28;
	v36 =	vld [tilespmem:s18+$0x11B20]  }
0x2f3: {  	[tilespmem:s31+$0x19C55] =	vst v37;
	v59 =	vld [tilespmem:s12+$0x11AF0];
	v58 =	vadd.f32 v56, v30  }
0x2f4: {  	v37 =	vld [tilespmem:s13+$0x11B80];
	[tilespmem:s30+$0x19C33] =	vst v32;
	v33 =	vadd.f32 v55, v24  }
0x2f5: {  	v38 =	vadd.f32 v38, v26;
	v61 =	vld [tilespmem:s15+$0x11B10];
	[tilespmem:s28+$0x19E64] =	vst v58  }
0x2f6: {  	v63 =	vld [tilespmem:s6+$0x11B60];
	v60 =	vadd.f32 v57, v31;
	[tilespmem:s28+$0x19F63] =	vst v33  }
0x2f7: {  	[tilespmem:s28+$0x19D76] =	vst v38;
	v36 =	vadd.f32 v36, v25;
	v62 =	vld [tilespmem:s6+$0x11B30]  }
0x2f8: {  	v38 =	vld [tilespmem:s6+$0x11BD0];
	v32 =	vadd.f32 v59, v29;
	[tilespmem:s28+$0x19C99] =	vst v60  }
0x2f9: {  	v37 =	vadd.f32 v37, v27;
	v42 =	vld [tilespmem:s6+$0x11C80];
	[tilespmem:s1+$0x19C44] =	vst v36  }
0x2fa: {  	[tilespmem:s0+$0x19C33] =	vst v32;
	v33 =	vadd.f32 v61, v28;
	v36 =	vld [tilespmem:s18+$0x11B60]  }
0x2fb: {  	[tilespmem:s31+$0x19C66] =	vst v37;
	v44 =	vld [tilespmem:s12+$0x11B30];
	v43 =	vadd.f32 v63, v30  }
0x2fc: {  	v37 =	vld [tilespmem:s13+$0x11BC0];
	[tilespmem:s30+$0x19C44] =	vst v33;
	v34 =	vadd.f32 v62, v24  }
0x2fd: {  	v38 =	vadd.f32 v38, v26;
	v46 =	vld [tilespmem:s15+$0x11B50];
	[tilespmem:s28+$0x19E75] =	vst v43  }
0x2fe: {  	v48 =	vld [tilespmem:s6+$0x11BA0];
	v45 =	vadd.f32 v42, v31;
	[tilespmem:s28+$0x19F74] =	vst v34  }
0x2ff: {  	[tilespmem:s28+$0x19D87] =	vst v38;
	v36 =	vadd.f32 v36, v25;
	v47 =	vld [tilespmem:s6+$0x11B70]  }
0x300: {  	v38 =	vld [tilespmem:s6+$0x11C10];
	v33 =	vadd.f32 v44, v29;
	[tilespmem:s28+$0x19CAA] =	vst v45  }
0x301: {  	v37 =	vadd.f32 v37, v27;
	v49 =	vld [tilespmem:s6+$0x11CC0];
	[tilespmem:s1+$0x19C55] =	vst v36  }
0x302: {  	[tilespmem:s0+$0x19C44] =	vst v33;
	v34 =	vadd.f32 v46, v28;
	v36 =	vld [tilespmem:s18+$0x11BA0]  }
0x303: {  	[tilespmem:s31+$0x19C77] =	vst v37;
	v51 =	vld [tilespmem:s12+$0x11B70];
	v50 =	vadd.f32 v48, v30  }
0x304: {  	v37 =	vld [tilespmem:s13+$0x11C00];
	[tilespmem:s30+$0x19C55] =	vst v34;
	v32 =	vadd.f32 v47, v24  }
0x305: {  	v38 =	vadd.f32 v38, v26;
	v53 =	vld [tilespmem:s15+$0x11B90];
	[tilespmem:s28+$0x19E86] =	vst v50  }
0x306: {  	v55 =	vld [tilespmem:s6+$0x11BE0];
	v52 =	vadd.f32 v49, v31;
	[tilespmem:s28+$0x19F85] =	vst v32  }
0x307: {  	[tilespmem:s28+$0x19D98] =	vst v38;
	v36 =	vadd.f32 v36, v25;
	v54 =	vld [tilespmem:s6+$0x11BB0]  }
0x308: {  	v38 =	vld [tilespmem:s6+$0x11C50];
	v34 =	vadd.f32 v51, v29;
	[tilespmem:s28+$0x19CBB] =	vst v52  }
0x309: {  	v37 =	vadd.f32 v37, v27;
	v56 =	vld [tilespmem:s6+$0x11D00];
	[tilespmem:s1+$0x19C66] =	vst v36  }
0x30a: {  	[tilespmem:s0+$0x19C55] =	vst v34;
	v32 =	vadd.f32 v53, v28;
	v36 =	vld [tilespmem:s18+$0x11BE0]  }
0x30b: {  	[tilespmem:s31+$0x19C88] =	vst v37;
	v58 =	vld [tilespmem:s12+$0x11BB0];
	v57 =	vadd.f32 v55, v30  }
0x30c: {  	v37 =	vld [tilespmem:s13+$0x11C40];
	[tilespmem:s30+$0x19C66] =	vst v32;
	v33 =	vadd.f32 v54, v24  }
0x30d: {  	v38 =	vadd.f32 v38, v26;
	v60 =	vld [tilespmem:s15+$0x11BD0];
	[tilespmem:s28+$0x19E97] =	vst v57  }
0x30e: {  	v62 =	vld [tilespmem:s6+$0x11C20];
	v59 =	vadd.f32 v56, v31;
	[tilespmem:s28+$0x19F96] =	vst v33  }
0x30f: {  	[tilespmem:s28+$0x19DA9] =	vst v38;
	v36 =	vadd.f32 v36, v25;
	v61 =	vld [tilespmem:s6+$0x11BF0]  }
0x310: {  	v38 =	vld [tilespmem:s6+$0x11C90];
	v32 =	vadd.f32 v58, v29;
	[tilespmem:s28+$0x19CCC] =	vst v59  }
0x311: {  	v37 =	vadd.f32 v37, v27;
	v63 =	vld [tilespmem:s6+$0x11D40];
	[tilespmem:s1+$0x19C77] =	vst v36  }
0x312: {  	[tilespmem:s0+$0x19C66] =	vst v32;
	v33 =	vadd.f32 v60, v28;
	v36 =	vld [tilespmem:s18+$0x11C20]  }
0x313: {  	[tilespmem:s31+$0x19C99] =	vst v37;
	v42 =	vld [tilespmem:s12+$0x11BF0];
	v41 =	vadd.f32 v62, v30  }
0x314: {  	v37 =	vld [tilespmem:s13+$0x11C80];
	[tilespmem:s30+$0x19C77] =	vst v33;
	v34 =	vadd.f32 v61, v24  }
0x315: {  	v58 =	vadd.f32 v38, v26;
	v44 =	vld [tilespmem:s15+$0x11C10];
	[tilespmem:s28+$0x19EA8] =	vst v41  }
0x316: {  	v46 =	vld [tilespmem:s6+$0x11C60];
	v43 =	vadd.f32 v63, v31;
	[tilespmem:s28+$0x19FA7] =	vst v34  }
0x317: {  	[tilespmem:s28+$0x19DBA] =	vst v58;
	v36 =	vadd.f32 v36, v25;
	v45 =	vld [tilespmem:s6+$0x11C30]  }
0x318: {  	v62 =	vld [tilespmem:s6+$0x11CD0];
	v33 =	vadd.f32 v42, v29;
	[tilespmem:s28+$0x19CDD] =	vst v43  }
0x319: {  	v61 =	vadd.f32 v37, v27;
	v47 =	vld [tilespmem:s6+$0x11D80];
	[tilespmem:s1+$0x19C88] =	vst v36  }
0x31a: {  	[tilespmem:s0+$0x19C77] =	vst v33;
	v34 =	vadd.f32 v44, v28;
	v36 =	vld [tilespmem:s18+$0x11C60]  }
0x31b: {  	v49 =	vld [tilespmem:s12+$0x11C30];
	[tilespmem:s31+$0x19CAA] =	vst v61;
	v48 =	vadd.f32 v46, v30  }
0x31c: {  	v40 =	vld [tilespmem:s13+$0x11CC0];
	[tilespmem:s30+$0x19C88] =	vst v34;
	v32 =	vadd.f32 v45, v24  }
0x31d: {  	v41 =	vadd.f32 v62, v26;
	v51 =	vld [tilespmem:s15+$0x11C50];
	[tilespmem:s28+$0x19EB9] =	vst v48  }
0x31e: {  	v53 =	vld [tilespmem:s6+$0x11CA0];
	v50 =	vadd.f32 v47, v31;
	[tilespmem:s28+$0x19FB8] =	vst v32  }
0x31f: {  	[tilespmem:s28+$0x19DCB] =	vst v41;
	v36 =	vadd.f32 v36, v25;
	v52 =	vld [tilespmem:s6+$0x11C70]  }
0x320: {  	v44 =	vld [tilespmem:s6+$0x11D10];
	v34 =	vadd.f32 v49, v29;
	[tilespmem:s28+$0x19CEE] =	vst v50  }
0x321: {  	v43 =	vadd.f32 v40, v27;
	v54 =	vld [tilespmem:s6+$0x11DC0];
	[tilespmem:s1+$0x19C99] =	vst v36  }
0x322: {  	[tilespmem:s0+$0x19C88] =	vst v34;
	v32 =	vadd.f32 v51, v28;
	v63 =	vld [tilespmem:s18+$0x11CA0]  }
0x323: {  	v56 =	vld [tilespmem:s12+$0x11C70];
	[tilespmem:s31+$0x19CBB] =	vst v43;
	v55 =	vadd.f32 v53, v30  }
0x324: {  	v46 =	vld [tilespmem:s13+$0x11D00];
	[tilespmem:s30+$0x19C99] =	vst v32;
	v33 =	vadd.f32 v52, v24  }
0x325: {  	v36 =	vadd.f32 v44, v26;
	[tilespmem:s28+$0x19ECA] =	vst v55  }
0x326: {  	v57 =	vld [tilespmem:s15+$0x11C90];
	v31 =	vadd.f32 v54, v31;
	[tilespmem:s28+$0x19FC9] =	vst v33  }
0x327: {  	[tilespmem:s28+$0x19DDC] =	vst v36;
	v35 =	vadd.f32 v63, v25;
	v59 =	vld [tilespmem:s6+$0x11CB0]  }
0x328: {  	v32 =	vadd.f32 v56, v29;
	[tilespmem:s28+$0x19CFF] =	vst v31;
	v31 =	vld [tilespmem:s6+$0x11CE0]  }
0x329: {  	v36 =	vld [tilespmem:s6+$0x11D50];
	[tilespmem:s1+$0x19CAA] =	vst v35;
	v35 =	vadd.f32 v46, v27  }
0x32a: {  	[tilespmem:s0+$0x19C99] =	vst v32  }
0x32b: {  	v32 =	vld [tilespmem:s12+$0x11CB0];
	v33 =	vadd.f32 v57, v28;
	[tilespmem:s31+$0x19CCC] =	vst v35  }
0x32c: {  	v35 =	vld [tilespmem:s13+$0x11D40];
	v34 =	vadd.f32 v59, v24  }
0x32d: {  	v60 =	vld.idx.msk [tilespmem:v5+s28+$0x19C00], $0xffff;
	[tilespmem:s30+$0x19CAA] =	vst v33;
	v31 =	vadd.f32 v31, v30  }
0x32e: {  	v36 =	vadd.f32 v36, v26;
	v33 =	vld [tilespmem:s15+$0x11CD0];
	[tilespmem:s28+$0x19FDA] =	vst v34  }
0x32f: {  	[tilespmem:s28+$0x19EDB] =	vst v31;
	v31 =	vld [tilespmem:s6+$0x11CF0]  }
0x330: {  	v32 =	vadd.f32 v32, v29;
	[tilespmem:s28+$0x19DED] =	vst v36;
	v42 =	vld [tilespmem:s6+$0x11D20]  }
0x331: {  	v36 =	vld [tilespmem:s6+$0x11D90];
	v35 =	vadd.f32 v35, v27  }
0x332: {  	v45 =	vld [tilespmem:s18+$0x11CE0];
	[tilespmem:s0+$0x19CAA] =	vst v32  }
0x333: {  	s10 =	simm.s32 $0x0;
	v48 =	vld [tilespmem:s12+$0x11CF0];
	v33 =	vadd.f32 v33, v28;
	[tilespmem:s31+$0x19CDD] =	vst v35  }
0x334: {  	[tilespmem:s10+$0x15A00] =	vst v60;
	v35 =	vld [tilespmem:s13+$0x11D80];
	v31 =	vadd.f32 v31, v24  }
0x335: {  	v38 =	vld.idx.msk [tilespmem:v9+s28+$0x19C00], $0xffff;
	[tilespmem:s30+$0x19CBB] =	vst v33;
	v47 =	vadd.f32 v42, v30  }
0x336: {  	v36 =	vadd.f32 v36, v26;
	[tilespmem:s28+$0x19FEB] =	vst v31;
	v31 =	vld [tilespmem:s15+$0x11D10]  }
0x337: {  	v34 =	vadd.f32 v45, v25;
	[tilespmem:s28+$0x19EEC] =	vst v47;
	v49 =	vld [tilespmem:s6+$0x11D30]  }
0x338: {  	[tilespmem:s28+$0x19DFE] =	vst v36;
	v50 =	vld [tilespmem:s6+$0x11D60]  }
0x339: {  	[tilespmem:s1+$0x19CBB] =	vst v34;
	v36 =	vld [tilespmem:s6+$0x11DD0];
	v35 =	vadd.f32 v35, v27  }
0x33a: {  	v33 =	vadd.f32 v48, v29;
	v34 =	vld [tilespmem:s18+$0x11D20];
	[tilespmem:s10+$0x15A80] =	vst v38  }
0x33b: {  	v38 =	vld.idx.msk [tilespmem:v10+s28+$0x19C00], $0xffff;
	[tilespmem:s31+$0x19CEE] =	vst v35;
	v31 =	vadd.f32 v31, v28  }
0x33c: {  	[tilespmem:s0+$0x19CBB] =	vst v33;
	v35 =	vld [tilespmem:s13+$0x11DC0];
	v32 =	vadd.f32 v49, v24  }
0x33d: {  	v51 =	vadd.f32 v50, v30;
	[tilespmem:s30+$0x19CCC] =	vst v31;
	v31 =	vld [tilespmem:s12+$0x11D30]  }
0x33e: {  	v26 =	vadd.f32 v36, v26;
	[tilespmem:s28+$0x19FFC] =	vst v32;
	v52 =	vld [tilespmem:s15+$0x11D50]  }
0x33f: {  	[tilespmem:s28+$0x19EFD] =	vst v51;
	v53 =	vld [tilespmem:s6+$0x11D70]  }
0x340: {  	v34 =	vadd.f32 v34, v25;
	[tilespmem:s28+$0x19E0F] =	vst v26;
	v54 =	vld [tilespmem:s6+$0x11DA0]  }
0x341: {  	v26 =	vadd.f32 v35, v27;
	v27 =	vld.idx.msk [tilespmem:v5+s28+$0x19D10], $0xffff  }
0x342: {  	[tilespmem:s1+$0x19CCC] =	vst v34;
	v31 =	vadd.f32 v31, v29  }
0x343: {  	[tilespmem:s10+$0x15B00] =	vst v38;
	v34 =	vld [tilespmem:s18+$0x11D60];
	v32 =	vadd.f32 v52, v28  }
0x344: {  	v38 =	vld.idx.msk [tilespmem:v11+s28+$0x19C00], $0xffff;
	[tilespmem:s0+$0x19CCC] =	vst v31  }
0x345: {  	v33 =	vadd.f32 v53, v24;
	[tilespmem:s30+$0x19CDD] =	vst v32;
	v55 =	vld [tilespmem:s12+$0x11D70]  }
0x346: {  	v31 =	vadd.f32 v54, v30;
	[tilespmem:s10+$0x16200] =	vst v27;
	v56 =	vld [tilespmem:s15+$0x11D90]  }
0x347: {  	[tilespmem:s28+$0x1A00D] =	vst v33;
	v27 =	vld.idx.msk [tilespmem:v9+s28+$0x19D10], $0xffff  }
0x348: {  	[tilespmem:s28+$0x19F0E] =	vst v31;
	v31 =	vld [tilespmem:s6+$0x11DB0]  }
0x349: {  	v34 =	vadd.f32 v34, v25;
	v57 =	vld [tilespmem:s6+$0x11DE0]  }
0x34a: {  	[tilespmem:s10+$0x15B80] =	vst v38  }
0x34b: {  	v38 =	vld.idx.msk [tilespmem:v12+s28+$0x19C00], $0xffff;
	[tilespmem:s1+$0x19CDD] =	vst v34;
	v32 =	vadd.f32 v55, v29  }
0x34c: {  	v34 =	vld [tilespmem:s18+$0x11DA0];
	v33 =	vadd.f32 v56, v28;
	[tilespmem:s10+$0x16280] =	vst v27  }
0x34d: {  	v31 =	vadd.f32 v31, v24;
	[tilespmem:s0+$0x19CDD] =	vst v32;
	v27 =	vld.idx.msk [tilespmem:v10+s28+$0x19D10], $0xffff  }
0x34e: {  	v30 =	vadd.f32 v57, v30;
	[tilespmem:s30+$0x19CEE] =	vst v33;
	v32 =	vld [tilespmem:s12+$0x11DB0]  }
0x34f: {  	[tilespmem:s28+$0x1A01E] =	vst v31;
	v31 =	vld [tilespmem:s15+$0x11DD0]  }
0x350: {  	[tilespmem:s28+$0x19F1F] =	vst v30;
	v30 =	vld [tilespmem:s6+$0x11DF0]  }
0x351: {  	[tilespmem:s10+$0x15C00] =	vst v38;
	v34 =	vadd.f32 v34, v25;
	v58 =	vld.idx.msk [tilespmem:v5+s28+$0x19E20], $0xffff  }
0x352: {  	v59 =	vld.idx.msk [tilespmem:v13+s28+$0x19C00], $0xffff;
	[tilespmem:s10+$0x16300] =	vst v27  }
0x353: {  	[tilespmem:s1+$0x19CEE] =	vst v34;
	v32 =	vadd.f32 v32, v29;
	v61 =	vld.idx.msk [tilespmem:v11+s28+$0x19D10], $0xffff  }
0x354: {  	[tilespmem:s31+$0x19CFF] =	vst v26;
	v26 =	vadd.f32 v31, v28;
	v28 =	vld [tilespmem:s18+$0x11DE0]  }
0x355: {  	v31 =	vld.idx.msk [tilespmem:v5+s31+$0x19C00], $0xffff;
	[tilespmem:s0+$0x19CEE] =	vst v32  }
0x356: {  	v24 =	vadd.f32 v30, v24;
	[tilespmem:s10+$0x16A00] =	vst v58;
	v30 =	vld [tilespmem:s12+$0x11DF0]  }
0x357: {  	[tilespmem:s30+$0x19CFF] =	vst v26;
	v33 =	vld.idx.msk [tilespmem:v9+s28+$0x19E20], $0xffff  }
0x358: {  	s21 =	sshll.u32 s11, $0x2;
	[tilespmem:s10+$0x15C80] =	vst v59;
	v60 =	vld.idx.msk [tilespmem:v5+s30+$0x19C00], $0xffff  }
0x359: {  	s21 =	sand.u32 $0x3FFFFFFC, s21;
	v26 =	vld.idx.msk [tilespmem:v14+s28+$0x19C00], $0xffff;
	[tilespmem:s28+$0x1A02F] =	vst v24;
	v25 =	vadd.f32 v28, v25  }
0x35a: {  	v24 =	vld.idx.msk [tilespmem:v5+s28+$0x19F30], $0xffff;
	[tilespmem:s21+$0x15A00] =	vst v31  }
0x35b: {  	s22 =	sshll.u32 s9, $0x2;
	v28 =	vld.idx.msk [tilespmem:v9+s31+$0x19C00], $0xffff;
	[tilespmem:s1+$0x19CFF] =	vst v25  }
0x35c: {  	s8 =	sand.u32 $0xFFFFFFF0, s22;
	v25 =	vadd.f32 v30, v29;
	[tilespmem:s10+$0x16A80] =	vst v33;
	v29 =	vld.idx.msk [tilespmem:v5+s1+$0x19C00], $0xffff  }
0x35d: {  	[tilespmem:s8+$0x16200] =	vst v60;
	v31 =	vld.idx.msk [tilespmem:v10+s28+$0x19E20], $0xffff  }
0x35e: {  	v30 =	vld.idx.msk [tilespmem:v9+s30+$0x19C00], $0xffff;
	[tilespmem:s0+$0x19CFF] =	vst v25  }
0x35f: {  	s23 =	sshll.u32 s23, $0x2;
	[tilespmem:s10+$0x17200] =	vst v24;
	v25 =	vld.idx.msk [tilespmem:v5+s0+$0x19C00], $0xffff  }
0x360: {  	s23 =	sand.u32 $0xFFFFFFF0, s23;
	v24 =	vld.idx.msk [tilespmem:v9+s28+$0x19F30], $0xffff;
	[tilespmem:s21+$0x15A80] =	vst v28  }
0x361: {  	v28 =	vld.idx.msk [tilespmem:v10+s31+$0x19C00], $0xffff;
	[tilespmem:s23+$0x16A00] =	vst v29  }
0x362: {  	s3 =	sshll.u32 s3, $0x2;
	[tilespmem:s10+$0x16B00] =	vst v31;
	v29 =	vld.idx.msk [tilespmem:v9+s1+$0x19C00], $0xffff  }
0x363: {  	s9 =	sand.u32 $0xFFFFFFF0, s3;
	[tilespmem:s8+$0x16280] =	vst v30;
	v31 =	vld.idx.msk [tilespmem:v11+s28+$0x19E20], $0xffff  }
0x364: {  	v30 =	vld.idx.msk [tilespmem:v10+s30+$0x19C00], $0xffff;
	[tilespmem:s9+$0x17200] =	vst v25  }
0x365: {  	[tilespmem:s10+$0x17280] =	vst v24;
	v27 =	vld.idx.msk [tilespmem:v9+s0+$0x19C00], $0xffff  }
0x366: {  	v25 =	vld.idx.msk [tilespmem:v10+s28+$0x19F30], $0xffff;
	[tilespmem:s21+$0x15B00] =	vst v28  }
0x367: {  	v24 =	vld.idx.msk [tilespmem:v11+s31+$0x19C00], $0xffff;
	[tilespmem:s23+$0x16A80] =	vst v29  }
0x368: {  	[tilespmem:s10+$0x16380] =	vst v61;
	v28 =	vld.idx.msk [tilespmem:v10+s1+$0x19C00], $0xffff  }
0x369: {  	[tilespmem:s10+$0x16B80] =	vst v31;
	v31 =	vld.idx.msk [tilespmem:v12+s28+$0x19D10], $0xffff  }
0x36a: {  	v29 =	vld.idx.msk [tilespmem:v12+s28+$0x19E20], $0xffff;
	[tilespmem:s9+$0x17280] =	vst v27  }
0x36b: {  	[tilespmem:s8+$0x16300] =	vst v30;
	v27 =	vld.idx.msk [tilespmem:v10+s0+$0x19C00], $0xffff  }
0x36c: {  	[tilespmem:s21+$0x15B80] =	vst v24;
	v24 =	vld.idx.msk [tilespmem:v11+s30+$0x19C00], $0xffff  }
0x36d: {  	v30 =	vld.idx.msk [tilespmem:v12+s31+$0x19C00], $0xffff;
	[tilespmem:s23+$0x16B00] =	vst v28  }
0x36e: {  	[tilespmem:s10+$0x16400] =	vst v31;
	v28 =	vld.idx.msk [tilespmem:v11+s1+$0x19C00], $0xffff  }
0x36f: {  	[tilespmem:s10+$0x16C00] =	vst v29;
	v31 =	vld.idx.msk [tilespmem:v13+s28+$0x19D10], $0xffff  }
0x370: {  	v29 =	vld.idx.msk [tilespmem:v13+s28+$0x19E20], $0xffff;
	[tilespmem:s9+$0x17300] =	vst v27  }
0x371: {  	v27 =	vld.idx.msk [tilespmem:v11+s0+$0x19C00], $0xffff;
	[tilespmem:s8+$0x16380] =	vst v24  }
0x372: {  	[tilespmem:s21+$0x15C00] =	vst v30;
	v24 =	vld.idx.msk [tilespmem:v12+s30+$0x19C00], $0xffff  }
0x373: {  	v30 =	vld.idx.msk [tilespmem:v13+s31+$0x19C00], $0xffff;
	[tilespmem:s23+$0x16B80] =	vst v28  }
0x374: {  	[tilespmem:s10+$0x16480] =	vst v31;
	v28 =	vld.idx.msk [tilespmem:v12+s1+$0x19C00], $0xffff  }
0x375: {  	[tilespmem:s10+$0x16C80] =	vst v29;
	v31 =	vld.idx.msk [tilespmem:v14+s28+$0x19D10], $0xffff  }
0x376: {  	v29 =	vld.idx.msk [tilespmem:v14+s28+$0x19E20], $0xffff;
	[tilespmem:s9+$0x17380] =	vst v27  }
0x377: {  	v27 =	vld.idx.msk [tilespmem:v12+s0+$0x19C00], $0xffff;
	[tilespmem:s8+$0x16400] =	vst v24  }
0x378: {  	[tilespmem:s21+$0x15C80] =	vst v30;
	v24 =	vld.idx.msk [tilespmem:v13+s30+$0x19C00], $0xffff  }
0x379: {  	v30 =	vld.idx.msk [tilespmem:v14+s31+$0x19C00], $0xffff;
	[tilespmem:s23+$0x16C00] =	vst v28  }
0x37a: {  	[tilespmem:s10+$0x16500] =	vst v31;
	v28 =	vld.idx.msk [tilespmem:v13+s1+$0x19C00], $0xffff  }
0x37b: {  	[tilespmem:s10+$0x16D00] =	vst v29;
	v31 =	vld.idx.msk [tilespmem:v15+s28+$0x19D10], $0xffff  }
0x37c: {  	v29 =	vld.idx.msk [tilespmem:v15+s28+$0x19E20], $0xffff;
	[tilespmem:s9+$0x17400] =	vst v27  }
0x37d: {  	v27 =	vld.idx.msk [tilespmem:v13+s0+$0x19C00], $0xffff;
	[tilespmem:s8+$0x16480] =	vst v24  }
0x37e: {  	[tilespmem:s21+$0x15D00] =	vst v30;
	v24 =	vld.idx.msk [tilespmem:v14+s30+$0x19C00], $0xffff  }
0x37f: {  	v30 =	vld.idx.msk [tilespmem:v15+s31+$0x19C00], $0xffff;
	[tilespmem:s23+$0x16C80] =	vst v28  }
0x380: {  	[tilespmem:s10+$0x16580] =	vst v31;
	v28 =	vld.idx.msk [tilespmem:v14+s1+$0x19C00], $0xffff  }
0x381: {  	[tilespmem:s10+$0x16D80] =	vst v29;
	v31 =	vld.idx.msk [tilespmem:v16+s28+$0x19D10], $0xffff  }
0x382: {  	v29 =	vld.idx.msk [tilespmem:v16+s28+$0x19E20], $0xffff;
	[tilespmem:s9+$0x17480] =	vst v27  }
0x383: {  	v27 =	vld.idx.msk [tilespmem:v14+s0+$0x19C00], $0xffff;
	[tilespmem:s8+$0x16500] =	vst v24  }
0x384: {  	[tilespmem:s21+$0x15D80] =	vst v30;
	v30 =	vld.idx.msk [tilespmem:v15+s30+$0x19C00], $0xffff  }
0x385: {  	v62 =	vld.idx.msk [tilespmem:v16+s31+$0x19C00], $0xffff;
	[tilespmem:s23+$0x16D00] =	vst v28  }
0x386: {  	[tilespmem:s10+$0x16600] =	vst v31;
	v63 =	vld.idx.msk [tilespmem:v15+s1+$0x19C00], $0xffff  }
0x387: {  	[tilespmem:s10+$0x16E00] =	vst v29;
	v28 =	vld.idx.msk [tilespmem:v17+s28+$0x19D10], $0xffff  }
0x388: {  	v24 =	vld.idx.msk [tilespmem:v17+s28+$0x19E20], $0xffff;
	[tilespmem:s9+$0x17500] =	vst v27  }
0x389: {  	v29 =	vld.idx.msk [tilespmem:v15+s0+$0x19C00], $0xffff;
	[tilespmem:s8+$0x16580] =	vst v30  }
0x38a: {  	[tilespmem:s21+$0x15E00] =	vst v62;
	v27 =	vld.idx.msk [tilespmem:v16+s30+$0x19C00], $0xffff  }
0x38b: {  	v31 =	vld.idx.msk [tilespmem:v17+s31+$0x19C00], $0xffff;
	[tilespmem:s23+$0x16D80] =	vst v63  }
0x38c: {  	s12 =	simm.s32 $0x8;
	v30 =	vld.idx.msk [tilespmem:v16+s1+$0x19C00], $0xffff  }
.LBB2_7:
0x38d: {  	s3 =	sshll.u32 s12, $0x8  }
0x38e: {  	p0 =	slt.u32 s12, $0x18;
	[tilespmem:s10+$0x17300] =	vst v25;
	s6 =	smov.u32 s12;
	s12 =	sadd.s32 $0x8, s12  }
0x38f: {  	v25 =	vld [tilespmem:s29+$0xC800];
	s3 =	sand.u32 $0x3FFFFF00, s3;
	[tilespmem:s9+$0x17580] =	vst v29  }
0x390: {  	v29 =	vld [tilespmem:s3+$0x11A00];
	[tilespmem:s10+$0x16680] =	vst v28  }
0x391: {  	v28 =	vld.idx.msk [tilespmem:v18+s28+$0x19D10], $0xffff;
	[tilespmem:s8+$0x16600] =	vst v27  }
0x392: {  	[tilespmem:s21+$0x15E80] =	vst v31;
	v27 =	vld.idx.msk [tilespmem:v16+s0+$0x19C00], $0xffff  }
0x393: {  	v31 =	vld.idx.msk [tilespmem:v18+s31+$0x19C00], $0xffff;
	[tilespmem:s23+$0x16E00] =	vst v30  }
0x394: {  	s11 =	smul.u32 $0x440, s6;
	[tilespmem:s10+$0x15D00] =	vst v26;
	v26 =	vld.idx.msk [tilespmem:v17+s1+$0x19C00], $0xffff  }
0x395: {  	v29 =	vadd.f32 v29, v25;
	v30 =	vld.idx.msk [tilespmem:v17+s30+$0x19C00], $0xffff  }
0x396: {  	s13 =	sshra.s32 s11, $0x2;
	v32 =	vld.idx.msk [tilespmem:v11+s28+$0x19F30], $0xffff  }
0x397: {  	[tilespmem:s13+$0x19C00] =	vst v29;
	v29 =	vld.idx.msk [tilespmem:v15+s28+$0x19C00], $0xffff  }
0x398: {  	v33 =	vld [tilespmem:s3+$0x11A40];
	[tilespmem:s9+$0x17600] =	vst v27  }
0x399: {  	[tilespmem:s21+$0x15F00] =	vst v31  }
0x39a: {  	v27 =	vld.idx.msk [tilespmem:v17+s0+$0x19C00], $0xffff  }
0x39b: {  	v31 =	vld.idx.msk [tilespmem:v19+s31+$0x19C00], $0xffff;
	[tilespmem:s23+$0x16E80] =	vst v26  }
0x39c: {  	[tilespmem:s8+$0x16680] =	vst v30;
	v26 =	vld.idx.msk [tilespmem:v18+s1+$0x19C00], $0xffff  }
0x39d: {  	[tilespmem:s10+$0x16700] =	vst v28;
	v28 =	vld.idx.msk [tilespmem:v18+s30+$0x19C00], $0xffff  }
0x39e: {  	v30 =	vadd.f32 v33, v25;
	v33 =	vld.idx.msk [tilespmem:v19+s28+$0x19D10], $0xffff;
	[tilespmem:s10+$0x17380] =	vst v32  }
0x39f: {  	[tilespmem:s10+$0x15D80] =	vst v29;
	v29 =	vld.idx.msk [tilespmem:v12+s28+$0x19F30], $0xffff  }
0x3a0: {  	[tilespmem:s13+$0x19C11] =	vst v30;
	v30 =	vld.idx.msk [tilespmem:v16+s28+$0x19C00], $0xffff  }
0x3a1: {  	v32 =	vld [tilespmem:s3+$0x11A80];
	[tilespmem:s9+$0x17680] =	vst v27  }
0x3a2: {  	[tilespmem:s23+$0x16F00] =	vst v26;
	v26 =	vld.idx.msk [tilespmem:v18+s0+$0x19C00], $0xffff  }
0x3a3: {  	[tilespmem:s8+$0x16700] =	vst v28;
	v27 =	vld.idx.msk [tilespmem:v19+s1+$0x19C00], $0xffff  }
0x3a4: {  	[tilespmem:s21+$0x15F80] =	vst v31;
	v28 =	vld.idx.msk [tilespmem:v19+s30+$0x19C00], $0xffff  }
0x3a5: {  	[tilespmem:s10+$0x16780] =	vst v33;
	v31 =	vld.idx.msk [tilespmem:v20+s31+$0x19C00], $0xffff  }
0x3a6: {  	v32 =	vadd.f32 v32, v25;
	v33 =	vld.idx.msk [tilespmem:v20+s28+$0x19D10], $0xffff;
	[tilespmem:s10+$0x17400] =	vst v29  }
0x3a7: {  	[tilespmem:s10+$0x15E00] =	vst v30;
	v29 =	vld.idx.msk [tilespmem:v13+s28+$0x19F30], $0xffff  }
0x3a8: {  	[tilespmem:s13+$0x19C22] =	vst v32;
	v30 =	vld.idx.msk [tilespmem:v17+s28+$0x19C00], $0xffff  }
0x3a9: {  	v32 =	vld [tilespmem:s3+$0x11AC0];
	[tilespmem:s9+$0x17700] =	vst v26  }
0x3aa: {  	[tilespmem:s23+$0x16F80] =	vst v27;
	v26 =	vld.idx.msk [tilespmem:v19+s0+$0x19C00], $0xffff  }
0x3ab: {  	[tilespmem:s8+$0x16780] =	vst v28;
	v27 =	vld.idx.msk [tilespmem:v20+s1+$0x19C00], $0xffff  }
0x3ac: {  	[tilespmem:s21+$0x16000] =	vst v31;
	v28 =	vld.idx.msk [tilespmem:v20+s30+$0x19C00], $0xffff  }
0x3ad: {  	[tilespmem:s10+$0x16800] =	vst v33;
	v31 =	vld.idx.msk [tilespmem:v21+s31+$0x19C00], $0xffff  }
0x3ae: {  	v32 =	vadd.f32 v32, v25;
	v33 =	vld.idx.msk [tilespmem:v21+s28+$0x19D10], $0xffff;
	[tilespmem:s10+$0x17480] =	vst v29  }
0x3af: {  	[tilespmem:s10+$0x15E80] =	vst v30;
	v29 =	vld.idx.msk [tilespmem:v14+s28+$0x19F30], $0xffff  }
0x3b0: {  	[tilespmem:s13+$0x19C33] =	vst v32;
	v30 =	vld.idx.msk [tilespmem:v18+s28+$0x19C00], $0xffff  }
0x3b1: {  	v32 =	vld [tilespmem:s3+$0x11B00];
	[tilespmem:s9+$0x17780] =	vst v26  }
0x3b2: {  	[tilespmem:s23+$0x17000] =	vst v27;
	v26 =	vld.idx.msk [tilespmem:v20+s0+$0x19C00], $0xffff  }
0x3b3: {  	[tilespmem:s8+$0x16800] =	vst v28;
	v27 =	vld.idx.msk [tilespmem:v21+s1+$0x19C00], $0xffff  }
0x3b4: {  	[tilespmem:s21+$0x16080] =	vst v31;
	v28 =	vld.idx.msk [tilespmem:v21+s30+$0x19C00], $0xffff  }
0x3b5: {  	[tilespmem:s10+$0x16880] =	vst v33;
	v31 =	vld.idx.msk [tilespmem:v22+s31+$0x19C00], $0xffff  }
0x3b6: {  	v32 =	vadd.f32 v32, v25;
	v33 =	vld.idx.msk [tilespmem:v22+s28+$0x19D10], $0xffff;
	[tilespmem:s10+$0x17500] =	vst v29  }
0x3b7: {  	[tilespmem:s10+$0x15F00] =	vst v30;
	v29 =	vld.idx.msk [tilespmem:v15+s28+$0x19F30], $0xffff  }
0x3b8: {  	[tilespmem:s13+$0x19C44] =	vst v32;
	v30 =	vld.idx.msk [tilespmem:v19+s28+$0x19C00], $0xffff  }
0x3b9: {  	v32 =	vld [tilespmem:s3+$0x11B40];
	[tilespmem:s9+$0x17800] =	vst v26  }
0x3ba: {  	[tilespmem:s23+$0x17080] =	vst v27;
	v26 =	vld.idx.msk [tilespmem:v21+s0+$0x19C00], $0xffff  }
0x3bb: {  	[tilespmem:s8+$0x16880] =	vst v28;
	v27 =	vld.idx.msk [tilespmem:v22+s1+$0x19C00], $0xffff  }
0x3bc: {  	[tilespmem:s21+$0x16100] =	vst v31;
	v28 =	vld.idx.msk [tilespmem:v22+s30+$0x19C00], $0xffff  }
0x3bd: {  	[tilespmem:s10+$0x16900] =	vst v33;
	v31 =	vld.idx.msk [tilespmem:v23+s31+$0x19C00], $0xffff  }
0x3be: {  	v32 =	vadd.f32 v32, v25;
	v33 =	vld.idx.msk [tilespmem:v23+s28+$0x19D10], $0xffff;
	[tilespmem:s10+$0x17580] =	vst v29  }
0x3bf: {  	[tilespmem:s10+$0x15F80] =	vst v30;
	v29 =	vld.idx.msk [tilespmem:v16+s28+$0x19F30], $0xffff  }
0x3c0: {  	[tilespmem:s13+$0x19C55] =	vst v32;
	v30 =	vld.idx.msk [tilespmem:v20+s28+$0x19C00], $0xffff  }
0x3c1: {  	v32 =	vld [tilespmem:s3+$0x11B80];
	[tilespmem:s9+$0x17880] =	vst v26  }
0x3c2: {  	[tilespmem:s23+$0x17100] =	vst v27;
	v26 =	vld.idx.msk [tilespmem:v22+s0+$0x19C00], $0xffff  }
0x3c3: {  	[tilespmem:s8+$0x16900] =	vst v28;
	v27 =	vld.idx.msk [tilespmem:v23+s1+$0x19C00], $0xffff  }
0x3c4: {  	[tilespmem:s21+$0x16180] =	vst v31;
	v28 =	vld.idx.msk [tilespmem:v23+s30+$0x19C00], $0xffff  }
0x3c5: {  	[tilespmem:s10+$0x16980] =	vst v33  }
0x3c6: {  	v31 =	vadd.f32 v32, v25;
	[tilespmem:s10+$0x17600] =	vst v29  }
0x3c7: {  	[tilespmem:s10+$0x16000] =	vst v30;
	v29 =	vld.idx.msk [tilespmem:v17+s28+$0x19F30], $0xffff  }
0x3c8: {  	[tilespmem:s13+$0x19C66] =	vst v31;
	v30 =	vld.idx.msk [tilespmem:v21+s28+$0x19C00], $0xffff  }
0x3c9: {  	v31 =	vld [tilespmem:s3+$0x11BC0];
	[tilespmem:s23+$0x17180] =	vst v27  }
0x3ca: {  	[tilespmem:s8+$0x16980] =	vst v28  }
0x3cb: {  	[tilespmem:s9+$0x17900] =	vst v26  }
0x3cc: {  	v26 =	vld.idx.msk [tilespmem:v23+s0+$0x19C00], $0xffff  }
0x3cd: {  	[tilespmem:s10+$0x17680] =	vst v29  }
0x3ce: {  	v27 =	vadd.f32 v31, v25;
	[tilespmem:s10+$0x16080] =	vst v30;
	v28 =	vld.idx.msk [tilespmem:v18+s28+$0x19F30], $0xffff  }
0x3cf: {  	v29 =	vld.idx.msk [tilespmem:v22+s28+$0x19C00], $0xffff  }
0x3d0: {  	[tilespmem:s13+$0x19C77] =	vst v27  }
0x3d1: {  	v27 =	vld [tilespmem:s3+$0x11C00]  }
0x3d2: {  	[tilespmem:s9+$0x17980] =	vst v26;
	_ =	sdelay $0x1  }
0x3d3: {  	[tilespmem:s10+$0x17700] =	vst v28  }
0x3d4: {  	[tilespmem:s10+$0x16100] =	vst v29;
	v26 =	vld.idx.msk [tilespmem:v19+s28+$0x19F30], $0xffff  }
0x3d5: {  	v27 =	vadd.f32 v27, v25;
	v28 =	vld.idx.msk [tilespmem:v23+s28+$0x19C00], $0xffff;
	_ =	sdelay $0x1  }
0x3d6: {  	[tilespmem:s13+$0x19C88] =	vst v27  }
0x3d7: {  	v27 =	vld [tilespmem:s3+$0x11C40];
	_ =	sdelay $0x1  }
0x3d8: {  	[tilespmem:s10+$0x17780] =	vst v26  }
0x3d9: {  	[tilespmem:s10+$0x16180] =	vst v28;
	v28 =	vld.idx.msk [tilespmem:v20+s28+$0x19F30], $0xffff;
	_ =	sdelay $0x1  }
0x3da: {  	v26 =	vadd.f32 v27, v25;
	_ =	sdelay $0x1  }
0x3db: {  	[tilespmem:s13+$0x19C99] =	vst v26  }
0x3dc: {  	v27 =	vld [tilespmem:s29+$0xC810]  }
0x3dd: {  	s0 =	sor.u32 $0x7, s6;
	v26 =	vld [tilespmem:s29+$0xC830];
	[tilespmem:s10+$0x17800] =	vst v28  }
0x3de: {  	s1 =	sshll.u32 s0, $0x8;
	s9 =	sshll.u32 s0, $0x2;
	s0 =	smul.u32 $0x440, s0;
	v28 =	vld [tilespmem:s3+$0x11A20]  }
0x3df: {  	s21 =	sand.u32 $0x3FFFFC00, s1;
	v31 =	vld [tilespmem:s29+$0xC820]  }
0x3e0: {  	s1 =	sor.u32 $0x4, s6;
	v32 =	vld [tilespmem:s3+$0x11A10]  }
0x3e1: {  	s11 =	sshll.u32 s1, $0x8;
	s16 =	smul.u32 $0x440, s1;
	s8 =	sshll.u32 s1, $0x2;
	v33 =	vld [tilespmem:s3+$0x11A30]  }
0x3e2: {  	s1 =	sor.u32 $0x5, s6;
	s18 =	sand.u32 $0x3FFFFF00, s11;
	v29 =	vld [tilespmem:s29+$0xC800]  }
0x3e3: {  	s15 =	sshll.u32 s1, $0x2;
	s11 =	sshll.u32 s1, $0x8;
	s1 =	smul.u32 $0x440, s1;
	v34 =	vld [tilespmem:s18+$0x11A00]  }
0x3e4: {  	s20 =	sand.u32 $0x3FFFFC00, s11;
	v28 =	vadd.f32 v28, v31;
	v30 =	vld [tilespmem:s29+$0xC810]  }
0x3e5: {  	v35 =	vld [tilespmem:s20+$0x11A10]  }
0x3e6: {  	v32 =	vadd.f32 v32, v27;
	[tilespmem:s13+$0x19E20] =	vst v28;
	v28 =	vld [tilespmem:s29+$0xC820]  }
0x3e7: {  	s11 =	sor.u32 $0x6, s6;
	v33 =	vadd.f32 v33, v26;
	v36 =	vld [tilespmem:s3+$0x11A60]  }
0x3e8: {  	s23 =	sshll.u32 s11, $0x2;
	s22 =	sshll.u32 s11, $0x8;
	s17 =	smul.u32 $0x440, s11;
	[tilespmem:s13+$0x19D10] =	vst v32;
	v32 =	vadd.f32 v34, v29;
	v34 =	vld [tilespmem:s21+$0x11A30]  }
0x3e9: {  	s31 =	sshra.s32 s16, $0x2;
	s11 =	sand.u32 $0x3FFFFC00, s22;
	v37 =	vld [tilespmem:s3+$0x11A50];
	[tilespmem:s13+$0x19F30] =	vst v33  }
0x3ea: {  	[tilespmem:s31+$0x19C00] =	vst v32;
	v32 =	vadd.f32 v35, v30;
	v33 =	vld [tilespmem:s11+$0x11A20]  }
0x3eb: {  	s30 =	sshra.s32 s1, $0x2;
	v35 =	vld [tilespmem:s18+$0x11A40]  }
0x3ec: {  	v36 =	vadd.f32 v36, v31;
	[tilespmem:s30+$0x19C00] =	vst v32;
	v32 =	vld [tilespmem:s29+$0xC830]  }
0x3ed: {  	v38 =	vld [tilespmem:s20+$0x11A50]  }
0x3ee: {  	v37 =	vadd.f32 v37, v27;
	[tilespmem:s13+$0x19E31] =	vst v36;
	v36 =	vld [tilespmem:s3+$0x11A70]  }
0x3ef: {  	v39 =	vld [tilespmem:s3+$0x11AA0];
	v33 =	vadd.f32 v33, v28  }
0x3f0: {  	s1 =	sshra.s32 s17, $0x2;
	[tilespmem:s13+$0x19D21] =	vst v37;
	v35 =	vadd.f32 v35, v29;
	v37 =	vld.idx.msk [tilespmem:v21+s28+$0x19F30], $0xffff  }
0x3f1: {  	v40 =	vld [tilespmem:s3+$0x11A90];
	[tilespmem:s1+$0x19C00] =	vst v33;
	v33 =	vadd.f32 v34, v32  }
0x3f2: {  	s0 =	sshra.s32 s0, $0x2;
	[tilespmem:s31+$0x19C11] =	vst v35;
	v34 =	vadd.f32 v38, v30;
	v35 =	vld [tilespmem:s11+$0x11A60]  }
0x3f3: {  	v36 =	vadd.f32 v36, v26;
	v38 =	vld [tilespmem:s18+$0x11A80];
	[tilespmem:s0+$0x19C00] =	vst v33  }
0x3f4: {  	v33 =	vadd.f32 v39, v31;
	[tilespmem:s30+$0x19C11] =	vst v34;
	v34 =	vld [tilespmem:s21+$0x11A70]  }
0x3f5: {  	[tilespmem:s13+$0x19F41] =	vst v36;
	v36 =	vld [tilespmem:s20+$0x11A90]  }
0x3f6: {  	v39 =	vadd.f32 v40, v27;
	[tilespmem:s13+$0x19E42] =	vst v33;
	v33 =	vld [tilespmem:s3+$0x11AB0]  }
0x3f7: {  	v40 =	vld [tilespmem:s3+$0x11AE0];
	v35 =	vadd.f32 v35, v28;
	[tilespmem:s10+$0x17880] =	vst v37  }
0x3f8: {  	[tilespmem:s13+$0x19D32] =	vst v39;
	v37 =	vadd.f32 v38, v29;
	v38 =	vld.idx.msk [tilespmem:v22+s28+$0x19F30], $0xffff  }
0x3f9: {  	v39 =	vld [tilespmem:s3+$0x11AD0];
	[tilespmem:s1+$0x19C11] =	vst v35;
	v34 =	vadd.f32 v34, v32  }
0x3fa: {  	[tilespmem:s31+$0x19C22] =	vst v37;
	v35 =	vadd.f32 v36, v30;
	v36 =	vld [tilespmem:s11+$0x11AA0]  }
0x3fb: {  	v33 =	vadd.f32 v33, v26;
	v37 =	vld [tilespmem:s18+$0x11AC0];
	[tilespmem:s0+$0x19C11] =	vst v34  }
0x3fc: {  	v34 =	vadd.f32 v40, v31;
	[tilespmem:s30+$0x19C22] =	vst v35;
	v35 =	vld [tilespmem:s21+$0x11AB0]  }
0x3fd: {  	[tilespmem:s13+$0x19F52] =	vst v33;
	v33 =	vld [tilespmem:s20+$0x11AD0]  }
0x3fe: {  	v39 =	vadd.f32 v39, v27;
	[tilespmem:s13+$0x19E53] =	vst v34;
	v34 =	vld [tilespmem:s3+$0x11AF0]  }
0x3ff: {  	v40 =	vld [tilespmem:s3+$0x11B20];
	v36 =	vadd.f32 v36, v28;
	[tilespmem:s10+$0x17900] =	vst v38  }
0x400: {  	[tilespmem:s13+$0x19D43] =	vst v39;
	v37 =	vadd.f32 v37, v29;
	v38 =	vld.idx.msk [tilespmem:v23+s28+$0x19F30], $0xffff  }
0x401: {  	v39 =	vld [tilespmem:s3+$0x11B10];
	[tilespmem:s1+$0x19C22] =	vst v36;
	v35 =	vadd.f32 v35, v32  }
0x402: {  	[tilespmem:s31+$0x19C33] =	vst v37;
	v33 =	vadd.f32 v33, v30;
	v36 =	vld [tilespmem:s11+$0x11AE0]  }
0x403: {  	v34 =	vadd.f32 v34, v26;
	v37 =	vld [tilespmem:s18+$0x11B00];
	[tilespmem:s0+$0x19C22] =	vst v35  }
0x404: {  	v35 =	vadd.f32 v40, v31;
	[tilespmem:s30+$0x19C33] =	vst v33;
	v33 =	vld [tilespmem:s21+$0x11AF0]  }
0x405: {  	[tilespmem:s13+$0x19F63] =	vst v34;
	v34 =	vld [tilespmem:s20+$0x11B10]  }
0x406: {  	v39 =	vadd.f32 v39, v27;
	[tilespmem:s13+$0x19E64] =	vst v35;
	v35 =	vld [tilespmem:s3+$0x11B30]  }
0x407: {  	v40 =	vld [tilespmem:s3+$0x11B60];
	v36 =	vadd.f32 v36, v28;
	[tilespmem:s10+$0x17980] =	vst v38  }
0x408: {  	v38 =	vld [tilespmem:s3+$0x11C80];
	[tilespmem:s13+$0x19D54] =	vst v39;
	v37 =	vadd.f32 v37, v29  }
0x409: {  	v39 =	vld [tilespmem:s3+$0x11B50];
	[tilespmem:s1+$0x19C33] =	vst v36;
	v33 =	vadd.f32 v33, v32  }
0x40a: {  	[tilespmem:s31+$0x19C44] =	vst v37;
	v34 =	vadd.f32 v34, v30;
	v36 =	vld [tilespmem:s11+$0x11B20]  }
0x40b: {  	v35 =	vadd.f32 v35, v26;
	v37 =	vld [tilespmem:s18+$0x11B40];
	[tilespmem:s0+$0x19C33] =	vst v33  }
0x40c: {  	v33 =	vadd.f32 v40, v31;
	[tilespmem:s30+$0x19C44] =	vst v34;
	v34 =	vld [tilespmem:s21+$0x11B30]  }
0x40d: {  	v38 =	vadd.f32 v38, v25;
	[tilespmem:s13+$0x19F74] =	vst v35;
	v35 =	vld [tilespmem:s20+$0x11B50]  }
0x40e: {  	v39 =	vadd.f32 v39, v27;
	[tilespmem:s13+$0x19E75] =	vst v33;
	v33 =	vld [tilespmem:s3+$0x11B70]  }
0x40f: {  	[tilespmem:s13+$0x19CAA] =	vst v38;
	v38 =	vld [tilespmem:s3+$0x11BA0];
	v36 =	vadd.f32 v36, v28  }
0x410: {  	v40 =	vld [tilespmem:s3+$0x11CC0];
	[tilespmem:s13+$0x19D65] =	vst v39;
	v37 =	vadd.f32 v37, v29  }
0x411: {  	v39 =	vld [tilespmem:s3+$0x11B90];
	[tilespmem:s1+$0x19C44] =	vst v36;
	v34 =	vadd.f32 v34, v32  }
0x412: {  	[tilespmem:s31+$0x19C55] =	vst v37;
	v35 =	vadd.f32 v35, v30;
	v36 =	vld [tilespmem:s11+$0x11B60]  }
0x413: {  	v33 =	vadd.f32 v33, v26;
	v37 =	vld [tilespmem:s18+$0x11B80];
	[tilespmem:s0+$0x19C44] =	vst v34  }
0x414: {  	v34 =	vadd.f32 v38, v31;
	[tilespmem:s30+$0x19C55] =	vst v35;
	v35 =	vld [tilespmem:s21+$0x11B70]  }
0x415: {  	v38 =	vadd.f32 v40, v25;
	[tilespmem:s13+$0x19F85] =	vst v33;
	v33 =	vld [tilespmem:s20+$0x11B90]  }
0x416: {  	v39 =	vadd.f32 v39, v27;
	[tilespmem:s13+$0x19E86] =	vst v34;
	v34 =	vld [tilespmem:s3+$0x11BB0]  }
0x417: {  	[tilespmem:s13+$0x19CBB] =	vst v38;
	v38 =	vld [tilespmem:s3+$0x11BE0];
	v36 =	vadd.f32 v36, v28  }
0x418: {  	v40 =	vld [tilespmem:s3+$0x11D00];
	[tilespmem:s13+$0x19D76] =	vst v39;
	v37 =	vadd.f32 v37, v29  }
0x419: {  	v39 =	vld [tilespmem:s3+$0x11BD0];
	[tilespmem:s1+$0x19C55] =	vst v36;
	v35 =	vadd.f32 v35, v32  }
0x41a: {  	[tilespmem:s31+$0x19C66] =	vst v37;
	v33 =	vadd.f32 v33, v30;
	v36 =	vld [tilespmem:s11+$0x11BA0]  }
0x41b: {  	v34 =	vadd.f32 v34, v26;
	v37 =	vld [tilespmem:s18+$0x11BC0];
	[tilespmem:s0+$0x19C55] =	vst v35  }
0x41c: {  	v35 =	vadd.f32 v38, v31;
	[tilespmem:s30+$0x19C66] =	vst v33;
	v33 =	vld [tilespmem:s21+$0x11BB0]  }
0x41d: {  	v38 =	vadd.f32 v40, v25;
	[tilespmem:s13+$0x19F96] =	vst v34;
	v34 =	vld [tilespmem:s20+$0x11BD0]  }
0x41e: {  	v39 =	vadd.f32 v39, v27;
	[tilespmem:s13+$0x19E97] =	vst v35;
	v35 =	vld [tilespmem:s3+$0x11BF0]  }
0x41f: {  	[tilespmem:s13+$0x19CCC] =	vst v38;
	v38 =	vld [tilespmem:s3+$0x11C20];
	v36 =	vadd.f32 v36, v28  }
0x420: {  	v40 =	vld [tilespmem:s3+$0x11D40];
	[tilespmem:s13+$0x19D87] =	vst v39;
	v37 =	vadd.f32 v37, v29  }
0x421: {  	v39 =	vld [tilespmem:s3+$0x11C10];
	[tilespmem:s1+$0x19C66] =	vst v36;
	v33 =	vadd.f32 v33, v32  }
0x422: {  	[tilespmem:s31+$0x19C77] =	vst v37;
	v34 =	vadd.f32 v34, v30;
	v36 =	vld [tilespmem:s11+$0x11BE0]  }
0x423: {  	v35 =	vadd.f32 v35, v26;
	v37 =	vld [tilespmem:s18+$0x11C00];
	[tilespmem:s0+$0x19C66] =	vst v33  }
0x424: {  	v33 =	vadd.f32 v38, v31;
	[tilespmem:s30+$0x19C77] =	vst v34;
	v34 =	vld [tilespmem:s21+$0x11BF0]  }
0x425: {  	v38 =	vadd.f32 v40, v25;
	[tilespmem:s13+$0x19FA7] =	vst v35;
	v35 =	vld [tilespmem:s20+$0x11C10]  }
0x426: {  	v39 =	vadd.f32 v39, v27;
	[tilespmem:s13+$0x19EA8] =	vst v33;
	v33 =	vld [tilespmem:s3+$0x11C30]  }
0x427: {  	[tilespmem:s13+$0x19CDD] =	vst v38;
	v38 =	vld [tilespmem:s3+$0x11C60];
	v36 =	vadd.f32 v36, v28  }
0x428: {  	v40 =	vld [tilespmem:s3+$0x11D80];
	[tilespmem:s13+$0x19D98] =	vst v39;
	v37 =	vadd.f32 v37, v29  }
0x429: {  	v39 =	vld [tilespmem:s3+$0x11C50];
	[tilespmem:s1+$0x19C77] =	vst v36;
	v34 =	vadd.f32 v34, v32  }
0x42a: {  	[tilespmem:s31+$0x19C88] =	vst v37;
	v35 =	vadd.f32 v35, v30;
	v36 =	vld [tilespmem:s11+$0x11C20]  }
0x42b: {  	v33 =	vadd.f32 v33, v26;
	v37 =	vld [tilespmem:s18+$0x11C40];
	[tilespmem:s0+$0x19C77] =	vst v34  }
0x42c: {  	v34 =	vadd.f32 v38, v31;
	[tilespmem:s30+$0x19C88] =	vst v35;
	v35 =	vld [tilespmem:s21+$0x11C30]  }
0x42d: {  	v38 =	vadd.f32 v40, v25;
	[tilespmem:s13+$0x19FB8] =	vst v33;
	v33 =	vld [tilespmem:s20+$0x11C50]  }
0x42e: {  	v39 =	vadd.f32 v39, v27;
	[tilespmem:s13+$0x19EB9] =	vst v34;
	v34 =	vld [tilespmem:s3+$0x11C70]  }
0x42f: {  	[tilespmem:s13+$0x19CEE] =	vst v38;
	v38 =	vld [tilespmem:s3+$0x11CA0];
	v36 =	vadd.f32 v36, v28  }
0x430: {  	v40 =	vld [tilespmem:s3+$0x11DC0];
	[tilespmem:s13+$0x19DA9] =	vst v39;
	v37 =	vadd.f32 v37, v29  }
0x431: {  	v39 =	vld [tilespmem:s3+$0x11C90];
	[tilespmem:s1+$0x19C88] =	vst v36;
	v35 =	vadd.f32 v35, v32  }
0x432: {  	[tilespmem:s31+$0x19C99] =	vst v37;
	v33 =	vadd.f32 v33, v30;
	v36 =	vld [tilespmem:s11+$0x11C60]  }
0x433: {  	v34 =	vadd.f32 v34, v26;
	v37 =	vld [tilespmem:s18+$0x11C80];
	[tilespmem:s0+$0x19C88] =	vst v35  }
0x434: {  	v35 =	vadd.f32 v38, v31;
	[tilespmem:s30+$0x19C99] =	vst v33;
	v33 =	vld [tilespmem:s21+$0x11C70]  }
0x435: {  	v25 =	vadd.f32 v40, v25;
	[tilespmem:s13+$0x19FC9] =	vst v34;
	v34 =	vld [tilespmem:s20+$0x11C90]  }
0x436: {  	v38 =	vadd.f32 v39, v27;
	[tilespmem:s13+$0x19ECA] =	vst v35;
	v35 =	vld [tilespmem:s3+$0x11CB0]  }
0x437: {  	[tilespmem:s13+$0x19CFF] =	vst v25;
	v25 =	vld [tilespmem:s3+$0x11CE0];
	v36 =	vadd.f32 v36, v28  }
0x438: {  	v39 =	vld.idx.msk [tilespmem:v5+s13+$0x19C00], $0xffff;
	[tilespmem:s13+$0x19DBA] =	vst v38;
	v37 =	vadd.f32 v37, v29  }
0x439: {  	v38 =	vld [tilespmem:s3+$0x11CD0];
	[tilespmem:s1+$0x19C99] =	vst v36;
	v33 =	vadd.f32 v33, v32  }
0x43a: {  	[tilespmem:s31+$0x19CAA] =	vst v37;
	v34 =	vadd.f32 v34, v30;
	v36 =	vld [tilespmem:s11+$0x11CA0]  }
0x43b: {  	v35 =	vadd.f32 v35, v26;
	v37 =	vld [tilespmem:s18+$0x11CC0];
	[tilespmem:s0+$0x19C99] =	vst v33  }
0x43c: {  	v25 =	vadd.f32 v25, v31;
	[tilespmem:s30+$0x19CAA] =	vst v34;
	v33 =	vld [tilespmem:s21+$0x11CB0]  }
0x43d: {  	[tilespmem:s13+$0x19FDA] =	vst v35;
	v34 =	vld [tilespmem:s20+$0x11CD0]  }
0x43e: {  	s6 =	sshll.u32 s6, $0x2;
	v35 =	vadd.f32 v38, v27;
	[tilespmem:s13+$0x19EDB] =	vst v25;
	v25 =	vld [tilespmem:s3+$0x11CF0]  }
0x43f: {  	[tilespmem:s6+$0x15A00] =	vst v39;
	v38 =	vld [tilespmem:s3+$0x11D20];
	v36 =	vadd.f32 v36, v28  }
0x440: {  	v39 =	vld.idx.msk [tilespmem:v9+s13+$0x19C00], $0xffff;
	[tilespmem:s13+$0x19DCB] =	vst v35;
	v35 =	vadd.f32 v37, v29  }
0x441: {  	v37 =	vld [tilespmem:s3+$0x11D10];
	[tilespmem:s1+$0x19CAA] =	vst v36;
	v33 =	vadd.f32 v33, v32  }
0x442: {  	[tilespmem:s31+$0x19CBB] =	vst v35;
	v34 =	vadd.f32 v34, v30;
	v35 =	vld [tilespmem:s11+$0x11CE0]  }
0x443: {  	v25 =	vadd.f32 v25, v26;
	v36 =	vld [tilespmem:s18+$0x11D00];
	[tilespmem:s0+$0x19CAA] =	vst v33  }
0x444: {  	v33 =	vadd.f32 v38, v31;
	[tilespmem:s30+$0x19CBB] =	vst v34;
	v34 =	vld [tilespmem:s21+$0x11CF0]  }
0x445: {  	[tilespmem:s13+$0x19FEB] =	vst v25;
	v25 =	vld [tilespmem:s20+$0x11D10]  }
0x446: {  	v37 =	vadd.f32 v37, v27;
	[tilespmem:s13+$0x19EEC] =	vst v33;
	v33 =	vld [tilespmem:s3+$0x11D30]  }
0x447: {  	[tilespmem:s6+$0x15A80] =	vst v39;
	v38 =	vld [tilespmem:s3+$0x11D60];
	v35 =	vadd.f32 v35, v28  }
0x448: {  	v39 =	vld.idx.msk [tilespmem:v10+s13+$0x19C00], $0xffff;
	[tilespmem:s13+$0x19DDC] =	vst v37;
	v36 =	vadd.f32 v36, v29  }
0x449: {  	v37 =	vld [tilespmem:s3+$0x11D50];
	[tilespmem:s1+$0x19CBB] =	vst v35;
	v34 =	vadd.f32 v34, v32  }
0x44a: {  	[tilespmem:s31+$0x19CCC] =	vst v36;
	v25 =	vadd.f32 v25, v30;
	v35 =	vld [tilespmem:s11+$0x11D20]  }
0x44b: {  	v33 =	vadd.f32 v33, v26;
	v36 =	vld [tilespmem:s18+$0x11D40];
	[tilespmem:s0+$0x19CBB] =	vst v34  }
0x44c: {  	v34 =	vadd.f32 v38, v31;
	[tilespmem:s30+$0x19CCC] =	vst v25;
	v25 =	vld [tilespmem:s21+$0x11D30]  }
0x44d: {  	[tilespmem:s13+$0x19FFC] =	vst v33;
	v33 =	vld [tilespmem:s20+$0x11D50]  }
0x44e: {  	v37 =	vadd.f32 v37, v27;
	[tilespmem:s13+$0x19EFD] =	vst v34;
	v34 =	vld [tilespmem:s3+$0x11D70]  }
0x44f: {  	[tilespmem:s6+$0x15B00] =	vst v39;
	v38 =	vld [tilespmem:s3+$0x11DA0];
	v35 =	vadd.f32 v35, v28  }
0x450: {  	v39 =	vld.idx.msk [tilespmem:v11+s13+$0x19C00], $0xffff;
	[tilespmem:s13+$0x19DED] =	vst v37;
	v36 =	vadd.f32 v36, v29  }
0x451: {  	v37 =	vld [tilespmem:s3+$0x11D90];
	[tilespmem:s1+$0x19CCC] =	vst v35;
	v25 =	vadd.f32 v25, v32  }
0x452: {  	[tilespmem:s31+$0x19CDD] =	vst v36;
	v33 =	vadd.f32 v33, v30;
	v35 =	vld [tilespmem:s11+$0x11D60]  }
0x453: {  	v34 =	vadd.f32 v34, v26;
	v36 =	vld [tilespmem:s18+$0x11D80];
	[tilespmem:s0+$0x19CCC] =	vst v25  }
0x454: {  	v25 =	vadd.f32 v38, v31;
	[tilespmem:s30+$0x19CDD] =	vst v33;
	v33 =	vld [tilespmem:s21+$0x11D70]  }
0x455: {  	[tilespmem:s13+$0x1A00D] =	vst v34;
	v34 =	vld [tilespmem:s20+$0x11D90]  }
0x456: {  	v37 =	vadd.f32 v37, v27;
	[tilespmem:s13+$0x19F0E] =	vst v25;
	v25 =	vld [tilespmem:s3+$0x11DB0]  }
0x457: {  	[tilespmem:s6+$0x15B80] =	vst v39;
	v38 =	vld [tilespmem:s3+$0x11DE0];
	v35 =	vadd.f32 v35, v28  }
0x458: {  	v39 =	vld.idx.msk [tilespmem:v12+s13+$0x19C00], $0xffff;
	[tilespmem:s13+$0x19DFE] =	vst v37;
	v36 =	vadd.f32 v36, v29  }
0x459: {  	v37 =	vld [tilespmem:s3+$0x11DD0];
	[tilespmem:s1+$0x19CDD] =	vst v35;
	v33 =	vadd.f32 v33, v32  }
0x45a: {  	[tilespmem:s31+$0x19CEE] =	vst v36;
	v34 =	vadd.f32 v34, v30;
	v35 =	vld [tilespmem:s11+$0x11DA0]  }
0x45b: {  	v25 =	vadd.f32 v25, v26;
	v36 =	vld [tilespmem:s18+$0x11DC0];
	[tilespmem:s0+$0x19CDD] =	vst v33  }
0x45c: {  	v31 =	vadd.f32 v38, v31;
	[tilespmem:s30+$0x19CEE] =	vst v34;
	v33 =	vld [tilespmem:s21+$0x11DB0]  }
0x45d: {  	[tilespmem:s13+$0x1A01E] =	vst v25;
	v25 =	vld [tilespmem:s20+$0x11DD0]  }
0x45e: {  	v27 =	vadd.f32 v37, v27;
	[tilespmem:s13+$0x19F1F] =	vst v31;
	v31 =	vld [tilespmem:s3+$0x11DF0]  }
0x45f: {  	[tilespmem:s6+$0x15C00] =	vst v39;
	v34 =	vld.idx.msk [tilespmem:v5+s13+$0x19E20], $0xffff;
	v35 =	vadd.f32 v35, v28  }
0x460: {  	v37 =	vld.idx.msk [tilespmem:v13+s13+$0x19C00], $0xffff;
	[tilespmem:s13+$0x19E0F] =	vst v27;
	v27 =	vadd.f32 v36, v29  }
0x461: {  	v29 =	vld.idx.msk [tilespmem:v5+s13+$0x19D10], $0xffff;
	[tilespmem:s1+$0x19CEE] =	vst v35;
	v33 =	vadd.f32 v33, v32  }
0x462: {  	[tilespmem:s31+$0x19CFF] =	vst v27;
	v25 =	vadd.f32 v25, v30;
	v27 =	vld [tilespmem:s11+$0x11DE0]  }
0x463: {  	v26 =	vadd.f32 v31, v26;
	v30 =	vld.idx.msk [tilespmem:v5+s31+$0x19C00], $0xffff;
	[tilespmem:s0+$0x19CEE] =	vst v33  }
0x464: {  	[tilespmem:s30+$0x19CFF] =	vst v25;
	v25 =	vld [tilespmem:s21+$0x11DF0]  }
0x465: {  	[tilespmem:s6+$0x16A00] =	vst v34;
	v31 =	vld.idx.msk [tilespmem:v5+s30+$0x19C00], $0xffff  }
0x466: {  	v33 =	vld.idx.msk [tilespmem:v9+s13+$0x19E20], $0xffff;
	[tilespmem:s13+$0x1A02F] =	vst v26  }
0x467: {  	[tilespmem:s6+$0x16200] =	vst v29;
	v29 =	vld.idx.msk [tilespmem:v5+s13+$0x19F30], $0xffff;
	v27 =	vadd.f32 v27, v28  }
0x468: {  	s21 =	sand.u32 $0x3FFFFFFC, s8;
	[tilespmem:s6+$0x15C80] =	vst v37;
	v28 =	vld.idx.msk [tilespmem:v9+s13+$0x19D10], $0xffff  }
0x469: {  	v26 =	vld.idx.msk [tilespmem:v14+s13+$0x19C00], $0xffff;
	[tilespmem:s21+$0x15A00] =	vst v30;
	v25 =	vadd.f32 v25, v32  }
0x46a: {  	s8 =	sand.u32 $0xFFFFFFF0, s15;
	v30 =	vld.idx.msk [tilespmem:v9+s31+$0x19C00], $0xffff;
	[tilespmem:s1+$0x19CFF] =	vst v27  }
0x46b: {  	[tilespmem:s8+$0x16200] =	vst v31;
	v27 =	vld.idx.msk [tilespmem:v5+s1+$0x19C00], $0xffff  }
0x46c: {  	[tilespmem:s6+$0x16A80] =	vst v33;
	v31 =	vld.idx.msk [tilespmem:v9+s30+$0x19C00], $0xffff  }
0x46d: {  	v32 =	vld.idx.msk [tilespmem:v10+s13+$0x19E20], $0xffff;
	[tilespmem:s0+$0x19CFF] =	vst v25  }
0x46e: {  	[tilespmem:s6+$0x16280] =	vst v28;
	v25 =	vld.idx.msk [tilespmem:v5+s0+$0x19C00], $0xffff  }
0x46f: {  	v28 =	vld.idx.msk [tilespmem:v10+s13+$0x19D10], $0xffff;
	[tilespmem:s6+$0x17200] =	vst v29  }
0x470: {  	s23 =	sand.u32 $0xFFFFFFF0, s23;
	v29 =	vld.idx.msk [tilespmem:v9+s13+$0x19F30], $0xffff;
	[tilespmem:s21+$0x15A80] =	vst v30  }
0x471: {  	v30 =	vld.idx.msk [tilespmem:v10+s31+$0x19C00], $0xffff;
	[tilespmem:s23+$0x16A00] =	vst v27  }
0x472: {  	[tilespmem:s8+$0x16280] =	vst v31;
	v27 =	vld.idx.msk [tilespmem:v9+s1+$0x19C00], $0xffff  }
0x473: {  	s9 =	sand.u32 $0xFFFFFFF0, s9;
	[tilespmem:s6+$0x16B00] =	vst v32;
	v31 =	vld.idx.msk [tilespmem:v10+s30+$0x19C00], $0xffff  }
0x474: {  	v32 =	vld.idx.msk [tilespmem:v11+s13+$0x19E20], $0xffff;
	[tilespmem:s9+$0x17200] =	vst v25  }
0x475: {  	[tilespmem:s6+$0x16300] =	vst v28;
	v28 =	vld.idx.msk [tilespmem:v9+s0+$0x19C00], $0xffff  }
0x476: {  	v33 =	vld.idx.msk [tilespmem:v11+s13+$0x19D10], $0xffff;
	[tilespmem:s6+$0x17280] =	vst v29  }
0x477: {  	v25 =	vld.idx.msk [tilespmem:v10+s13+$0x19F30], $0xffff;
	[tilespmem:s21+$0x15B00] =	vst v30  }
0x478: {  	v29 =	vld.idx.msk [tilespmem:v11+s31+$0x19C00], $0xffff;
	[tilespmem:s23+$0x16A80] =	vst v27  }
0x479: {  	v27 =	vld.idx.msk [tilespmem:v10+s1+$0x19C00], $0xffff;
	[tilespmem:s10+$0x16E80] =	vst v24  }
0x47a: {  	[tilespmem:s6+$0x16B80] =	vst v32;
	v24 =	vld.idx.msk [tilespmem:v18+s28+$0x19E20], $0xffff  }
0x47b: {  	v30 =	vld.idx.msk [tilespmem:v12+s13+$0x19E20], $0xffff;
	[tilespmem:s9+$0x17280] =	vst v28  }
0x47c: {  	[tilespmem:s6+$0x16380] =	vst v33;
	v28 =	vld.idx.msk [tilespmem:v10+s0+$0x19C00], $0xffff  }
0x47d: {  	v32 =	vld.idx.msk [tilespmem:v12+s13+$0x19D10], $0xffff;
	[tilespmem:s8+$0x16300] =	vst v31  }
0x47e: {  	[tilespmem:s21+$0x15B80] =	vst v29;
	v29 =	vld.idx.msk [tilespmem:v11+s30+$0x19C00], $0xffff  }
0x47f: {  	v31 =	vld.idx.msk [tilespmem:v12+s31+$0x19C00], $0xffff;
	[tilespmem:s23+$0x16B00] =	vst v27  }
0x480: {  	v27 =	vld.idx.msk [tilespmem:v11+s1+$0x19C00], $0xffff;
	[tilespmem:s10+$0x16F00] =	vst v24  }
0x481: {  	[tilespmem:s6+$0x16C00] =	vst v30;
	v24 =	vld.idx.msk [tilespmem:v19+s28+$0x19E20], $0xffff  }
0x482: {  	v30 =	vld.idx.msk [tilespmem:v13+s13+$0x19E20], $0xffff;
	[tilespmem:s9+$0x17300] =	vst v28  }
0x483: {  	[tilespmem:s6+$0x16400] =	vst v32;
	v28 =	vld.idx.msk [tilespmem:v11+s0+$0x19C00], $0xffff  }
0x484: {  	v32 =	vld.idx.msk [tilespmem:v13+s13+$0x19D10], $0xffff;
	[tilespmem:s8+$0x16380] =	vst v29  }
0x485: {  	[tilespmem:s21+$0x15C00] =	vst v31;
	v29 =	vld.idx.msk [tilespmem:v12+s30+$0x19C00], $0xffff  }
0x486: {  	v31 =	vld.idx.msk [tilespmem:v13+s31+$0x19C00], $0xffff;
	[tilespmem:s23+$0x16B80] =	vst v27  }
0x487: {  	v27 =	vld.idx.msk [tilespmem:v12+s1+$0x19C00], $0xffff;
	[tilespmem:s10+$0x16F80] =	vst v24  }
0x488: {  	[tilespmem:s6+$0x16C80] =	vst v30;
	v24 =	vld.idx.msk [tilespmem:v20+s28+$0x19E20], $0xffff  }
0x489: {  	v30 =	vld.idx.msk [tilespmem:v14+s13+$0x19E20], $0xffff;
	[tilespmem:s9+$0x17380] =	vst v28  }
0x48a: {  	[tilespmem:s6+$0x16480] =	vst v32;
	v28 =	vld.idx.msk [tilespmem:v12+s0+$0x19C00], $0xffff  }
0x48b: {  	v32 =	vld.idx.msk [tilespmem:v14+s13+$0x19D10], $0xffff;
	[tilespmem:s8+$0x16400] =	vst v29  }
0x48c: {  	[tilespmem:s21+$0x15C80] =	vst v31;
	v29 =	vld.idx.msk [tilespmem:v13+s30+$0x19C00], $0xffff  }
0x48d: {  	v31 =	vld.idx.msk [tilespmem:v14+s31+$0x19C00], $0xffff;
	[tilespmem:s23+$0x16C00] =	vst v27  }
0x48e: {  	v27 =	vld.idx.msk [tilespmem:v13+s1+$0x19C00], $0xffff;
	[tilespmem:s10+$0x17000] =	vst v24  }
0x48f: {  	[tilespmem:s6+$0x16D00] =	vst v30;
	v24 =	vld.idx.msk [tilespmem:v21+s28+$0x19E20], $0xffff  }
0x490: {  	v30 =	vld.idx.msk [tilespmem:v15+s13+$0x19E20], $0xffff;
	[tilespmem:s9+$0x17400] =	vst v28  }
0x491: {  	[tilespmem:s6+$0x16500] =	vst v32;
	v28 =	vld.idx.msk [tilespmem:v13+s0+$0x19C00], $0xffff  }
0x492: {  	v32 =	vld.idx.msk [tilespmem:v15+s13+$0x19D10], $0xffff;
	[tilespmem:s8+$0x16480] =	vst v29  }
0x493: {  	[tilespmem:s21+$0x15D00] =	vst v31;
	v29 =	vld.idx.msk [tilespmem:v14+s30+$0x19C00], $0xffff  }
0x494: {  	v31 =	vld.idx.msk [tilespmem:v15+s31+$0x19C00], $0xffff;
	[tilespmem:s23+$0x16C80] =	vst v27  }
0x495: {  	v27 =	vld.idx.msk [tilespmem:v14+s1+$0x19C00], $0xffff;
	[tilespmem:s10+$0x17080] =	vst v24  }
0x496: {  	[tilespmem:s6+$0x16D80] =	vst v30;
	v24 =	vld.idx.msk [tilespmem:v22+s28+$0x19E20], $0xffff  }
0x497: {  	v30 =	vld.idx.msk [tilespmem:v16+s13+$0x19E20], $0xffff;
	[tilespmem:s9+$0x17480] =	vst v28  }
0x498: {  	[tilespmem:s6+$0x16580] =	vst v32;
	v28 =	vld.idx.msk [tilespmem:v14+s0+$0x19C00], $0xffff  }
0x499: {  	v32 =	vld.idx.msk [tilespmem:v16+s13+$0x19D10], $0xffff;
	[tilespmem:s8+$0x16500] =	vst v29  }
0x49a: {  	[tilespmem:s21+$0x15D80] =	vst v31;
	v31 =	vld.idx.msk [tilespmem:v15+s30+$0x19C00], $0xffff  }
0x49b: {  	v33 =	vld.idx.msk [tilespmem:v16+s31+$0x19C00], $0xffff;
	[tilespmem:s23+$0x16D00] =	vst v27  }
0x49c: {  	v34 =	vld.idx.msk [tilespmem:v15+s1+$0x19C00], $0xffff;
	[tilespmem:s10+$0x17100] =	vst v24  }
0x49d: {  	[tilespmem:s6+$0x16E00] =	vst v30;
	v35 =	vld.idx.msk [tilespmem:v23+s28+$0x19E20], $0xffff;
	s28 =	smov.u32 s13  }
0x49e: {  	v24 =	vld.idx.msk [tilespmem:v17+s28+$0x19E20], $0xffff;
	[tilespmem:s9+$0x17500] =	vst v28  }
.Ltmp2:
0x49f: {  	[tilespmem:s6+$0x16600] =	vst v32;
	v29 =	vld.idx.msk [tilespmem:v15+s0+$0x19C00], $0xffff;
	(pc) =	sbr.rel @p0 .LBB2_7-.Ltmp2, $4  }
0x4a0: {  	v28 =	vld.idx.msk [tilespmem:v17+s28+$0x19D10], $0xffff;
	[tilespmem:s8+$0x16580] =	vst v31  }
0x4a1: {  	[tilespmem:s21+$0x15E00] =	vst v33;
	v27 =	vld.idx.msk [tilespmem:v16+s30+$0x19C00], $0xffff  }
0x4a2: {  	v31 =	vld.idx.msk [tilespmem:v17+s31+$0x19C00], $0xffff;
	[tilespmem:s23+$0x16D80] =	vst v34  }
0x4a3: {  	v30 =	vld.idx.msk [tilespmem:v16+s1+$0x19C00], $0xffff;
	[tilespmem:s10+$0x17180] =	vst v35;
	s10 =	smov.u32 s6  }
0x4a4: {  	_ =	sdelay $0x2  }
0x4a5: {  	[tilespmem:s10+$0x17300] =	vst v25  }
0x4a6: {  	v25 =	vld.idx.msk [tilespmem:v11+s28+$0x19F30], $0xffff;
	_ =	sdelay $0x4  }
0x4a7: {  	[tilespmem:s10+$0x17380] =	vst v25  }
0x4a8: {  	v25 =	vld.idx.msk [tilespmem:v12+s28+$0x19F30], $0xffff;
	_ =	sdelay $0x3  }
0x4a9: {  	[tilespmem:s9+$0x17580] =	vst v29  }
0x4aa: {  	[tilespmem:s10+$0x17400] =	vst v25  }
0x4ab: {  	[tilespmem:s10+$0x15D00] =	vst v26;
	v25 =	vld.idx.msk [tilespmem:v13+s28+$0x19F30], $0xffff  }
0x4ac: {  	[tilespmem:s10+$0x16E80] =	vst v24  }
0x4ad: {  	[tilespmem:s10+$0x16680] =	vst v28;
	v60 =	vld.idx.msk [tilespmem:v16+s0+$0x19C00], $0xffff  }
0x4ae: {  	v34 =	vld.idx.msk [tilespmem:v15+s28+$0x19C00], $0xffff;
	[tilespmem:s8+$0x16600] =	vst v27  }
0x4af: {  	v24 =	vld.idx.msk [tilespmem:v18+s28+$0x19E20], $0xffff;
	[tilespmem:s21+$0x15E80] =	vst v31  }
0x4b0: {  	v33 =	vld.idx.msk [tilespmem:v18+s28+$0x19D10], $0xffff;
	[tilespmem:s10+$0x17480] =	vst v25  }
0x4b1: {  	[tilespmem:s23+$0x16E00] =	vst v30;
	v25 =	vld.idx.msk [tilespmem:v14+s28+$0x19F30], $0xffff  }
0x4b2: {  	v63 =	vld.idx.msk [tilespmem:v17+s30+$0x19C00], $0xffff;
	[tilespmem:s9+$0x17600] =	vst v60  }
0x4b3: {  	v61 =	vld.idx.msk [tilespmem:v18+s31+$0x19C00], $0xffff;
	[tilespmem:s10+$0x15D80] =	vst v34  }
0x4b4: {  	v62 =	vld.idx.msk [tilespmem:v17+s1+$0x19C00], $0xffff;
	[tilespmem:s10+$0x16F00] =	vst v24  }
0x4b5: {  	v35 =	vld.idx.msk [tilespmem:v17+s0+$0x19C00], $0xffff;
	[tilespmem:s10+$0x16700] =	vst v33  }
0x4b6: {  	v38 =	vld.idx.msk [tilespmem:v16+s28+$0x19C00], $0xffff;
	[tilespmem:s10+$0x17500] =	vst v25  }
0x4b7: {  	[tilespmem:s8+$0x16680] =	vst v63;
	v25 =	vld.idx.msk [tilespmem:v15+s28+$0x19F30], $0xffff  }
0x4b8: {  	v24 =	vld.idx.msk [tilespmem:v19+s28+$0x19E20], $0xffff;
	[tilespmem:s21+$0x15F00] =	vst v61  }
0x4b9: {  	v37 =	vld.idx.msk [tilespmem:v19+s28+$0x19D10], $0xffff;
	[tilespmem:s23+$0x16E80] =	vst v62  }
0x4ba: {  	v30 =	vld.idx.msk [tilespmem:v18+s30+$0x19C00], $0xffff;
	[tilespmem:s9+$0x17680] =	vst v35  }
0x4bb: {  	v36 =	vld.idx.msk [tilespmem:v19+s31+$0x19C00], $0xffff;
	[tilespmem:s10+$0x15E00] =	vst v38  }
0x4bc: {  	v27 =	vld.idx.msk [tilespmem:v18+s1+$0x19C00], $0xffff;
	[tilespmem:s10+$0x17580] =	vst v25  }
0x4bd: {  	[tilespmem:s10+$0x16F80] =	vst v24;
	v25 =	vld.idx.msk [tilespmem:v16+s28+$0x19F30], $0xffff  }
0x4be: {  	v39 =	vld.idx.msk [tilespmem:v18+s0+$0x19C00], $0xffff;
	[tilespmem:s10+$0x16780] =	vst v37  }
0x4bf: {  	v44 =	vld.idx.msk [tilespmem:v17+s28+$0x19C00], $0xffff;
	[tilespmem:s8+$0x16700] =	vst v30  }
0x4c0: {  	v24 =	vld.idx.msk [tilespmem:v20+s28+$0x19E20], $0xffff;
	[tilespmem:s21+$0x15F80] =	vst v36  }
0x4c1: {  	v43 =	vld.idx.msk [tilespmem:v20+s28+$0x19D10], $0xffff;
	[tilespmem:s23+$0x16F00] =	vst v27  }
0x4c2: {  	v41 =	vld.idx.msk [tilespmem:v19+s30+$0x19C00], $0xffff;
	[tilespmem:s10+$0x17600] =	vst v25  }
0x4c3: {  	[tilespmem:s9+$0x17700] =	vst v39;
	v25 =	vld.idx.msk [tilespmem:v17+s28+$0x19F30], $0xffff  }
0x4c4: {  	v42 =	vld.idx.msk [tilespmem:v20+s31+$0x19C00], $0xffff;
	[tilespmem:s10+$0x15E80] =	vst v44  }
0x4c5: {  	v40 =	vld.idx.msk [tilespmem:v19+s1+$0x19C00], $0xffff;
	[tilespmem:s10+$0x17000] =	vst v24  }
0x4c6: {  	v45 =	vld.idx.msk [tilespmem:v19+s0+$0x19C00], $0xffff;
	[tilespmem:s10+$0x16800] =	vst v43  }
0x4c7: {  	v49 =	vld.idx.msk [tilespmem:v18+s28+$0x19C00], $0xffff;
	[tilespmem:s8+$0x16780] =	vst v41  }
0x4c8: {  	v24 =	vld.idx.msk [tilespmem:v21+s28+$0x19E20], $0xffff;
	[tilespmem:s10+$0x17680] =	vst v25  }
0x4c9: {  	[tilespmem:s21+$0x16000] =	vst v42;
	v25 =	vld.idx.msk [tilespmem:v18+s28+$0x19F30], $0xffff  }
0x4ca: {  	v50 =	vld.idx.msk [tilespmem:v21+s28+$0x19D10], $0xffff;
	[tilespmem:s23+$0x16F80] =	vst v40  }
0x4cb: {  	v47 =	vld.idx.msk [tilespmem:v20+s30+$0x19C00], $0xffff;
	[tilespmem:s9+$0x17780] =	vst v45  }
0x4cc: {  	v48 =	vld.idx.msk [tilespmem:v21+s31+$0x19C00], $0xffff;
	[tilespmem:s10+$0x15F00] =	vst v49  }
0x4cd: {  	v46 =	vld.idx.msk [tilespmem:v20+s1+$0x19C00], $0xffff;
	[tilespmem:s10+$0x17080] =	vst v24  }
0x4ce: {  	v29 =	vld.idx.msk [tilespmem:v19+s28+$0x19C00], $0xffff;
	[tilespmem:s10+$0x17700] =	vst v25  }
0x4cf: {  	[tilespmem:s10+$0x16880] =	vst v50;
	v25 =	vld.idx.msk [tilespmem:v19+s28+$0x19F30], $0xffff  }
0x4d0: {  	v51 =	vld.idx.msk [tilespmem:v20+s0+$0x19C00], $0xffff;
	[tilespmem:s8+$0x16800] =	vst v47  }
0x4d1: {  	v24 =	vld.idx.msk [tilespmem:v22+s28+$0x19E20], $0xffff;
	[tilespmem:s21+$0x16080] =	vst v48  }
0x4d2: {  	v55 =	vld.idx.msk [tilespmem:v22+s28+$0x19D10], $0xffff;
	[tilespmem:s23+$0x17000] =	vst v46  }
0x4d3: {  	v53 =	vld.idx.msk [tilespmem:v21+s30+$0x19C00], $0xffff;
	[tilespmem:s10+$0x15F80] =	vst v29  }
0x4d4: {  	v29 =	vld.idx.msk [tilespmem:v20+s28+$0x19C00], $0xffff;
	[tilespmem:s10+$0x17780] =	vst v25  }
0x4d5: {  	[tilespmem:s9+$0x17800] =	vst v51;
	v25 =	vld.idx.msk [tilespmem:v20+s28+$0x19F30], $0xffff  }
0x4d6: {  	v54 =	vld.idx.msk [tilespmem:v22+s31+$0x19C00], $0xffff;
	[tilespmem:s10+$0x17100] =	vst v24  }
0x4d7: {  	v52 =	vld.idx.msk [tilespmem:v21+s1+$0x19C00], $0xffff;
	[tilespmem:s10+$0x16900] =	vst v55  }
0x4d8: {  	v56 =	vld.idx.msk [tilespmem:v21+s0+$0x19C00], $0xffff;
	[tilespmem:s8+$0x16880] =	vst v53  }
0x4d9: {  	v24 =	vld.idx.msk [tilespmem:v23+s28+$0x19E20], $0xffff;
	[tilespmem:s10+$0x16000] =	vst v29  }
0x4da: {  	v29 =	vld.idx.msk [tilespmem:v21+s28+$0x19C00], $0xffff;
	[tilespmem:s10+$0x17800] =	vst v25  }
0x4db: {  	[tilespmem:s21+$0x16100] =	vst v54;
	v25 =	vld.idx.msk [tilespmem:v21+s28+$0x19F30], $0xffff  }
0x4dc: {  	v60 =	vld.idx.msk [tilespmem:v23+s28+$0x19D10], $0xffff;
	[tilespmem:s23+$0x17080] =	vst v52  }
0x4dd: {  	v58 =	vld.idx.msk [tilespmem:v22+s30+$0x19C00], $0xffff;
	[tilespmem:s9+$0x17880] =	vst v56  }
0x4de: {  	v57 =	vld.idx.msk [tilespmem:v22+s1+$0x19C00], $0xffff;
	[tilespmem:s10+$0x17180] =	vst v24  }
0x4df: {  	v61 =	vld.idx.msk [tilespmem:v22+s0+$0x19C00], $0xffff;
	[tilespmem:s10+$0x16080] =	vst v29  }
0x4e0: {  	v29 =	vld.idx.msk [tilespmem:v22+s28+$0x19C00], $0xffff;
	[tilespmem:s10+$0x17880] =	vst v25  }
0x4e1: {  	[tilespmem:s10+$0x16980] =	vst v60;
	v25 =	vld.idx.msk [tilespmem:v22+s28+$0x19F30], $0xffff  }
0x4e2: {  	v59 =	vld.idx.msk [tilespmem:v23+s31+$0x19C00], $0xffff;
	[tilespmem:s8+$0x16900] =	vst v58  }
0x4e3: {  	v63 =	vld.idx.msk [tilespmem:v23+s30+$0x19C00], $0xffff;
	[tilespmem:s23+$0x17100] =	vst v57  }
0x4e4: {  	v62 =	vld.idx.msk [tilespmem:v23+s1+$0x19C00], $0xffff;
	[tilespmem:s9+$0x17900] =	vst v61  }
0x4e5: {  	v27 =	vld.idx.msk [tilespmem:v23+s0+$0x19C00], $0xffff;
	[tilespmem:s10+$0x16100] =	vst v29  }
0x4e6: {  	v29 =	vld.idx.msk [tilespmem:v23+s28+$0x19C00], $0xffff;
	[tilespmem:s10+$0x17900] =	vst v25  }
0x4e7: {  	s25 =	sadd.s32 $0x1, s25;
	[tilespmem:s21+$0x16180] =	vst v59;
	v25 =	vld.idx.msk [tilespmem:v23+s28+$0x19F30], $0xffff  }
0x4e8: {  	p0 =	sne.s32 s25, $0x64;
	[tilespmem:s8+$0x16980] =	vst v63  }
.Ltmp3:
0x4e9: {  	s30 =	sshll.u32 s26, $0x12;
	[tilespmem:s23+$0x17180] =	vst v62;
	(pc) =	sbr.rel @p0 .LBB2_4-.Ltmp3, $4  }
0x4ea: {  	s0 =	sor.u32 s7, s30;
	[tilespmem:s9+$0x17980] =	vst v27  }
0x4eb: {  	s17 =	simm.s32 $0x400;
	s0 =	sshrl.u32 s0, $0x3;
	[tilespmem:s10+$0x16180] =	vst v29  }
0x4ec: {  	s3 =	simm.s32 $0x15A00;
	s31 =	simm.s32 $0x8000;
	s0 =	sadd.s32 s5, s0;
	[tilespmem:s10+$0x17980] =	vst v25  }
0x4ed: {  	[hbm4b:s0+s17] =	stream.strided.scatter [tilespmem:s3], [sflag:$0x4], $0x2000, s31, s17, $0x38;
	[tilespmem:$0x1BE00] =	vst v63  }
0x4ee: {  	s0 =	simm.s32 $0x3  }
0x4ef: {  	_ =	swait.ge [sflag:s0], $0x2000  }
0x4f0: {  	[sflag:s0] =	ssyncset.done $0x0  }
0x4f1: {  	s1 =	simm.s32 $0x4;
	[sflag:s0] =	ssyncadd.s32 $0xFFFFE000  }
0x4f2: {  	_ =	swait.ge [sflag:s1], $0x2000  }
0x4f3: {  	s3 =	rddreg [dreg:$0x6]  }
0x4f4: {  	s31 =	rddreg [dreg:$0x5];
	s3 =	sadd.s32 $0x1, s3  }
0x4f5: {  	p0 =	sne.s32 s3, s31  }
.Ltmp4:
0x4f6: {  	_ = 	snop;
	(pc) =	sbr.rel @p0 .LBB2_1-.Ltmp4, $3  }
0x4f7: {  	_ =	sdelay $0x1  }
0x4f8: {  	[sflag:s1] =	ssyncset.done $0x0  }
0x4f9: {  	[sflag:s1] =	ssyncadd.s32 $0xFFFFE000  }
0x4fa: {  	_ =	sfence.sel $0x180000  }
0x4fb: {  	[bflag:$0x0] =	sbarrier.arrive $0xFFFF  }
0x4fc: {  	_ =	strace $0x90000047  }
0x4fd: {  	s0 =	stileid.u32;
	[bflag:$0x2] =	sbarrier.arrive $0xFFFF  }
0x4fe: {  	p0 =	sne.s32 s0, $0x0;
	s0 =	rddreg [dreg:$0x2]  }
0x4ff: {  	s0 =	sadd.s32 @!p0 $0x100000, s0  }
0x500: {  	[sflag:s0] =	ssyncadd.tile.s32 @!p0 $0x1;
	_ =	shalt  }
.Lfunc_end2:
_tile_overlayer_lowered:
.L_overlay_start_2:
0x501: {  	(tag) =	ssettag $0x2  }
0x502: {  	s0 =	rddreg [dreg:$0x0];
	s2 =	stileid.u32  }
0x503: {  	s1 =	rddreg [dreg:$0x1];
	p0 =	sne.s32 s2, $0x0  }
0x504: {  	s3 =	rddreg [dreg:$0x2];
	[bflag:$0x3] =	sbarrier.arrive $0xFFFF;
	s2 =	simm.s32 @!p0 $0x1C05  }
0x505: {  	[timem:s3], [sflag:s2] =	dma.local @!p0 [hbm:s0], s1  }
0x506: {  	s0 =	simm.s32 @!p0 $0x5  }
0x507: {  	_ =	swait.ge @!p0 [sflag:s0], s1  }
0x508: {  	s1 =	ssub.s32 @!p0 $0x0, s1;
	[sflag:s0] =	ssyncset.done @!p0 $0x0  }
0x509: {  	[sflag:s0] =	ssyncadd.s32 @!p0 s1  }
0x50a: {  	[bflag:$0x3] =	sbarrier.arrive $0xFFFF  }
0x50b: {  	_ =	shalt  }

</sc_bundles>
